<compile_context>
chip_gen: v7x
topology: tpu7x:2x2x1
jax: 0.10.2.dev20260603
libtpu: 0.0.44.dev20260713+nightly
codegen_flags: <defaults>
</compile_context>

<pallas_src>
import jax
import jax.numpy as jnp
from jax import lax
from jax.experimental import pallas as pl
from jax.experimental.pallas import tpu as pltpu
from jax.experimental.pallas import tpu_sc as plsc

KNN = 5
HID = 128
RB = 256
NBLK = 8192 // RB


def _normalize_body(e_ref, v_ref):
    e = e_ref[...]
    ss = jnp.sum(e * e, axis=1, keepdims=True)
    nrm = jnp.sqrt(ss)
    v_ref[...] = e / jnp.maximum(nrm, 1e-12)


def _topk_body(vr_ref, vo_ref, idx_ref):
    i = pl.program_id(0)
    base = (1 - i // (NBLK // 2)) * 4096
    vr = vr_ref[...]
    vo = vo_ref[...]
    s = jax.lax.dot_general(vr, vo, (((1,), (1,)), ((), ())))
    cols = jax.lax.broadcasted_iota(jnp.int32, (RB, 4096), 1)
    rows = []
    for _ in range(KNN):
        m = jnp.max(s, axis=1, keepdims=True)
        hit = s >= m
        cand = jnp.where(hit, cols, 4096)
        idx_k = jnp.min(cand, axis=1)
        s = jnp.where(hit, -3.0, s)
        rows.append((idx_k + base).reshape(1, RB))
    idx_ref[...] = jnp.concatenate(rows, axis=0)


def _hm_body(emb_ref, w_ref, cnt_ref, m_ref, dinv_ref):
    emb = emb_ref[...]
    w = w_ref[...]
    h = jax.lax.dot_general(emb, w, (((1,), (1,)), ((), ())),
                            precision=jax.lax.Precision.HIGHEST)
    cnt = cnt_ref[0, :, 0:1] + cnt_ref[1, :, 0:1]
    deg = cnt + 1.0
    dinv = jax.lax.rsqrt(deg)
    dinv_ref[...] = dinv
    m_ref[...] = h * dinv


def _final_body(emb_ref, m_ref, acc_ref, dinv_ref, b_ref, aw_ref, ab_ref,
                out_ref, loss_ref, sacc):
    j = pl.program_id(0)
    emb = emb_ref[...]
    mm = m_ref[...]
    dinv = dinv_ref[...]
    accf = acc_ref[0] + acc_ref[1]
    updated = dinv * (accf + mm) + b_ref[...]

    aw = aw_ref[...]
    ab = ab_ref[0, 0]
    l0 = jnp.sum(emb * aw, axis=1, keepdims=True) + ab
    l1 = jnp.sum(updated * aw, axis=1, keepdims=True) + ab
    mx = jnp.maximum(l0, l1)
    a0 = jnp.exp(l0 - mx)
    a1 = jnp.exp(l1 - mx)
    inv = 1.0 / (a0 + a1)
    out = (a0 * inv) * emb + (a1 * inv) * updated
    out_ref[...] = out

    @pl.when(j == 0)
    def _():
        sacc[...] = jnp.zeros_like(sacc)

    rs = jnp.sum(out, axis=0, keepdims=True)

    @pl.when(j < 8)
    def _():
        sacc[0:1, :] += rs

    @pl.when(j >= 8)
    def _():
        sacc[1:2, :] += rs

    @pl.when(j == 15)
    def _():
        d = (sacc[0:1, :] - sacc[1:2, :]) * (1.0 / 4096.0)
        loss_ref[...] = jnp.sum(d * d, axis=1, keepdims=True)


def _deg_body(idx_hbm, zeros_hbm, ones_hbm, out_hbm, idxv, onesv, acc_sh):
    q = lax.axis_index("c")
    t = lax.axis_index("s")
    base = q * 4096 + t * 256
    pltpu.sync_copy(zeros_hbm.at[pl.ds(t * 512, 512)],
                    acc_sh.at[pl.ds(t * 512, 512)])
    pltpu.sync_copy(ones_hbm, onesv)
    for k in range(KNN):
        for c in range(2):
            pltpu.sync_copy(
                idx_hbm.at[pl.ds(k * 8192 + base + c * 128, 128)],
                idxv.at[k * 2 + c])
    plsc.subcore_barrier()
    for k in range(KNN):
        for c in range(2):
            pltpu.sync_copy(onesv, acc_sh.at[idxv.at[k * 2 + c]], add=True)
    plsc.subcore_barrier()
    pltpu.sync_copy(acc_sh.at[pl.ds(t * 512, 512)],
                    out_hbm.at[q, pl.ds(t * 512, 512)])


def _msg_body(idx_hbm, m_hbm, zeros_hbm, out_hbm, idxv, mv, acc_sh):
    q = lax.axis_index("c")
    t = lax.axis_index("s")
    base = q * 4096 + t * 256
    pltpu.sync_copy(zeros_hbm.at[pl.ds(t * 512, 512)],
                    acc_sh.at[pl.ds(t * 512, 512)])
    pltpu.sync_copy(m_hbm.at[pl.ds(base, 256)], mv)
    for k in range(KNN):
        for c in range(2):
            pltpu.sync_copy(
                idx_hbm.at[pl.ds(k * 8192 + base + c * 128, 128)],
                idxv.at[k * 2 + c])
    plsc.subcore_barrier()
    for k in range(KNN):
        for c in range(2):
            pltpu.sync_copy(mv.at[pl.ds(c * 128, 128)],
                            acc_sh.at[idxv.at[k * 2 + c]], add=True)
    plsc.subcore_barrier()
    pltpu.sync_copy(acc_sh.at[pl.ds(t * 512, 512)],
                    out_hbm.at[q, pl.ds(t * 512, 512)])


def kernel(src_feature_0, src_feature_1, src_embedding_0, src_embedding_1,
           src_y_0, src_y_1, src_graphlet_0, src_graphlet_1,
           W, b, attn_W, attn_b):
    emb = jnp.concatenate([src_embedding_0, src_embedding_1], axis=0)
    N = emb.shape[0]

    v = pl.pallas_call(
        _normalize_body,
        grid=(8,),
        in_specs=[pl.BlockSpec((1024, HID), lambda i: (i, 0))],
        out_specs=pl.BlockSpec((1024, HID), lambda i: (i, 0)),
        out_shape=jax.ShapeDtypeStruct((N, HID), jnp.float32),
    )(emb)

    idx_t = pl.pallas_call(
        _topk_body,
        grid=(NBLK,),
        in_specs=[
            pl.BlockSpec((RB, HID), lambda i: (i, 0)),
            pl.BlockSpec((4096, HID), lambda i: (1 - i // (NBLK // 2), 0)),
        ],
        out_specs=pl.BlockSpec((KNN, RB), lambda i: (0, i)),
        out_shape=jax.ShapeDtypeStruct((KNN, N), jnp.int32),
    )(v, v)

    mesh = plsc.VectorSubcoreMesh(core_axis_name="c", subcore_axis_name="s")
    idx_flat = idx_t.reshape(-1)
    zeros128 = jnp.zeros((N, HID), jnp.float32)
    ones128 = jnp.ones((128, HID), jnp.float32)
    cnt_part = pl.kernel(
        _deg_body,
        out_type=jax.ShapeDtypeStruct((2, N, HID), jnp.float32),
        mesh=mesh,
        scratch_types=[
            pltpu.VMEM((KNN * 2, 128), jnp.int32),
            pltpu.VMEM((128, HID), jnp.float32),
            pltpu.VMEM_SHARED((N, HID), jnp.float32),
        ],
    )(idx_flat, zeros128, ones128)

    m, dinv = pl.pallas_call(
        _hm_body,
        grid=(8,),
        in_specs=[
            pl.BlockSpec((1024, HID), lambda i: (i, 0)),
            pl.BlockSpec((HID, HID), lambda i: (0, 0)),
            pl.BlockSpec((2, 1024, HID), lambda i: (0, i, 0)),
        ],
        out_specs=[
            pl.BlockSpec((1024, HID), lambda i: (i, 0)),
            pl.BlockSpec((1024, 1), lambda i: (i, 0)),
        ],
        out_shape=[
            jax.ShapeDtypeStruct((N, HID), jnp.float32),
            jax.ShapeDtypeStruct((N, 1), jnp.float32),
        ],
    )(emb, W, cnt_part)

    acc = pl.kernel(
        _msg_body,
        out_type=jax.ShapeDtypeStruct((2, N, HID), jnp.float32),
        mesh=mesh,
        scratch_types=[
            pltpu.VMEM((KNN * 2, 128), jnp.int32),
            pltpu.VMEM((256, HID), jnp.float32),
            pltpu.VMEM_SHARED((N, HID), jnp.float32),
        ],
    )(idx_flat, m, zeros128)

    updated_emb, loss = pl.pallas_call(
        _final_body,
        grid=(16,),
        in_specs=[
            pl.BlockSpec((512, HID), lambda j: (j, 0)),
            pl.BlockSpec((512, HID), lambda j: (j, 0)),
            pl.BlockSpec((2, 512, HID), lambda j: (0, j, 0)),
            pl.BlockSpec((512, 1), lambda j: (j, 0)),
            pl.BlockSpec((1, HID), lambda j: (0, 0)),
            pl.BlockSpec((1, HID), lambda j: (0, 0)),
            pl.BlockSpec((1, 1), lambda j: (0, 0)),
        ],
        out_specs=[
            pl.BlockSpec((512, HID), lambda j: (j, 0)),
            pl.BlockSpec((1, 1), lambda j: (0, 0)),
        ],
        out_shape=[
            jax.ShapeDtypeStruct((N, HID), jnp.float32),
            jax.ShapeDtypeStruct((1, 1), jnp.float32),
        ],
        scratch_shapes=[pltpu.VMEM((2, HID), jnp.float32)],
    )(emb, m, acc, dinv, b.reshape(1, HID), attn_W.reshape(1, HID),
      attn_b.reshape(1, 1))

    return (loss[0, 0], updated_emb)

# --- scband reference (transcript-rebuilt; emitter-appended) ---
"""Pipeline reference for scband-cross-source-domain-mp-70858370450102 (READ-ONLY COPY).

The authoritative reference and input builder live on the scoring server;
editing this copy changes nothing except your own understanding.
"""

import jax, jax.numpy as jnp
import numpy as np

HID = 128
N0 = 4096
N1 = 4096
KNN = 5


def setup_inputs(seed: int = 0) -> dict:
    key = jax.random.key(seed)
    ks = jax.random.split(key, 12)
    return {
        "src_feature_0": jax.random.normal(ks[0], (N0, HID), dtype=jnp.float32),
        "src_feature_1": jax.random.normal(ks[1], (N1, HID), dtype=jnp.float32),
        "src_embedding_0": jax.random.normal(ks[2], (N0, HID), dtype=jnp.float32),
        "src_embedding_1": jax.random.normal(ks[3], (N1, HID), dtype=jnp.float32),
        "src_y_0": jax.random.randint(ks[4], (N0,), 0, 10, dtype=jnp.int32),
        "src_y_1": jax.random.randint(ks[5], (N1,), 0, 10, dtype=jnp.int32),
        "src_graphlet_0": jax.random.normal(ks[6], (N0, 16), dtype=jnp.float32),
        "src_graphlet_1": jax.random.normal(ks[7], (N1, 16), dtype=jnp.float32),
        "W": jax.random.normal(ks[8], (HID, HID), dtype=jnp.float32) * (1.0 / np.sqrt(HID)),
        "b": jnp.zeros((HID,), dtype=jnp.float32),
        "attn_W": jax.random.normal(ks[9], (1, HID), dtype=jnp.float32) * 0.1,
        "attn_b": jnp.zeros((1,), dtype=jnp.float32),
    }


def simple_mmd_kernel(x, y):
    # linear-kernel MMD: squared distance between domain means
    d = jnp.mean(x, axis=0) - jnp.mean(y, axis=0)
    return jnp.sum(d * d)


def reference(src_feature_0, src_feature_1, src_embedding_0, src_embedding_1,
              src_y_0, src_y_1, src_graphlet_0, src_graphlet_1,
              W, b, attn_W, attn_b):
    n0 = src_feature_0.shape[0]
    n1 = src_feature_1.shape[0]
    N = n0 + n1
    emb = jnp.vstack([src_embedding_0, src_embedding_1])

    # ---- construct (torch.no_grad) ----
    e = jax.lax.stop_gradient(emb)
    v = e / jnp.maximum(jnp.linalg.norm(e, axis=1, keepdims=True), 1e-12)
    adj = v @ v.T
    # zero out intra-domain blocks
    adj = adj.at[:n0, :n0].set(0.0)
    adj = adj.at[n0:, n0:].set(0.0)
    _, topk_idx = jax.lax.top_k(adj, KNN)
    sp_row = jnp.repeat(jnp.arange(N), KNN)
    sp_col = topk_idx.reshape(-1)

    # ---- GCNConv(hidden, hidden) ----
    sl = jnp.arange(N)
    row = jnp.concatenate([sp_row, sl])
    col = jnp.concatenate([sp_col, sl])
    deg = jnp.zeros((N,), dtype=jnp.float32).at[col].add(1.0)
    dinv = jnp.where(deg > 0, deg ** -0.5, 0.0)
    norm = dinv[row] * dinv[col]
    h = emb @ W.T
    updated = jnp.zeros((N, h.shape[1]), dtype=h.dtype).at[col].add(norm[:, None] * h[row]) + b

    # ---- Attention combine (cross_output='concat') ----
    stacked = jnp.stack([emb, updated], axis=1)  # [N, 2, H]
    logits = stacked @ attn_W.T + attn_b          # [N, 2, 1]
    wts = jax.nn.softmax(logits, axis=1)
    updated_emb = jnp.sum(stacked * wts, axis=1)

    # ---- src pair MMD loss ----
    e0 = updated_emb[:n0]
    e1 = updated_emb[n0:]
    loss = (simple_mmd_kernel(e0, e1) + simple_mmd_kernel(e1, e0)) / 2.0
    return (loss, updated_emb)

if __name__ == "__main__":
    import jax
    _d = setup_inputs()
    print(jax.jit(kernel)(*tuple(_d.values())))

</pallas_src>

<mosaic_0001>
#map = affine_map<(d0, d1) -> (0)>
#map1 = affine_map<(d0, d1) -> (0, 0)>
#map2 = affine_map<(d0, d1) -> (0, 0, 0)>
module attributes {stable_mosaic.version = 14 : i64} {
  func.func @_msg_body(%arg0: i32, %arg1: i32, %arg2: memref<40960xi32, #tpu.memory_space<hbm>>, %arg3: memref<8192x128xf32, #tpu.memory_space<hbm>>, %arg4: memref<8192x128xf32, #tpu.memory_space<hbm>>, %arg5: memref<2x8192x128xf32, #tpu.memory_space<hbm>>, %arg6: memref<10x128xi32, #tpu.memory_space<vmem>>, %arg7: memref<256x128xf32, #tpu.memory_space<vmem>>, %arg8: memref<8192x128xf32, #tpu.memory_space<vmem_shared>>) attributes {dimension_semantics = [#tpu.dimension_semantics<core_parallel>, #tpu.dimension_semantics<subcore_parallel>], iteration_bounds = array<i64: 2, 16>, scalar_prefetch = 0 : i64, scratch_operands = 3 : i64, tpu.core_type = #tpu.core_type<sc_vector_subcore>, window_params = [{transform_indices = #map}, {transform_indices = #map1}, {transform_indices = #map1}, {transform_indices = #map2}]} {
    %mul3A = arith.constant 4096 : i32
    %mul3A_0 = arith.muli %arg0, %mul3A : i32
    %mul3A_1 = arith.constant 256 : i32
    %mul3A_2 = arith.muli %arg1, %mul3A_1 : i32
    %add3A = arith.addi %mul3A_0, %mul3A_2 : i32
    %mul3A_3 = arith.constant 512 : i32
    %mul3A_4 = arith.muli %arg1, %mul3A_3 : i32
    %mul3A_5 = arith.constant 512 : i32
    %mul3A_6 = arith.muli %arg1, %mul3A_5 : i32
    "tpu.region"() ({
      %run_scoped3A_71 = tpu.sem_alloc : memref<!tpu.dma_semaphore, #tpu.memory_space<semaphore_mem>>
      %dma_start3A = arith.constant 0 : i32
      %dma_start3A_72 = tpu.memref_slice %arg8[%mul3A_6, %dma_start3A] : memref<8192x128xf32, #tpu.memory_space<vmem_shared>> -> memref<512x128xf32, #tpu.memory_space<vmem_shared>>
      %dma_start3A_73 = arith.constant 0 : i32
      %dma_start3A_74 = tpu.memref_slice %arg4[%mul3A_4, %dma_start3A_73] : memref<8192x128xf32, #tpu.memory_space<hbm>> -> memref<512x128xf32, #tpu.memory_space<hbm>>
      tpu.enqueue_dma source(%dma_start3A_74 : memref<512x128xf32, #tpu.memory_space<hbm>>) target(%dma_start3A_72 : memref<512x128xf32, #tpu.memory_space<vmem_shared>>) target_semaphore(%run_scoped3A_71 : memref<!tpu.dma_semaphore, #tpu.memory_space<semaphore_mem>>)
      %dma_wait3A = arith.constant 0 : i32
      %dma_wait3A_75 = tpu.memref_slice %arg8[%mul3A_6, %dma_wait3A] : memref<8192x128xf32, #tpu.memory_space<vmem_shared>> -> memref<512x128xf32, #tpu.memory_space<vmem_shared>>
      %dma_wait3A_76 = arith.constant 0 : i32
      %dma_wait3A_77 = tpu.memref_slice %arg4[%mul3A_4, %dma_wait3A_76] : memref<8192x128xf32, #tpu.memory_space<hbm>> -> memref<512x128xf32, #tpu.memory_space<hbm>>
      tpu.wait_dma2 semaphore(%run_scoped3A_71 : memref<!tpu.dma_semaphore, #tpu.memory_space<semaphore_mem>>) src(%dma_wait3A_77 : memref<512x128xf32, #tpu.memory_space<hbm>>) dst(%dma_wait3A_75 : memref<512x128xf32, #tpu.memory_space<vmem_shared>>)
      tpu.yield
    }) : () -> ()
    "tpu.region"() ({
      %run_scoped3A_71 = tpu.sem_alloc : memref<!tpu.dma_semaphore, #tpu.memory_space<semaphore_mem>>
      %dma_start3A = arith.constant 0 : i32
      %dma_start3A_72 = tpu.memref_slice %arg3[%add3A, %dma_start3A] : memref<8192x128xf32, #tpu.memory_space<hbm>> -> memref<256x128xf32, #tpu.memory_space<hbm>>
      %dma_start3A_73 = arith.constant 0 : i32
      %dma_start3A_74 = tpu.memref_slice %arg3[%add3A, %dma_start3A_73] : memref<8192x128xf32, #tpu.memory_space<hbm>> -> memref<256x128xf32, #tpu.memory_space<hbm>>
      tpu.enqueue_dma source(%dma_start3A_74 : memref<256x128xf32, #tpu.memory_space<hbm>>) target(%arg7 : memref<256x128xf32, #tpu.memory_space<vmem>>) target_semaphore(%run_scoped3A_71 : memref<!tpu.dma_semaphore, #tpu.memory_space<semaphore_mem>>)
      %dma_wait3A = arith.constant 0 : i32
      %dma_wait3A_75 = tpu.memref_slice %arg3[%add3A, %dma_wait3A] : memref<8192x128xf32, #tpu.memory_space<hbm>> -> memref<256x128xf32, #tpu.memory_space<hbm>>
      %dma_wait3A_76 = arith.constant 0 : i32
      %dma_wait3A_77 = tpu.memref_slice %arg3[%add3A, %dma_wait3A_76] : memref<8192x128xf32, #tpu.memory_space<hbm>> -> memref<256x128xf32, #tpu.memory_space<hbm>>
      tpu.wait_dma2 semaphore(%run_scoped3A_71 : memref<!tpu.dma_semaphore, #tpu.memory_space<semaphore_mem>>) src(%dma_wait3A_77 : memref<256x128xf32, #tpu.memory_space<hbm>>) dst(%arg7 : memref<256x128xf32, #tpu.memory_space<vmem>>)
      tpu.yield
    }) : () -> ()
    %add3A_7 = arith.constant 0 : i32
    %add3A_8 = arith.addi %add3A_7, %add3A : i32
    %add3A_9 = arith.constant 0 : i32
    %add3A_10 = arith.addi %add3A_8, %add3A_9 : i32
    %run_scoped3A = arith.constant 0 : i32
    "tpu.region"() ({
      %run_scoped3A_71 = tpu.sem_alloc : memref<!tpu.dma_semaphore, #tpu.memory_space<semaphore_mem>>
      %dma_start3A = arith.constant 0 : i32
      %dma_start3A_72 = tpu.memref_slice %arg6[%run_scoped3A, %dma_start3A] : memref<10x128xi32, #tpu.memory_space<vmem>> -> memref<1x128xi32, #tpu.memory_space<vmem>>
      %dma_start3A_73 = tpu.memref_squeeze %dma_start3A_72 : memref<1x128xi32, #tpu.memory_space<vmem>> -> memref<128xi32, #tpu.memory_space<vmem>>
      %dma_start3A_74 = tpu.memref_slice %arg2[%add3A_10] : memref<40960xi32, #tpu.memory_space<hbm>> -> memref<128xi32, #tpu.memory_space<hbm>>
      %dma_start3A_75 = arith.constant 0 : i32
      %dma_start3A_76 = tpu.memref_slice %arg6[%run_scoped3A, %dma_start3A_75] : memref<10x128xi32, #tpu.memory_space<vmem>> -> memref<1x128xi32, #tpu.memory_space<vmem>>
      %dma_start3A_77 = tpu.memref_squeeze %dma_start3A_76 : memref<1x128xi32, #tpu.memory_space<vmem>> -> memref<128xi32, #tpu.memory_space<vmem>>
      %dma_start3A_78 = tpu.memref_slice %arg2[%add3A_10] : memref<40960xi32, #tpu.memory_space<hbm>> -> memref<128xi32, #tpu.memory_space<hbm>>
      tpu.enqueue_dma source(%dma_start3A_78 : memref<128xi32, #tpu.memory_space<hbm>>) target(%dma_start3A_77 : memref<128xi32, #tpu.memory_space<vmem>>) target_semaphore(%run_scoped3A_71 : memref<!tpu.dma_semaphore, #tpu.memory_space<semaphore_mem>>)
      %dma_wait3A = arith.constant 0 : i32
      %dma_wait3A_79 = tpu.memref_slice %arg6[%run_scoped3A, %dma_wait3A] : memref<10x128xi32, #tpu.memory_space<vmem>> -> memref<1x128xi32, #tpu.memory_space<vmem>>
      %dma_wait3A_80 = tpu.memref_squeeze %dma_wait3A_79 : memref<1x128xi32, #tpu.memory_space<vmem>> -> memref<128xi32, #tpu.memory_space<vmem>>
      %dma_wait3A_81 = tpu.memref_slice %arg2[%add3A_10] : memref<40960xi32, #tpu.memory_space<hbm>> -> memref<128xi32, #tpu.memory_space<hbm>>
      %dma_wait3A_82 = arith.constant 0 : i32
      %dma_wait3A_83 = tpu.memref_slice %arg6[%run_scoped3A, %dma_wait3A_82] : memref<10x128xi32, #tpu.memory_space<vmem>> -> memref<1x128xi32, #tpu.memory_space<vmem>>
      %dma_wait3A_84 = tpu.memref_squeeze %dma_wait3A_83 : memref<1x128xi32, #tpu.memory_space<vmem>> -> memref<128xi32, #tpu.memory_space<vmem>>
      %dma_wait3A_85 = tpu.memref_slice %arg2[%add3A_10] : memref<40960xi32, #tpu.memory_space<hbm>> -> memref<128xi32, #tpu.memory_space<hbm>>
      tpu.wait_dma2 semaphore(%run_scoped3A_71 : memref<!tpu.dma_semaphore, #tpu.memory_space<semaphore_mem>>) src(%dma_wait3A_85 : memref<128xi32, #tpu.memory_space<hbm>>) dst(%dma_wait3A_84 : memref<128xi32, #tpu.memory_space<vmem>>)
      tpu.yield
    }) : () -> ()
    %add3A_11 = arith.constant 0 : i32
    %add3A_12 = arith.addi %add3A_11, %add3A : i32
    %add3A_13 = arith.constant 128 : i32
    %add3A_14 = arith.addi %add3A_12, %add3A_13 : i32
    %run_scoped3A_15 = arith.constant 1 : i32
    "tpu.region"() ({
      %run_scoped3A_71 = tpu.sem_alloc : memref<!tpu.dma_semaphore, #tpu.memory_space<semaphore_mem>>
      %dma_start3A = arith.constant 0 : i32
      %dma_start3A_72 = tpu.memref_slice %arg6[%run_scoped3A_15, %dma_start3A] : memref<10x128xi32, #tpu.memory_space<vmem>> -> memref<1x128xi32, #tpu.memory_space<vmem>>
      %dma_start3A_73 = tpu.memref_squeeze %dma_start3A_72 : memref<1x128xi32, #tpu.memory_space<vmem>> -> memref<128xi32, #tpu.memory_space<vmem>>
      %dma_start3A_74 = tpu.memref_slice %arg2[%add3A_14] : memref<40960xi32, #tpu.memory_space<hbm>> -> memref<128xi32, #tpu.memory_space<hbm>>
      %dma_start3A_75 = arith.constant 0 : i32
      %dma_start3A_76 = tpu.memref_slice %arg6[%run_scoped3A_15, %dma_start3A_75] : memref<10x128xi32, #tpu.memory_space<vmem>> -> memref<1x128xi32, #tpu.memory_space<vmem>>
      %dma_start3A_77 = tpu.memref_squeeze %dma_start3A_76 : memref<1x128xi32, #tpu.memory_space<vmem>> -> memref<128xi32, #tpu.memory_space<vmem>>
      %dma_start3A_78 = tpu.memref_slice %arg2[%add3A_14] : memref<40960xi32, #tpu.memory_space<hbm>> -> memref<128xi32, #tpu.memory_space<hbm>>
      tpu.enqueue_dma source(%dma_start3A_78 : memref<128xi32, #tpu.memory_space<hbm>>) target(%dma_start3A_77 : memref<128xi32, #tpu.memory_space<vmem>>) target_semaphore(%run_scoped3A_71 : memref<!tpu.dma_semaphore, #tpu.memory_space<semaphore_mem>>)
      %dma_wait3A = arith.constant 0 : i32
      %dma_wait3A_79 = tpu.memref_slice %arg6[%run_scoped3A_15, %dma_wait3A] : memref<10x128xi32, #tpu.memory_space<vmem>> -> memref<1x128xi32, #tpu.memory_space<vmem>>
      %dma_wait3A_80 = tpu.memref_squeeze %dma_wait3A_79 : memref<1x128xi32, #tpu.memory_space<vmem>> -> memref<128xi32, #tpu.memory_space<vmem>>
      %dma_wait3A_81 = tpu.memref_slice %arg2[%add3A_14] : memref<40960xi32, #tpu.memory_space<hbm>> -> memref<128xi32, #tpu.memory_space<hbm>>
      %dma_wait3A_82 = arith.constant 0 : i32
      %dma_wait3A_83 = tpu.memref_slice %arg6[%run_scoped3A_15, %dma_wait3A_82] : memref<10x128xi32, #tpu.memory_space<vmem>> -> memref<1x128xi32, #tpu.memory_space<vmem>>
      %dma_wait3A_84 = tpu.memref_squeeze %dma_wait3A_83 : memref<1x128xi32, #tpu.memory_space<vmem>> -> memref<128xi32, #tpu.memory_space<vmem>>
      %dma_wait3A_85 = tpu.memref_slice %arg2[%add3A_14] : memref<40960xi32, #tpu.memory_space<hbm>> -> memref<128xi32, #tpu.memory_space<hbm>>
      tpu.wait_dma2 semaphore(%run_scoped3A_71 : memref<!tpu.dma_semaphore, #tpu.memory_space<semaphore_mem>>) src(%dma_wait3A_85 : memref<128xi32, #tpu.memory_space<hbm>>) dst(%dma_wait3A_84 : memref<128xi32, #tpu.memory_space<vmem>>)
      tpu.yield
    }) : () -> ()
    %add3A_16 = arith.constant 8192 : i32
    %add3A_17 = arith.addi %add3A_16, %add3A : i32
    %add3A_18 = arith.constant 0 : i32
    %add3A_19 = arith.addi %add3A_17, %add3A_18 : i32
    %run_scoped3A_20 = arith.constant 2 : i32
    "tpu.region"() ({
      %run_scoped3A_71 = tpu.sem_alloc : memref<!tpu.dma_semaphore, #tpu.memory_space<semaphore_mem>>
      %dma_start3A = arith.constant 0 : i32
      %dma_start3A_72 = tpu.memref_slice %arg6[%run_scoped3A_20, %dma_start3A] : memref<10x128xi32, #tpu.memory_space<vmem>> -> memref<1x128xi32, #tpu.memory_space<vmem>>
      %dma_start3A_73 = tpu.memref_squeeze %dma_start3A_72 : memref<1x128xi32, #tpu.memory_space<vmem>> -> memref<128xi32, #tpu.memory_space<vmem>>
      %dma_start3A_74 = tpu.memref_slice %arg2[%add3A_19] : memref<40960xi32, #tpu.memory_space<hbm>> -> memref<128xi32, #tpu.memory_space<hbm>>
      %dma_start3A_75 = arith.constant 0 : i32
      %dma_start3A_76 = tpu.memref_slice %arg6[%run_scoped3A_20, %dma_start3A_75] : memref<10x128xi32, #tpu.memory_space<vmem>> -> memref<1x128xi32, #tpu.memory_space<vmem>>
      %dma_start3A_77 = tpu.memref_squeeze %dma_start3A_76 : memref<1x128xi32, #tpu.memory_space<vmem>> -> memref<128xi32, #tpu.memory_space<vmem>>
      %dma_start3A_78 = tpu.memref_slice %arg2[%add3A_19] : memref<40960xi32, #tpu.memory_space<hbm>> -> memref<128xi32, #tpu.memory_space<hbm>>
      tpu.enqueue_dma source(%dma_start3A_78 : memref<128xi32, #tpu.memory_space<hbm>>) target(%dma_start3A_77 : memref<128xi32, #tpu.memory_space<vmem>>) target_semaphore(%run_scoped3A_71 : memref<!tpu.dma_semaphore, #tpu.memory_space<semaphore_mem>>)
      %dma_wait3A = arith.constant 0 : i32
      %dma_wait3A_79 = tpu.memref_slice %arg6[%run_scoped3A_20, %dma_wait3A] : memref<10x128xi32, #tpu.memory_space<vmem>> -> memref<1x128xi32, #tpu.memory_space<vmem>>
      %dma_wait3A_80 = tpu.memref_squeeze %dma_wait3A_79 : memref<1x128xi32, #tpu.memory_space<vmem>> -> memref<128xi32, #tpu.memory_space<vmem>>
      %dma_wait3A_81 = tpu.memref_slice %arg2[%add3A_19] : memref<40960xi32, #tpu.memory_space<hbm>> -> memref<128xi32, #tpu.memory_space<hbm>>
      %dma_wait3A_82 = arith.constant 0 : i32
      %dma_wait3A_83 = tpu.memref_slice %arg6[%run_scoped3A_20, %dma_wait3A_82] : memref<10x128xi32, #tpu.memory_space<vmem>> -> memref<1x128xi32, #tpu.memory_space<vmem>>
      %dma_wait3A_84 = tpu.memref_squeeze %dma_wait3A_83 : memref<1x128xi32, #tpu.memory_space<vmem>> -> memref<128xi32, #tpu.memory_space<vmem>>
      %dma_wait3A_85 = tpu.memref_slice %arg2[%add3A_19] : memref<40960xi32, #tpu.memory_space<hbm>> -> memref<128xi32, #tpu.memory_space<hbm>>
      tpu.wait_dma2 semaphore(%run_scoped3A_71 : memref<!tpu.dma_semaphore, #tpu.memory_space<semaphore_mem>>) src(%dma_wait3A_85 : memref<128xi32, #tpu.memory_space<hbm>>) dst(%dma_wait3A_84 : memref<128xi32, #tpu.memory_space<vmem>>)
      tpu.yield
    }) : () -> ()
    %add3A_21 = arith.constant 8192 : i32
    %add3A_22 = arith.addi %add3A_21, %add3A : i32
    %add3A_23 = arith.constant 128 : i32
    %add3A_24 = arith.addi %add3A_22, %add3A_23 : i32
    %run_scoped3A_25 = arith.constant 3 : i32
    "tpu.region"() ({
      %run_scoped3A_71 = tpu.sem_alloc : memref<!tpu.dma_semaphore, #tpu.memory_space<semaphore_mem>>
      %dma_start3A = arith.constant 0 : i32
      %dma_start3A_72 = tpu.memref_slice %arg6[%run_scoped3A_25, %dma_start3A] : memref<10x128xi32, #tpu.memory_space<vmem>> -> memref<1x128xi32, #tpu.memory_space<vmem>>
      %dma_start3A_73 = tpu.memref_squeeze %dma_start3A_72 : memref<1x128xi32, #tpu.memory_space<vmem>> -> memref<128xi32, #tpu.memory_space<vmem>>
      %dma_start3A_74 = tpu.memref_slice %arg2[%add3A_24] : memref<40960xi32, #tpu.memory_space<hbm>> -> memref<128xi32, #tpu.memory_space<hbm>>
      %dma_start3A_75 = arith.constant 0 : i32
      %dma_start3A_76 = tpu.memref_slice %arg6[%run_scoped3A_25, %dma_start3A_75] : memref<10x128xi32, #tpu.memory_space<vmem>> -> memref<1x128xi32, #tpu.memory_space<vmem>>
      %dma_start3A_77 = tpu.memref_squeeze %dma_start3A_76 : memref<1x128xi32, #tpu.memory_space<vmem>> -> memref<128xi32, #tpu.memory_space<vmem>>
      %dma_start3A_78 = tpu.memref_slice %arg2[%add3A_24] : memref<40960xi32, #tpu.memory_space<hbm>> -> memref<128xi32, #tpu.memory_space<hbm>>
      tpu.enqueue_dma source(%dma_start3A_78 : memref<128xi32, #tpu.memory_space<hbm>>) target(%dma_start3A_77 : memref<128xi32, #tpu.memory_space<vmem>>) target_semaphore(%run_scoped3A_71 : memref<!tpu.dma_semaphore, #tpu.memory_space<semaphore_mem>>)
      %dma_wait3A = arith.constant 0 : i32
      %dma_wait3A_79 = tpu.memref_slice %arg6[%run_scoped3A_25, %dma_wait3A] : memref<10x128xi32, #tpu.memory_space<vmem>> -> memref<1x128xi32, #tpu.memory_space<vmem>>
      %dma_wait3A_80 = tpu.memref_squeeze %dma_wait3A_79 : memref<1x128xi32, #tpu.memory_space<vmem>> -> memref<128xi32, #tpu.memory_space<vmem>>
      %dma_wait3A_81 = tpu.memref_slice %arg2[%add3A_24] : memref<40960xi32, #tpu.memory_space<hbm>> -> memref<128xi32, #tpu.memory_space<hbm>>
      %dma_wait3A_82 = arith.constant 0 : i32
      %dma_wait3A_83 = tpu.memref_slice %arg6[%run_scoped3A_25, %dma_wait3A_82] : memref<10x128xi32, #tpu.memory_space<vmem>> -> memref<1x128xi32, #tpu.memory_space<vmem>>
      %dma_wait3A_84 = tpu.memref_squeeze %dma_wait3A_83 : memref<1x128xi32, #tpu.memory_space<vmem>> -> memref<128xi32, #tpu.memory_space<vmem>>
      %dma_wait3A_85 = tpu.memref_slice %arg2[%add3A_24] : memref<40960xi32, #tpu.memory_space<hbm>> -> memref<128xi32, #tpu.memory_space<hbm>>
      tpu.wait_dma2 semaphore(%run_scoped3A_71 : memref<!tpu.dma_semaphore, #tpu.memory_space<semaphore_mem>>) src(%dma_wait3A_85 : memref<128xi32, #tpu.memory_space<hbm>>) dst(%dma_wait3A_84 : memref<128xi32, #tpu.memory_space<vmem>>)
      tpu.yield
    }) : () -> ()
    %add3A_26 = arith.constant 16384 : i32
    %add3A_27 = arith.addi %add3A_26, %add3A : i32
    %add3A_28 = arith.constant 0 : i32
    %add3A_29 = arith.addi %add3A_27, %add3A_28 : i32
    %run_scoped3A_30 = arith.constant 4 : i32
    "tpu.region"() ({
      %run_scoped3A_71 = tpu.sem_alloc : memref<!tpu.dma_semaphore, #tpu.memory_space<semaphore_mem>>
      %dma_start3A = arith.constant 0 : i32
      %dma_start3A_72 = tpu.memref_slice %arg6[%run_scoped3A_30, %dma_start3A] : memref<10x128xi32, #tpu.memory_space<vmem>> -> memref<1x128xi32, #tpu.memory_space<vmem>>
      %dma_start3A_73 = tpu.memref_squeeze %dma_start3A_72 : memref<1x128xi32, #tpu.memory_space<vmem>> -> memref<128xi32, #tpu.memory_space<vmem>>
      %dma_start3A_74 = tpu.memref_slice %arg2[%add3A_29] : memref<40960xi32, #tpu.memory_space<hbm>> -> memref<128xi32, #tpu.memory_space<hbm>>
      %dma_start3A_75 = arith.constant 0 : i32
      %dma_start3A_76 = tpu.memref_slice %arg6[%run_scoped3A_30, %dma_start3A_75] : memref<10x128xi32, #tpu.memory_space<vmem>> -> memref<1x128xi32, #tpu.memory_space<vmem>>
      %dma_start3A_77 = tpu.memref_squeeze %dma_start3A_76 : memref<1x128xi32, #tpu.memory_space<vmem>> -> memref<128xi32, #tpu.memory_space<vmem>>
      %dma_start3A_78 = tpu.memref_slice %arg2[%add3A_29] : memref<40960xi32, #tpu.memory_space<hbm>> -> memref<128xi32, #tpu.memory_space<hbm>>
      tpu.enqueue_dma source(%dma_start3A_78 : memref<128xi32, #tpu.memory_space<hbm>>) target(%dma_start3A_77 : memref<128xi32, #tpu.memory_space<vmem>>) target_semaphore(%run_scoped3A_71 : memref<!tpu.dma_semaphore, #tpu.memory_space<semaphore_mem>>)
      %dma_wait3A = arith.constant 0 : i32
      %dma_wait3A_79 = tpu.memref_slice %arg6[%run_scoped3A_30, %dma_wait3A] : memref<10x128xi32, #tpu.memory_space<vmem>> -> memref<1x128xi32, #tpu.memory_space<vmem>>
      %dma_wait3A_80 = tpu.memref_squeeze %dma_wait3A_79 : memref<1x128xi32, #tpu.memory_space<vmem>> -> memref<128xi32, #tpu.memory_space<vmem>>
      %dma_wait3A_81 = tpu.memref_slice %arg2[%add3A_29] : memref<40960xi32, #tpu.memory_space<hbm>> -> memref<128xi32, #tpu.memory_space<hbm>>
      %dma_wait3A_82 = arith.constant 0 : i32
      %dma_wait3A_83 = tpu.memref_slice %arg6[%run_scoped3A_30, %dma_wait3A_82] : memref<10x128xi32, #tpu.memory_space<vmem>> -> memref<1x128xi32, #tpu.memory_space<vmem>>
      %dma_wait3A_84 = tpu.memref_squeeze %dma_wait3A_83 : memref<1x128xi32, #tpu.memory_space<vmem>> -> memref<128xi32, #tpu.memory_space<vmem>>
      %dma_wait3A_85 = tpu.memref_slice %arg2[%add3A_29] : memref<40960xi32, #tpu.memory_space<hbm>> -> memref<128xi32, #tpu.memory_space<hbm>>
      tpu.wait_dma2 semaphore(%run_scoped3A_71 : memref<!tpu.dma_semaphore, #tpu.memory_space<semaphore_mem>>) src(%dma_wait3A_85 : memref<128xi32, #tpu.memory_space<hbm>>) dst(%dma_wait3A_84 : memref<128xi32, #tpu.memory_space<vmem>>)
      tpu.yield
    }) : () -> ()
    %add3A_31 = arith.constant 16384 : i32
    %add3A_32 = arith.addi %add3A_31, %add3A : i32
    %add3A_33 = arith.constant 128 : i32
    %add3A_34 = arith.addi %add3A_32, %add3A_33 : i32
    %run_scoped3A_35 = arith.constant 5 : i32
    "tpu.region"() ({
      %run_scoped3A_71 = tpu.sem_alloc : memref<!tpu.dma_semaphore, #tpu.memory_space<semaphore_mem>>
      %dma_start3A = arith.constant 0 : i32
      %dma_start3A_72 = tpu.memref_slice %arg6[%run_scoped3A_35, %dma_start3A] : memref<10x128xi32, #tpu.memory_space<vmem>> -> memref<1x128xi32, #tpu.memory_space<vmem>>
      %dma_start3A_73 = tpu.memref_squeeze %dma_start3A_72 : memref<1x128xi32, #tpu.memory_space<vmem>> -> memref<128xi32, #tpu.memory_space<vmem>>
      %dma_start3A_74 = tpu.memref_slice %arg2[%add3A_34] : memref<40960xi32, #tpu.memory_space<hbm>> -> memref<128xi32, #tpu.memory_space<hbm>>
      %dma_start3A_75 = arith.constant 0 : i32
      %dma_start3A_76 = tpu.memref_slice %arg6[%run_scoped3A_35, %dma_start3A_75] : memref<10x128xi32, #tpu.memory_space<vmem>> -> memref<1x128xi32, #tpu.memory_space<vmem>>
      %dma_start3A_77 = tpu.memref_squeeze %dma_start3A_76 : memref<1x128xi32, #tpu.memory_space<vmem>> -> memref<128xi32, #tpu.memory_space<vmem>>
      %dma_start3A_78 = tpu.memref_slice %arg2[%add3A_34] : memref<40960xi32, #tpu.memory_space<hbm>> -> memref<128xi32, #tpu.memory_space<hbm>>
      tpu.enqueue_dma source(%dma_start3A_78 : memref<128xi32, #tpu.memory_space<hbm>>) target(%dma_start3A_77 : memref<128xi32, #tpu.memory_space<vmem>>) target_semaphore(%run_scoped3A_71 : memref<!tpu.dma_semaphore, #tpu.memory_space<semaphore_mem>>)
      %dma_wait3A = arith.constant 0 : i32
      %dma_wait3A_79 = tpu.memref_slice %arg6[%run_scoped3A_35, %dma_wait3A] : memref<10x128xi32, #tpu.memory_space<vmem>> -> memref<1x128xi32, #tpu.memory_space<vmem>>
      %dma_wait3A_80 = tpu.memref_squeeze %dma_wait3A_79 : memref<1x128xi32, #tpu.memory_space<vmem>> -> memref<128xi32, #tpu.memory_space<vmem>>
      %dma_wait3A_81 = tpu.memref_slice %arg2[%add3A_34] : memref<40960xi32, #tpu.memory_space<hbm>> -> memref<128xi32, #tpu.memory_space<hbm>>
      %dma_wait3A_82 = arith.constant 0 : i32
      %dma_wait3A_83 = tpu.memref_slice %arg6[%run_scoped3A_35, %dma_wait3A_82] : memref<10x128xi32, #tpu.memory_space<vmem>> -> memref<1x128xi32, #tpu.memory_space<vmem>>
      %dma_wait3A_84 = tpu.memref_squeeze %dma_wait3A_83 : memref<1x128xi32, #tpu.memory_space<vmem>> -> memref<128xi32, #tpu.memory_space<vmem>>
      %dma_wait3A_85 = tpu.memref_slice %arg2[%add3A_34] : memref<40960xi32, #tpu.memory_space<hbm>> -> memref<128xi32, #tpu.memory_space<hbm>>
      tpu.wait_dma2 semaphore(%run_scoped3A_71 : memref<!tpu.dma_semaphore, #tpu.memory_space<semaphore_mem>>) src(%dma_wait3A_85 : memref<128xi32, #tpu.memory_space<hbm>>) dst(%dma_wait3A_84 : memref<128xi32, #tpu.memory_space<vmem>>)
      tpu.yield
    }) : () -> ()
    %add3A_36 = arith.constant 24576 : i32
    %add3A_37 = arith.addi %add3A_36, %add3A : i32
    %add3A_38 = arith.constant 0 : i32
    %add3A_39 = arith.addi %add3A_37, %add3A_38 : i32
    %run_scoped3A_40 = arith.constant 6 : i32
    "tpu.region"() ({
      %run_scoped3A_71 = tpu.sem_alloc : memref<!tpu.dma_semaphore, #tpu.memory_space<semaphore_mem>>
      %dma_start3A = arith.constant 0 : i32
      %dma_start3A_72 = tpu.memref_slice %arg6[%run_scoped3A_40, %dma_start3A] : memref<10x128xi32, #tpu.memory_space<vmem>> -> memref<1x128xi32, #tpu.memory_space<vmem>>
      %dma_start3A_73 = tpu.memref_squeeze %dma_start3A_72 : memref<1x128xi32, #tpu.memory_space<vmem>> -> memref<128xi32, #tpu.memory_space<vmem>>
      %dma_start3A_74 = tpu.memref_slice %arg2[%add3A_39] : memref<40960xi32, #tpu.memory_space<hbm>> -> memref<128xi32, #tpu.memory_space<hbm>>
      %dma_start3A_75 = arith.constant 0 : i32
      %dma_start3A_76 = tpu.memref_slice %arg6[%run_scoped3A_40, %dma_start3A_75] : memref<10x128xi32, #tpu.memory_space<vmem>> -> memref<1x128xi32, #tpu.memory_space<vmem>>
      %dma_start3A_77 = tpu.memref_squeeze %dma_start3A_76 : memref<1x128xi32, #tpu.memory_space<vmem>> -> memref<128xi32, #tpu.memory_space<vmem>>
      %dma_start3A_78 = tpu.memref_slice %arg2[%add3A_39] : memref<40960xi32, #tpu.memory_space<hbm>> -> memref<128xi32, #tpu.memory_space<hbm>>
      tpu.enqueue_dma source(%dma_start3A_78 : memref<128xi32, #tpu.memory_space<hbm>>) target(%dma_start3A_77 : memref<128xi32, #tpu.memory_space<vmem>>) target_semaphore(%run_scoped3A_71 : memref<!tpu.dma_semaphore, #tpu.memory_space<semaphore_mem>>)
      %dma_wait3A = arith.constant 0 : i32
      %dma_wait3A_79 = tpu.memref_slice %arg6[%run_scoped3A_40, %dma_wait3A] : memref<10x128xi32, #tpu.memory_space<vmem>> -> memref<1x128xi32, #tpu.memory_space<vmem>>
      %dma_wait3A_80 = tpu.memref_squeeze %dma_wait3A_79 : memref<1x128xi32, #tpu.memory_space<vmem>> -> memref<128xi32, #tpu.memory_space<vmem>>
      %dma_wait3A_81 = tpu.memref_slice %arg2[%add3A_39] : memref<40960xi32, #tpu.memory_space<hbm>> -> memref<128xi32, #tpu.memory_space<hbm>>
      %dma_wait3A_82 = arith.constant 0 : i32
      %dma_wait3A_83 = tpu.memref_slice %arg6[%run_scoped3A_40, %dma_wait3A_82] : memref<10x128xi32, #tpu.memory_space<vmem>> -> memref<1x128xi32, #tpu.memory_space<vmem>>
      %dma_wait3A_84 = tpu.memref_squeeze %dma_wait3A_83 : memref<1x128xi32, #tpu.memory_space<vmem>> -> memref<128xi32, #tpu.memory_space<vmem>>
      %dma_wait3A_85 = tpu.memref_slice %arg2[%add3A_39] : memref<40960xi32, #tpu.memory_space<hbm>> -> memref<128xi32, #tpu.memory_space<hbm>>
      tpu.wait_dma2 semaphore(%run_scoped3A_71 : memref<!tpu.dma_semaphore, #tpu.memory_space<semaphore_mem>>) src(%dma_wait3A_85 : memref<128xi32, #tpu.memory_space<hbm>>) dst(%dma_wait3A_84 : memref<128xi32, #tpu.memory_space<vmem>>)
      tpu.yield
    }) : () -> ()
    %add3A_41 = arith.constant 24576 : i32
    %add3A_42 = arith.addi %add3A_41, %add3A : i32
    %add3A_43 = arith.constant 128 : i32
    %add3A_44 = arith.addi %add3A_42, %add3A_43 : i32
    %run_scoped3A_45 = arith.constant 7 : i32
    "tpu.region"() ({
      %run_scoped3A_71 = tpu.sem_alloc : memref<!tpu.dma_semaphore, #tpu.memory_space<semaphore_mem>>
      %dma_start3A = arith.constant 0 : i32
      %dma_start3A_72 = tpu.memref_slice %arg6[%run_scoped3A_45, %dma_start3A] : memref<10x128xi32, #tpu.memory_space<vmem>> -> memref<1x128xi32, #tpu.memory_space<vmem>>
      %dma_start3A_73 = tpu.memref_squeeze %dma_start3A_72 : memref<1x128xi32, #tpu.memory_space<vmem>> -> memref<128xi32, #tpu.memory_space<vmem>>
      %dma_start3A_74 = tpu.memref_slice %arg2[%add3A_44] : memref<40960xi32, #tpu.memory_space<hbm>> -> memref<128xi32, #tpu.memory_space<hbm>>
      %dma_start3A_75 = arith.constant 0 : i32
      %dma_start3A_76 = tpu.memref_slice %arg6[%run_scoped3A_45, %dma_start3A_75] : memref<10x128xi32, #tpu.memory_space<vmem>> -> memref<1x128xi32, #tpu.memory_space<vmem>>
      %dma_start3A_77 = tpu.memref_squeeze %dma_start3A_76 : memref<1x128xi32, #tpu.memory_space<vmem>> -> memref<128xi32, #tpu.memory_space<vmem>>
      %dma_start3A_78 = tpu.memref_slice %arg2[%add3A_44] : memref<40960xi32, #tpu.memory_space<hbm>> -> memref<128xi32, #tpu.memory_space<hbm>>
      tpu.enqueue_dma source(%dma_start3A_78 : memref<128xi32, #tpu.memory_space<hbm>>) target(%dma_start3A_77 : memref<128xi32, #tpu.memory_space<vmem>>) target_semaphore(%run_scoped3A_71 : memref<!tpu.dma_semaphore, #tpu.memory_space<semaphore_mem>>)
      %dma_wait3A = arith.constant 0 : i32
      %dma_wait3A_79 = tpu.memref_slice %arg6[%run_scoped3A_45, %dma_wait3A] : memref<10x128xi32, #tpu.memory_space<vmem>> -> memref<1x128xi32, #tpu.memory_space<vmem>>
      %dma_wait3A_80 = tpu.memref_squeeze %dma_wait3A_79 : memref<1x128xi32, #tpu.memory_space<vmem>> -> memref<128xi32, #tpu.memory_space<vmem>>
      %dma_wait3A_81 = tpu.memref_slice %arg2[%add3A_44] : memref<40960xi32, #tpu.memory_space<hbm>> -> memref<128xi32, #tpu.memory_space<hbm>>
      %dma_wait3A_82 = arith.constant 0 : i32
      %dma_wait3A_83 = tpu.memref_slice %arg6[%run_scoped3A_45, %dma_wait3A_82] : memref<10x128xi32, #tpu.memory_space<vmem>> -> memref<1x128xi32, #tpu.memory_space<vmem>>
      %dma_wait3A_84 = tpu.memref_squeeze %dma_wait3A_83 : memref<1x128xi32, #tpu.memory_space<vmem>> -> memref<128xi32, #tpu.memory_space<vmem>>
      %dma_wait3A_85 = tpu.memref_slice %arg2[%add3A_44] : memref<40960xi32, #tpu.memory_space<hbm>> -> memref<128xi32, #tpu.memory_space<hbm>>
      tpu.wait_dma2 semaphore(%run_scoped3A_71 : memref<!tpu.dma_semaphore, #tpu.memory_space<semaphore_mem>>) src(%dma_wait3A_85 : memref<128xi32, #tpu.memory_space<hbm>>) dst(%dma_wait3A_84 : memref<128xi32, #tpu.memory_space<vmem>>)
      tpu.yield
    }) : () -> ()
    %add3A_46 = arith.constant 32768 : i32
    %add3A_47 = arith.addi %add3A_46, %add3A : i32
    %add3A_48 = arith.constant 0 : i32
    %add3A_49 = arith.addi %add3A_47, %add3A_48 : i32
    %run_scoped3A_50 = arith.constant 8 : i32
    "tpu.region"() ({
      %run_scoped3A_71 = tpu.sem_alloc : memref<!tpu.dma_semaphore, #tpu.memory_space<semaphore_mem>>
      %dma_start3A = arith.constant 0 : i32
      %dma_start3A_72 = tpu.memref_slice %arg6[%run_scoped3A_50, %dma_start3A] : memref<10x128xi32, #tpu.memory_space<vmem>> -> memref<1x128xi32, #tpu.memory_space<vmem>>
      %dma_start3A_73 = tpu.memref_squeeze %dma_start3A_72 : memref<1x128xi32, #tpu.memory_space<vmem>> -> memref<128xi32, #tpu.memory_space<vmem>>
      %dma_start3A_74 = tpu.memref_slice %arg2[%add3A_49] : memref<40960xi32, #tpu.memory_space<hbm>> -> memref<128xi32, #tpu.memory_space<hbm>>
      %dma_start3A_75 = arith.constant 0 : i32
      %dma_start3A_76 = tpu.memref_slice %arg6[%run_scoped3A_50, %dma_start3A_75] : memref<10x128xi32, #tpu.memory_space<vmem>> -> memref<1x128xi32, #tpu.memory_space<vmem>>
      %dma_start3A_77 = tpu.memref_squeeze %dma_start3A_76 : memref<1x128xi32, #tpu.memory_space<vmem>> -> memref<128xi32, #tpu.memory_space<vmem>>
      %dma_start3A_78 = tpu.memref_slice %arg2[%add3A_49] : memref<40960xi32, #tpu.memory_space<hbm>> -> memref<128xi32, #tpu.memory_space<hbm>>
      tpu.enqueue_dma source(%dma_start3A_78 : memref<128xi32, #tpu.memory_space<hbm>>) target(%dma_start3A_77 : memref<128xi32, #tpu.memory_space<vmem>>) target_semaphore(%run_scoped3A_71 : memref<!tpu.dma_semaphore, #tpu.memory_space<semaphore_mem>>)
      %dma_wait3A = arith.constant 0 : i32
      %dma_wait3A_79 = tpu.memref_slice %arg6[%run_scoped3A_50, %dma_wait3A] : memref<10x128xi32, #tpu.memory_space<vmem>> -> memref<1x128xi32, #tpu.memory_space<vmem>>
      %dma_wait3A_80 = tpu.memref_squeeze %dma_wait3A_79 : memref<1x128xi32, #tpu.memory_space<vmem>> -> memref<128xi32, #tpu.memory_space<vmem>>
      %dma_wait3A_81 = tpu.memref_slice %arg2[%add3A_49] : memref<40960xi32, #tpu.memory_space<hbm>> -> memref<128xi32, #tpu.memory_space<hbm>>
      %dma_wait3A_82 = arith.constant 0 : i32
      %dma_wait3A_83 = tpu.memref_slice %arg6[%run_scoped3A_50, %dma_wait3A_82] : memref<10x128xi32, #tpu.memory_space<vmem>> -> memref<1x128xi32, #tpu.memory_space<vmem>>
      %dma_wait3A_84 = tpu.memref_squeeze %dma_wait3A_83 : memref<1x128xi32, #tpu.memory_space<vmem>> -> memref<128xi32, #tpu.memory_space<vmem>>
      %dma_wait3A_85 = tpu.memref_slice %arg2[%add3A_49] : memref<40960xi32, #tpu.memory_space<hbm>> -> memref<128xi32, #tpu.memory_space<hbm>>
      tpu.wait_dma2 semaphore(%run_scoped3A_71 : memref<!tpu.dma_semaphore, #tpu.memory_space<semaphore_mem>>) src(%dma_wait3A_85 : memref<128xi32, #tpu.memory_space<hbm>>) dst(%dma_wait3A_84 : memref<128xi32, #tpu.memory_space<vmem>>)
      tpu.yield
    }) : () -> ()
    %add3A_51 = arith.constant 32768 : i32
    %add3A_52 = arith.addi %add3A_51, %add3A : i32
    %add3A_53 = arith.constant 128 : i32
    %add3A_54 = arith.addi %add3A_52, %add3A_53 : i32
    %run_scoped3A_55 = arith.constant 9 : i32
    "tpu.region"() ({
      %run_scoped3A_71 = tpu.sem_alloc : memref<!tpu.dma_semaphore, #tpu.memory_space<semaphore_mem>>
      %dma_start3A = arith.constant 0 : i32
      %dma_start3A_72 = tpu.memref_slice %arg6[%run_scoped3A_55, %dma_start3A] : memref<10x128xi32, #tpu.memory_space<vmem>> -> memref<1x128xi32, #tpu.memory_space<vmem>>
      %dma_start3A_73 = tpu.memref_squeeze %dma_start3A_72 : memref<1x128xi32, #tpu.memory_space<vmem>> -> memref<128xi32, #tpu.memory_space<vmem>>
      %dma_start3A_74 = tpu.memref_slice %arg2[%add3A_54] : memref<40960xi32, #tpu.memory_space<hbm>> -> memref<128xi32, #tpu.memory_space<hbm>>
      %dma_start3A_75 = arith.constant 0 : i32
      %dma_start3A_76 = tpu.memref_slice %arg6[%run_scoped3A_55, %dma_start3A_75] : memref<10x128xi32, #tpu.memory_space<vmem>> -> memref<1x128xi32, #tpu.memory_space<vmem>>
      %dma_start3A_77 = tpu.memref_squeeze %dma_start3A_76 : memref<1x128xi32, #tpu.memory_space<vmem>> -> memref<128xi32, #tpu.memory_space<vmem>>
      %dma_start3A_78 = tpu.memref_slice %arg2[%add3A_54] : memref<40960xi32, #tpu.memory_space<hbm>> -> memref<128xi32, #tpu.memory_space<hbm>>
      tpu.enqueue_dma source(%dma_start3A_78 : memref<128xi32, #tpu.memory_space<hbm>>) target(%dma_start3A_77 : memref<128xi32, #tpu.memory_space<vmem>>) target_semaphore(%run_scoped3A_71 : memref<!tpu.dma_semaphore, #tpu.memory_space<semaphore_mem>>)
      %dma_wait3A = arith.constant 0 : i32
      %dma_wait3A_79 = tpu.memref_slice %arg6[%run_scoped3A_55, %dma_wait3A] : memref<10x128xi32, #tpu.memory_space<vmem>> -> memref<1x128xi32, #tpu.memory_space<vmem>>
      %dma_wait3A_80 = tpu.memref_squeeze %dma_wait3A_79 : memref<1x128xi32, #tpu.memory_space<vmem>> -> memref<128xi32, #tpu.memory_space<vmem>>
      %dma_wait3A_81 = tpu.memref_slice %arg2[%add3A_54] : memref<40960xi32, #tpu.memory_space<hbm>> -> memref<128xi32, #tpu.memory_space<hbm>>
      %dma_wait3A_82 = arith.constant 0 : i32
      %dma_wait3A_83 = tpu.memref_slice %arg6[%run_scoped3A_55, %dma_wait3A_82] : memref<10x128xi32, #tpu.memory_space<vmem>> -> memref<1x128xi32, #tpu.memory_space<vmem>>
      %dma_wait3A_84 = tpu.memref_squeeze %dma_wait3A_83 : memref<1x128xi32, #tpu.memory_space<vmem>> -> memref<128xi32, #tpu.memory_space<vmem>>
      %dma_wait3A_85 = tpu.memref_slice %arg2[%add3A_54] : memref<40960xi32, #tpu.memory_space<hbm>> -> memref<128xi32, #tpu.memory_space<hbm>>
      tpu.wait_dma2 semaphore(%run_scoped3A_71 : memref<!tpu.dma_semaphore, #tpu.memory_space<semaphore_mem>>) src(%dma_wait3A_85 : memref<128xi32, #tpu.memory_space<hbm>>) dst(%dma_wait3A_84 : memref<128xi32, #tpu.memory_space<vmem>>)
      tpu.yield
    }) : () -> ()
    %barrier3A = arith.constant 0 : index
    tpu.barrier barrier_id(%barrier3A)
    %run_scoped3A_56 = arith.constant 0 : i32
    "tpu.region"() ({
      %run_scoped3A_71 = tpu.sem_alloc : memref<!tpu.dma_semaphore, #tpu.memory_space<semaphore_mem>>
      %dma_start3A = arith.constant 0 : i32
      %dma_start3A_72 = arith.constant 0 : i32
      %dma_start3A_73 = tpu.memref_slice %arg7[%dma_start3A, %dma_start3A_72] : memref<256x128xf32, #tpu.memory_space<vmem>> -> memref<128x128xf32, #tpu.memory_space<vmem>>
      %dma_start3A_74 = arith.constant 0 : i32
      %dma_start3A_75 = tpu.memref_slice %arg6[%run_scoped3A_56, %dma_start3A_74] : memref<10x128xi32, #tpu.memory_space<vmem>> -> memref<1x128xi32, #tpu.memory_space<vmem>>
      %dma_start3A_76 = tpu.memref_squeeze %dma_start3A_75 : memref<1x128xi32, #tpu.memory_space<vmem>> -> memref<128xi32, #tpu.memory_space<vmem>>
      %dma_start3A_77 = arith.constant 0 : i32
      %dma_start3A_78 = arith.constant 0 : i32
      %dma_start3A_79 = tpu.memref_slice %arg8[%dma_start3A_77, %dma_start3A_78] : memref<8192x128xf32, #tpu.memory_space<vmem_shared>> -> memref<8192x128xf32, #tpu.memory_space<vmem_shared>>
      tpu.enqueue_indirect_dma source(%dma_start3A_73 : memref<128x128xf32, #tpu.memory_space<vmem>>) target(%dma_start3A_79 : memref<8192x128xf32, #tpu.memory_space<vmem_shared>>) offsets(%dma_start3A_76 : memref<128xi32, #tpu.memory_space<vmem>>) semaphore(%run_scoped3A_71 : memref<!tpu.dma_semaphore, #tpu.memory_space<semaphore_mem>>) {add = true}
      %dma_wait3A = arith.constant 0 : i32
      %dma_wait3A_80 = arith.constant 0 : i32
      %dma_wait3A_81 = tpu.memref_slice %arg7[%dma_wait3A, %dma_wait3A_80] : memref<256x128xf32, #tpu.memory_space<vmem>> -> memref<128x128xf32, #tpu.memory_space<vmem>>
      %dma_wait3A_82 = arith.constant 0 : i32
      %dma_wait3A_83 = tpu.memref_slice %arg6[%run_scoped3A_56, %dma_wait3A_82] : memref<10x128xi32, #tpu.memory_space<vmem>> -> memref<1x128xi32, #tpu.memory_space<vmem>>
      %dma_wait3A_84 = tpu.memref_squeeze %dma_wait3A_83 : memref<1x128xi32, #tpu.memory_space<vmem>> -> memref<128xi32, #tpu.memory_space<vmem>>
      %dma_wait3A_85 = arith.constant 0 : i32
      %dma_wait3A_86 = arith.constant 0 : i32
      %dma_wait3A_87 = tpu.memref_slice %arg8[%dma_wait3A_85, %dma_wait3A_86] : memref<8192x128xf32, #tpu.memory_space<vmem_shared>> -> memref<8192x128xf32, #tpu.memory_space<vmem_shared>>
      tpu.wait_indirect_dma semaphore(%run_scoped3A_71 : memref<!tpu.dma_semaphore, #tpu.memory_space<semaphore_mem>>) src(%dma_wait3A_81 : memref<128x128xf32, #tpu.memory_space<vmem>>) dst(%dma_wait3A_87 : memref<8192x128xf32, #tpu.memory_space<vmem_shared>>)
      tpu.yield
    }) : () -> ()
    %run_scoped3A_57 = arith.constant 1 : i32
    "tpu.region"() ({
      %run_scoped3A_71 = tpu.sem_alloc : memref<!tpu.dma_semaphore, #tpu.memory_space<semaphore_mem>>
      %dma_start3A = arith.constant 128 : i32
      %dma_start3A_72 = arith.constant 0 : i32
      %dma_start3A_73 = tpu.memref_slice %arg7[%dma_start3A, %dma_start3A_72] : memref<256x128xf32, #tpu.memory_space<vmem>> -> memref<128x128xf32, #tpu.memory_space<vmem>>
      %dma_start3A_74 = arith.constant 0 : i32
      %dma_start3A_75 = tpu.memref_slice %arg6[%run_scoped3A_57, %dma_start3A_74] : memref<10x128xi32, #tpu.memory_space<vmem>> -> memref<1x128xi32, #tpu.memory_space<vmem>>
      %dma_start3A_76 = tpu.memref_squeeze %dma_start3A_75 : memref<1x128xi32, #tpu.memory_space<vmem>> -> memref<128xi32, #tpu.memory_space<vmem>>
      %dma_start3A_77 = arith.constant 0 : i32
      %dma_start3A_78 = arith.constant 0 : i32
      %dma_start3A_79 = tpu.memref_slice %arg8[%dma_start3A_77, %dma_start3A_78] : memref<8192x128xf32, #tpu.memory_space<vmem_shared>> -> memref<8192x128xf32, #tpu.memory_space<vmem_shared>>
      tpu.enqueue_indirect_dma source(%dma_start3A_73 : memref<128x128xf32, #tpu.memory_space<vmem>>) target(%dma_start3A_79 : memref<8192x128xf32, #tpu.memory_space<vmem_shared>>) offsets(%dma_start3A_76 : memref<128xi32, #tpu.memory_space<vmem>>) semaphore(%run_scoped3A_71 : memref<!tpu.dma_semaphore, #tpu.memory_space<semaphore_mem>>) {add = true}
      %dma_wait3A = arith.constant 128 : i32
      %dma_wait3A_80 = arith.constant 0 : i32
      %dma_wait3A_81 = tpu.memref_slice %arg7[%dma_wait3A, %dma_wait3A_80] : memref<256x128xf32, #tpu.memory_space<vmem>> -> memref<128x128xf32, #tpu.memory_space<vmem>>
      %dma_wait3A_82 = arith.constant 0 : i32
      %dma_wait3A_83 = tpu.memref_slice %arg6[%run_scoped3A_57, %dma_wait3A_82] : memref<10x128xi32, #tpu.memory_space<vmem>> -> memref<1x128xi32, #tpu.memory_space<vmem>>
      %dma_wait3A_84 = tpu.memref_squeeze %dma_wait3A_83 : memref<1x128xi32, #tpu.memory_space<vmem>> -> memref<128xi32, #tpu.memory_space<vmem>>
      %dma_wait3A_85 = arith.constant 0 : i32
      %dma_wait3A_86 = arith.constant 0 : i32
      %dma_wait3A_87 = tpu.memref_slice %arg8[%dma_wait3A_85, %dma_wait3A_86] : memref<8192x128xf32, #tpu.memory_space<vmem_shared>> -> memref<8192x128xf32, #tpu.memory_space<vmem_shared>>
      tpu.wait_indirect_dma semaphore(%run_scoped3A_71 : memref<!tpu.dma_semaphore, #tpu.memory_space<semaphore_mem>>) src(%dma_wait3A_81 : memref<128x128xf32, #tpu.memory_space<vmem>>) dst(%dma_wait3A_87 : memref<8192x128xf32, #tpu.memory_space<vmem_shared>>)
      tpu.yield
    }) : () -> ()
    %run_scoped3A_58 = arith.constant 2 : i32
    "tpu.region"() ({
      %run_scoped3A_71 = tpu.sem_alloc : memref<!tpu.dma_semaphore, #tpu.memory_space<semaphore_mem>>
      %dma_start3A = arith.constant 0 : i32
      %dma_start3A_72 = arith.constant 0 : i32
      %dma_start3A_73 = tpu.memref_slice %arg7[%dma_start3A, %dma_start3A_72] : memref<256x128xf32, #tpu.memory_space<vmem>> -> memref<128x128xf32, #tpu.memory_space<vmem>>
      %dma_start3A_74 = arith.constant 0 : i32
      %dma_start3A_75 = tpu.memref_slice %arg6[%run_scoped3A_58, %dma_start3A_74] : memref<10x128xi32, #tpu.memory_space<vmem>> -> memref<1x128xi32, #tpu.memory_space<vmem>>
      %dma_start3A_76 = tpu.memref_squeeze %dma_start3A_75 : memref<1x128xi32, #tpu.memory_space<vmem>> -> memref<128xi32, #tpu.memory_space<vmem>>
      %dma_start3A_77 = arith.constant 0 : i32
      %dma_start3A_78 = arith.constant 0 : i32
      %dma_start3A_79 = tpu.memref_slice %arg8[%dma_start3A_77, %dma_start3A_78] : memref<8192x128xf32, #tpu.memory_space<vmem_shared>> -> memref<8192x128xf32, #tpu.memory_space<vmem_shared>>
      tpu.enqueue_indirect_dma source(%dma_start3A_73 : memref<128x128xf32, #tpu.memory_space<vmem>>) target(%dma_start3A_79 : memref<8192x128xf32, #tpu.memory_space<vmem_shared>>) offsets(%dma_start3A_76 : memref<128xi32, #tpu.memory_space<vmem>>) semaphore(%run_scoped3A_71 : memref<!tpu.dma_semaphore, #tpu.memory_space<semaphore_mem>>) {add = true}
      %dma_wait3A = arith.constant 0 : i32
      %dma_wait3A_80 = arith.constant 0 : i32
      %dma_wait3A_81 = tpu.memref_slice %arg7[%dma_wait3A, %dma_wait3A_80] : memref<256x128xf32, #tpu.memory_space<vmem>> -> memref<128x128xf32, #tpu.memory_space<vmem>>
      %dma_wait3A_82 = arith.constant 0 : i32
      %dma_wait3A_83 = tpu.memref_slice %arg6[%run_scoped3A_58, %dma_wait3A_82] : memref<10x128xi32, #tpu.memory_space<vmem>> -> memref<1x128xi32, #tpu.memory_space<vmem>>
      %dma_wait3A_84 = tpu.memref_squeeze %dma_wait3A_83 : memref<1x128xi32, #tpu.memory_space<vmem>> -> memref<128xi32, #tpu.memory_space<vmem>>
      %dma_wait3A_85 = arith.constant 0 : i32
      %dma_wait3A_86 = arith.constant 0 : i32
      %dma_wait3A_87 = tpu.memref_slice %arg8[%dma_wait3A_85, %dma_wait3A_86] : memref<8192x128xf32, #tpu.memory_space<vmem_shared>> -> memref<8192x128xf32, #tpu.memory_space<vmem_shared>>
      tpu.wait_indirect_dma semaphore(%run_scoped3A_71 : memref<!tpu.dma_semaphore, #tpu.memory_space<semaphore_mem>>) src(%dma_wait3A_81 : memref<128x128xf32, #tpu.memory_space<vmem>>) dst(%dma_wait3A_87 : memref<8192x128xf32, #tpu.memory_space<vmem_shared>>)
      tpu.yield
    }) : () -> ()
    %run_scoped3A_59 = arith.constant 3 : i32
    "tpu.region"() ({
      %run_scoped3A_71 = tpu.sem_alloc : memref<!tpu.dma_semaphore, #tpu.memory_space<semaphore_mem>>
      %dma_start3A = arith.constant 128 : i32
      %dma_start3A_72 = arith.constant 0 : i32
      %dma_start3A_73 = tpu.memref_slice %arg7[%dma_start3A, %dma_start3A_72] : memref<256x128xf32, #tpu.memory_space<vmem>> -> memref<128x128xf32, #tpu.memory_space<vmem>>
      %dma_start3A_74 = arith.constant 0 : i32
      %dma_start3A_75 = tpu.memref_slice %arg6[%run_scoped3A_59, %dma_start3A_74] : memref<10x128xi32, #tpu.memory_space<vmem>> -> memref<1x128xi32, #tpu.memory_space<vmem>>
      %dma_start3A_76 = tpu.memref_squeeze %dma_start3A_75 : memref<1x128xi32, #tpu.memory_space<vmem>> -> memref<128xi32, #tpu.memory_space<vmem>>
      %dma_start3A_77 = arith.constant 0 : i32
      %dma_start3A_78 = arith.constant 0 : i32
      %dma_start3A_79 = tpu.memref_slice %arg8[%dma_start3A_77, %dma_start3A_78] : memref<8192x128xf32, #tpu.memory_space<vmem_shared>> -> memref<8192x128xf32, #tpu.memory_space<vmem_shared>>
      tpu.enqueue_indirect_dma source(%dma_start3A_73 : memref<128x128xf32, #tpu.memory_space<vmem>>) target(%dma_start3A_79 : memref<8192x128xf32, #tpu.memory_space<vmem_shared>>) offsets(%dma_start3A_76 : memref<128xi32, #tpu.memory_space<vmem>>) semaphore(%run_scoped3A_71 : memref<!tpu.dma_semaphore, #tpu.memory_space<semaphore_mem>>) {add = true}
      %dma_wait3A = arith.constant 128 : i32
      %dma_wait3A_80 = arith.constant 0 : i32
      %dma_wait3A_81 = tpu.memref_slice %arg7[%dma_wait3A, %dma_wait3A_80] : memref<256x128xf32, #tpu.memory_space<vmem>> -> memref<128x128xf32, #tpu.memory_space<vmem>>
      %dma_wait3A_82 = arith.constant 0 : i32
      %dma_wait3A_83 = tpu.memref_slice %arg6[%run_scoped3A_59, %dma_wait3A_82] : memref<10x128xi32, #tpu.memory_space<vmem>> -> memref<1x128xi32, #tpu.memory_space<vmem>>
      %dma_wait3A_84 = tpu.memref_squeeze %dma_wait3A_83 : memref<1x128xi32, #tpu.memory_space<vmem>> -> memref<128xi32, #tpu.memory_space<vmem>>
      %dma_wait3A_85 = arith.constant 0 : i32
      %dma_wait3A_86 = arith.constant 0 : i32
      %dma_wait3A_87 = tpu.memref_slice %arg8[%dma_wait3A_85, %dma_wait3A_86] : memref<8192x128xf32, #tpu.memory_space<vmem_shared>> -> memref<8192x128xf32, #tpu.memory_space<vmem_shared>>
      tpu.wait_indirect_dma semaphore(%run_scoped3A_71 : memref<!tpu.dma_semaphore, #tpu.memory_space<semaphore_mem>>) src(%dma_wait3A_81 : memref<128x128xf32, #tpu.memory_space<vmem>>) dst(%dma_wait3A_87 : memref<8192x128xf32, #tpu.memory_space<vmem_shared>>)
      tpu.yield
    }) : () -> ()
    %run_scoped3A_60 = arith.constant 4 : i32
    "tpu.region"() ({
      %run_scoped3A_71 = tpu.sem_alloc : memref<!tpu.dma_semaphore, #tpu.memory_space<semaphore_mem>>
      %dma_start3A = arith.constant 0 : i32
      %dma_start3A_72 = arith.constant 0 : i32
      %dma_start3A_73 = tpu.memref_slice %arg7[%dma_start3A, %dma_start3A_72] : memref<256x128xf32, #tpu.memory_space<vmem>> -> memref<128x128xf32, #tpu.memory_space<vmem>>
      %dma_start3A_74 = arith.constant 0 : i32
      %dma_start3A_75 = tpu.memref_slice %arg6[%run_scoped3A_60, %dma_start3A_74] : memref<10x128xi32, #tpu.memory_space<vmem>> -> memref<1x128xi32, #tpu.memory_space<vmem>>
      %dma_start3A_76 = tpu.memref_squeeze %dma_start3A_75 : memref<1x128xi32, #tpu.memory_space<vmem>> -> memref<128xi32, #tpu.memory_space<vmem>>
      %dma_start3A_77 = arith.constant 0 : i32
      %dma_start3A_78 = arith.constant 0 : i32
      %dma_start3A_79 = tpu.memref_slice %arg8[%dma_start3A_77, %dma_start3A_78] : memref<8192x128xf32, #tpu.memory_space<vmem_shared>> -> memref<8192x128xf32, #tpu.memory_space<vmem_shared>>
      tpu.enqueue_indirect_dma source(%dma_start3A_73 : memref<128x128xf32, #tpu.memory_space<vmem>>) target(%dma_start3A_79 : memref<8192x128xf32, #tpu.memory_space<vmem_shared>>) offsets(%dma_start3A_76 : memref<128xi32, #tpu.memory_space<vmem>>) semaphore(%run_scoped3A_71 : memref<!tpu.dma_semaphore, #tpu.memory_space<semaphore_mem>>) {add = true}
      %dma_wait3A = arith.constant 0 : i32
      %dma_wait3A_80 = arith.constant 0 : i32
      %dma_wait3A_81 = tpu.memref_slice %arg7[%dma_wait3A, %dma_wait3A_80] : memref<256x128xf32, #tpu.memory_space<vmem>> -> memref<128x128xf32, #tpu.memory_space<vmem>>
      %dma_wait3A_82 = arith.constant 0 : i32
      %dma_wait3A_83 = tpu.memref_slice %arg6[%run_scoped3A_60, %dma_wait3A_82] : memref<10x128xi32, #tpu.memory_space<vmem>> -> memref<1x128xi32, #tpu.memory_space<vmem>>
      %dma_wait3A_84 = tpu.memref_squeeze %dma_wait3A_83 : memref<1x128xi32, #tpu.memory_space<vmem>> -> memref<128xi32, #tpu.memory_space<vmem>>
      %dma_wait3A_85 = arith.constant 0 : i32
      %dma_wait3A_86 = arith.constant 0 : i32
      %dma_wait3A_87 = tpu.memref_slice %arg8[%dma_wait3A_85, %dma_wait3A_86] : memref<8192x128xf32, #tpu.memory_space<vmem_shared>> -> memref<8192x128xf32, #tpu.memory_space<vmem_shared>>
      tpu.wait_indirect_dma semaphore(%run_scoped3A_71 : memref<!tpu.dma_semaphore, #tpu.memory_space<semaphore_mem>>) src(%dma_wait3A_81 : memref<128x128xf32, #tpu.memory_space<vmem>>) dst(%dma_wait3A_87 : memref<8192x128xf32, #tpu.memory_space<vmem_shared>>)
      tpu.yield
    }) : () -> ()
    %run_scoped3A_61 = arith.constant 5 : i32
    "tpu.region"() ({
      %run_scoped3A_71 = tpu.sem_alloc : memref<!tpu.dma_semaphore, #tpu.memory_space<semaphore_mem>>
      %dma_start3A = arith.constant 128 : i32
      %dma_start3A_72 = arith.constant 0 : i32
      %dma_start3A_73 = tpu.memref_slice %arg7[%dma_start3A, %dma_start3A_72] : memref<256x128xf32, #tpu.memory_space<vmem>> -> memref<128x128xf32, #tpu.memory_space<vmem>>
      %dma_start3A_74 = arith.constant 0 : i32
      %dma_start3A_75 = tpu.memref_slice %arg6[%run_scoped3A_61, %dma_start3A_74] : memref<10x128xi32, #tpu.memory_space<vmem>> -> memref<1x128xi32, #tpu.memory_space<vmem>>
      %dma_start3A_76 = tpu.memref_squeeze %dma_start3A_75 : memref<1x128xi32, #tpu.memory_space<vmem>> -> memref<128xi32, #tpu.memory_space<vmem>>
      %dma_start3A_77 = arith.constant 0 : i32
      %dma_start3A_78 = arith.constant 0 : i32
      %dma_start3A_79 = tpu.memref_slice %arg8[%dma_start3A_77, %dma_start3A_78] : memref<8192x128xf32, #tpu.memory_space<vmem_shared>> -> memref<8192x128xf32, #tpu.memory_space<vmem_shared>>
      tpu.enqueue_indirect_dma source(%dma_start3A_73 : memref<128x128xf32, #tpu.memory_space<vmem>>) target(%dma_start3A_79 : memref<8192x128xf32, #tpu.memory_space<vmem_shared>>) offsets(%dma_start3A_76 : memref<128xi32, #tpu.memory_space<vmem>>) semaphore(%run_scoped3A_71 : memref<!tpu.dma_semaphore, #tpu.memory_space<semaphore_mem>>) {add = true}
      %dma_wait3A = arith.constant 128 : i32
      %dma_wait3A_80 = arith.constant 0 : i32
      %dma_wait3A_81 = tpu.memref_slice %arg7[%dma_wait3A, %dma_wait3A_80] : memref<256x128xf32, #tpu.memory_space<vmem>> -> memref<128x128xf32, #tpu.memory_space<vmem>>
      %dma_wait3A_82 = arith.constant 0 : i32
      %dma_wait3A_83 = tpu.memref_slice %arg6[%run_scoped3A_61, %dma_wait3A_82] : memref<10x128xi32, #tpu.memory_space<vmem>> -> memref<1x128xi32, #tpu.memory_space<vmem>>
      %dma_wait3A_84 = tpu.memref_squeeze %dma_wait3A_83 : memref<1x128xi32, #tpu.memory_space<vmem>> -> memref<128xi32, #tpu.memory_space<vmem>>
      %dma_wait3A_85 = arith.constant 0 : i32
      %dma_wait3A_86 = arith.constant 0 : i32
      %dma_wait3A_87 = tpu.memref_slice %arg8[%dma_wait3A_85, %dma_wait3A_86] : memref<8192x128xf32, #tpu.memory_space<vmem_shared>> -> memref<8192x128xf32, #tpu.memory_space<vmem_shared>>
      tpu.wait_indirect_dma semaphore(%run_scoped3A_71 : memref<!tpu.dma_semaphore, #tpu.memory_space<semaphore_mem>>) src(%dma_wait3A_81 : memref<128x128xf32, #tpu.memory_space<vmem>>) dst(%dma_wait3A_87 : memref<8192x128xf32, #tpu.memory_space<vmem_shared>>)
      tpu.yield
    }) : () -> ()
    %run_scoped3A_62 = arith.constant 6 : i32
    "tpu.region"() ({
      %run_scoped3A_71 = tpu.sem_alloc : memref<!tpu.dma_semaphore, #tpu.memory_space<semaphore_mem>>
      %dma_start3A = arith.constant 0 : i32
      %dma_start3A_72 = arith.constant 0 : i32
      %dma_start3A_73 = tpu.memref_slice %arg7[%dma_start3A, %dma_start3A_72] : memref<256x128xf32, #tpu.memory_space<vmem>> -> memref<128x128xf32, #tpu.memory_space<vmem>>
      %dma_start3A_74 = arith.constant 0 : i32
      %dma_start3A_75 = tpu.memref_slice %arg6[%run_scoped3A_62, %dma_start3A_74] : memref<10x128xi32, #tpu.memory_space<vmem>> -> memref<1x128xi32, #tpu.memory_space<vmem>>
      %dma_start3A_76 = tpu.memref_squeeze %dma_start3A_75 : memref<1x128xi32, #tpu.memory_space<vmem>> -> memref<128xi32, #tpu.memory_space<vmem>>
      %dma_start3A_77 = arith.constant 0 : i32
      %dma_start3A_78 = arith.constant 0 : i32
      %dma_start3A_79 = tpu.memref_slice %arg8[%dma_start3A_77, %dma_start3A_78] : memref<8192x128xf32, #tpu.memory_space<vmem_shared>> -> memref<8192x128xf32, #tpu.memory_space<vmem_shared>>
      tpu.enqueue_indirect_dma source(%dma_start3A_73 : memref<128x128xf32, #tpu.memory_space<vmem>>) target(%dma_start3A_79 : memref<8192x128xf32, #tpu.memory_space<vmem_shared>>) offsets(%dma_start3A_76 : memref<128xi32, #tpu.memory_space<vmem>>) semaphore(%run_scoped3A_71 : memref<!tpu.dma_semaphore, #tpu.memory_space<semaphore_mem>>) {add = true}
      %dma_wait3A = arith.constant 0 : i32
      %dma_wait3A_80 = arith.constant 0 : i32
      %dma_wait3A_81 = tpu.memref_slice %arg7[%dma_wait3A, %dma_wait3A_80] : memref<256x128xf32, #tpu.memory_space<vmem>> -> memref<128x128xf32, #tpu.memory_space<vmem>>
      %dma_wait3A_82 = arith.constant 0 : i32
      %dma_wait3A_83 = tpu.memref_slice %arg6[%run_scoped3A_62, %dma_wait3A_82] : memref<10x128xi32, #tpu.memory_space<vmem>> -> memref<1x128xi32, #tpu.memory_space<vmem>>
      %dma_wait3A_84 = tpu.memref_squeeze %dma_wait3A_83 : memref<1x128xi32, #tpu.memory_space<vmem>> -> memref<128xi32, #tpu.memory_space<vmem>>
      %dma_wait3A_85 = arith.constant 0 : i32
      %dma_wait3A_86 = arith.constant 0 : i32
      %dma_wait3A_87 = tpu.memref_slice %arg8[%dma_wait3A_85, %dma_wait3A_86] : memref<8192x128xf32, #tpu.memory_space<vmem_shared>> -> memref<8192x128xf32, #tpu.memory_space<vmem_shared>>
      tpu.wait_indirect_dma semaphore(%run_scoped3A_71 : memref<!tpu.dma_semaphore, #tpu.memory_space<semaphore_mem>>) src(%dma_wait3A_81 : memref<128x128xf32, #tpu.memory_space<vmem>>) dst(%dma_wait3A_87 : memref<8192x128xf32, #tpu.memory_space<vmem_shared>>)
      tpu.yield
    }) : () -> ()
    %run_scoped3A_63 = arith.constant 7 : i32
    "tpu.region"() ({
      %run_scoped3A_71 = tpu.sem_alloc : memref<!tpu.dma_semaphore, #tpu.memory_space<semaphore_mem>>
      %dma_start3A = arith.constant 128 : i32
      %dma_start3A_72 = arith.constant 0 : i32
      %dma_start3A_73 = tpu.memref_slice %arg7[%dma_start3A, %dma_start3A_72] : memref<256x128xf32, #tpu.memory_space<vmem>> -> memref<128x128xf32, #tpu.memory_space<vmem>>
      %dma_start3A_74 = arith.constant 0 : i32
      %dma_start3A_75 = tpu.memref_slice %arg6[%run_scoped3A_63, %dma_start3A_74] : memref<10x128xi32, #tpu.memory_space<vmem>> -> memref<1x128xi32, #tpu.memory_space<vmem>>
      %dma_start3A_76 = tpu.memref_squeeze %dma_start3A_75 : memref<1x128xi32, #tpu.memory_space<vmem>> -> memref<128xi32, #tpu.memory_space<vmem>>
      %dma_start3A_77 = arith.constant 0 : i32
      %dma_start3A_78 = arith.constant 0 : i32
      %dma_start3A_79 = tpu.memref_slice %arg8[%dma_start3A_77, %dma_start3A_78] : memref<8192x128xf32, #tpu.memory_space<vmem_shared>> -> memref<8192x128xf32, #tpu.memory_space<vmem_shared>>
      tpu.enqueue_indirect_dma source(%dma_start3A_73 : memref<128x128xf32, #tpu.memory_space<vmem>>) target(%dma_start3A_79 : memref<8192x128xf32, #tpu.memory_space<vmem_shared>>) offsets(%dma_start3A_76 : memref<128xi32, #tpu.memory_space<vmem>>) semaphore(%run_scoped3A_71 : memref<!tpu.dma_semaphore, #tpu.memory_space<semaphore_mem>>) {add = true}
      %dma_wait3A = arith.constant 128 : i32
      %dma_wait3A_80 = arith.constant 0 : i32
      %dma_wait3A_81 = tpu.memref_slice %arg7[%dma_wait3A, %dma_wait3A_80] : memref<256x128xf32, #tpu.memory_space<vmem>> -> memref<128x128xf32, #tpu.memory_space<vmem>>
      %dma_wait3A_82 = arith.constant 0 : i32
      %dma_wait3A_83 = tpu.memref_slice %arg6[%run_scoped3A_63, %dma_wait3A_82] : memref<10x128xi32, #tpu.memory_space<vmem>> -> memref<1x128xi32, #tpu.memory_space<vmem>>
      %dma_wait3A_84 = tpu.memref_squeeze %dma_wait3A_83 : memref<1x128xi32, #tpu.memory_space<vmem>> -> memref<128xi32, #tpu.memory_space<vmem>>
      %dma_wait3A_85 = arith.constant 0 : i32
      %dma_wait3A_86 = arith.constant 0 : i32
      %dma_wait3A_87 = tpu.memref_slice %arg8[%dma_wait3A_85, %dma_wait3A_86] : memref<8192x128xf32, #tpu.memory_space<vmem_shared>> -> memref<8192x128xf32, #tpu.memory_space<vmem_shared>>
      tpu.wait_indirect_dma semaphore(%run_scoped3A_71 : memref<!tpu.dma_semaphore, #tpu.memory_space<semaphore_mem>>) src(%dma_wait3A_81 : memref<128x128xf32, #tpu.memory_space<vmem>>) dst(%dma_wait3A_87 : memref<8192x128xf32, #tpu.memory_space<vmem_shared>>)
      tpu.yield
    }) : () -> ()
    %run_scoped3A_64 = arith.constant 8 : i32
    "tpu.region"() ({
      %run_scoped3A_71 = tpu.sem_alloc : memref<!tpu.dma_semaphore, #tpu.memory_space<semaphore_mem>>
      %dma_start3A = arith.constant 0 : i32
      %dma_start3A_72 = arith.constant 0 : i32
      %dma_start3A_73 = tpu.memref_slice %arg7[%dma_start3A, %dma_start3A_72] : memref<256x128xf32, #tpu.memory_space<vmem>> -> memref<128x128xf32, #tpu.memory_space<vmem>>
      %dma_start3A_74 = arith.constant 0 : i32
      %dma_start3A_75 = tpu.memref_slice %arg6[%run_scoped3A_64, %dma_start3A_74] : memref<10x128xi32, #tpu.memory_space<vmem>> -> memref<1x128xi32, #tpu.memory_space<vmem>>
      %dma_start3A_76 = tpu.memref_squeeze %dma_start3A_75 : memref<1x128xi32, #tpu.memory_space<vmem>> -> memref<128xi32, #tpu.memory_space<vmem>>
      %dma_start3A_77 = arith.constant 0 : i32
      %dma_start3A_78 = arith.constant 0 : i32
      %dma_start3A_79 = tpu.memref_slice %arg8[%dma_start3A_77, %dma_start3A_78] : memref<8192x128xf32, #tpu.memory_space<vmem_shared>> -> memref<8192x128xf32, #tpu.memory_space<vmem_shared>>
      tpu.enqueue_indirect_dma source(%dma_start3A_73 : memref<128x128xf32, #tpu.memory_space<vmem>>) target(%dma_start3A_79 : memref<8192x128xf32, #tpu.memory_space<vmem_shared>>) offsets(%dma_start3A_76 : memref<128xi32, #tpu.memory_space<vmem>>) semaphore(%run_scoped3A_71 : memref<!tpu.dma_semaphore, #tpu.memory_space<semaphore_mem>>) {add = true}
      %dma_wait3A = arith.constant 0 : i32
      %dma_wait3A_80 = arith.constant 0 : i32
      %dma_wait3A_81 = tpu.memref_slice %arg7[%dma_wait3A, %dma_wait3A_80] : memref<256x128xf32, #tpu.memory_space<vmem>> -> memref<128x128xf32, #tpu.memory_space<vmem>>
      %dma_wait3A_82 = arith.constant 0 : i32
      %dma_wait3A_83 = tpu.memref_slice %arg6[%run_scoped3A_64, %dma_wait3A_82] : memref<10x128xi32, #tpu.memory_space<vmem>> -> memref<1x128xi32, #tpu.memory_space<vmem>>
      %dma_wait3A_84 = tpu.memref_squeeze %dma_wait3A_83 : memref<1x128xi32, #tpu.memory_space<vmem>> -> memref<128xi32, #tpu.memory_space<vmem>>
      %dma_wait3A_85 = arith.constant 0 : i32
      %dma_wait3A_86 = arith.constant 0 : i32
      %dma_wait3A_87 = tpu.memref_slice %arg8[%dma_wait3A_85, %dma_wait3A_86] : memref<8192x128xf32, #tpu.memory_space<vmem_shared>> -> memref<8192x128xf32, #tpu.memory_space<vmem_shared>>
      tpu.wait_indirect_dma semaphore(%run_scoped3A_71 : memref<!tpu.dma_semaphore, #tpu.memory_space<semaphore_mem>>) src(%dma_wait3A_81 : memref<128x128xf32, #tpu.memory_space<vmem>>) dst(%dma_wait3A_87 : memref<8192x128xf32, #tpu.memory_space<vmem_shared>>)
      tpu.yield
    }) : () -> ()
    %run_scoped3A_65 = arith.constant 9 : i32
    "tpu.region"() ({
      %run_scoped3A_71 = tpu.sem_alloc : memref<!tpu.dma_semaphore, #tpu.memory_space<semaphore_mem>>
      %dma_start3A = arith.constant 128 : i32
      %dma_start3A_72 = arith.constant 0 : i32
      %dma_start3A_73 = tpu.memref_slice %arg7[%dma_start3A, %dma_start3A_72] : memref<256x128xf32, #tpu.memory_space<vmem>> -> memref<128x128xf32, #tpu.memory_space<vmem>>
      %dma_start3A_74 = arith.constant 0 : i32
      %dma_start3A_75 = tpu.memref_slice %arg6[%run_scoped3A_65, %dma_start3A_74] : memref<10x128xi32, #tpu.memory_space<vmem>> -> memref<1x128xi32, #tpu.memory_space<vmem>>
      %dma_start3A_76 = tpu.memref_squeeze %dma_start3A_75 : memref<1x128xi32, #tpu.memory_space<vmem>> -> memref<128xi32, #tpu.memory_space<vmem>>
      %dma_start3A_77 = arith.constant 0 : i32
      %dma_start3A_78 = arith.constant 0 : i32
      %dma_start3A_79 = tpu.memref_slice %arg8[%dma_start3A_77, %dma_start3A_78] : memref<8192x128xf32, #tpu.memory_space<vmem_shared>> -> memref<8192x128xf32, #tpu.memory_space<vmem_shared>>
      tpu.enqueue_indirect_dma source(%dma_start3A_73 : memref<128x128xf32, #tpu.memory_space<vmem>>) target(%dma_start3A_79 : memref<8192x128xf32, #tpu.memory_space<vmem_shared>>) offsets(%dma_start3A_76 : memref<128xi32, #tpu.memory_space<vmem>>) semaphore(%run_scoped3A_71 : memref<!tpu.dma_semaphore, #tpu.memory_space<semaphore_mem>>) {add = true}
      %dma_wait3A = arith.constant 128 : i32
      %dma_wait3A_80 = arith.constant 0 : i32
      %dma_wait3A_81 = tpu.memref_slice %arg7[%dma_wait3A, %dma_wait3A_80] : memref<256x128xf32, #tpu.memory_space<vmem>> -> memref<128x128xf32, #tpu.memory_space<vmem>>
      %dma_wait3A_82 = arith.constant 0 : i32
      %dma_wait3A_83 = tpu.memref_slice %arg6[%run_scoped3A_65, %dma_wait3A_82] : memref<10x128xi32, #tpu.memory_space<vmem>> -> memref<1x128xi32, #tpu.memory_space<vmem>>
      %dma_wait3A_84 = tpu.memref_squeeze %dma_wait3A_83 : memref<1x128xi32, #tpu.memory_space<vmem>> -> memref<128xi32, #tpu.memory_space<vmem>>
      %dma_wait3A_85 = arith.constant 0 : i32
      %dma_wait3A_86 = arith.constant 0 : i32
      %dma_wait3A_87 = tpu.memref_slice %arg8[%dma_wait3A_85, %dma_wait3A_86] : memref<8192x128xf32, #tpu.memory_space<vmem_shared>> -> memref<8192x128xf32, #tpu.memory_space<vmem_shared>>
      tpu.wait_indirect_dma semaphore(%run_scoped3A_71 : memref<!tpu.dma_semaphore, #tpu.memory_space<semaphore_mem>>) src(%dma_wait3A_81 : memref<128x128xf32, #tpu.memory_space<vmem>>) dst(%dma_wait3A_87 : memref<8192x128xf32, #tpu.memory_space<vmem_shared>>)
      tpu.yield
    }) : () -> ()
    %barrier3A_66 = arith.constant 0 : index
    tpu.barrier barrier_id(%barrier3A_66)
    %mul3A_67 = arith.constant 512 : i32
    %mul3A_68 = arith.muli %arg1, %mul3A_67 : i32
    %mul3A_69 = arith.constant 512 : i32
    %mul3A_70 = arith.muli %arg1, %mul3A_69 : i32
    "tpu.region"() ({
      %run_scoped3A_71 = tpu.sem_alloc : memref<!tpu.dma_semaphore, #tpu.memory_space<semaphore_mem>>
      %dma_start3A = arith.constant 0 : i32
      %dma_start3A_72 = tpu.memref_slice %arg5[%arg0, %mul3A_70, %dma_start3A] : memref<2x8192x128xf32, #tpu.memory_space<hbm>> -> memref<1x512x128xf32, #tpu.memory_space<hbm>>
      %dma_start3A_73 = tpu.memref_squeeze %dma_start3A_72 : memref<1x512x128xf32, #tpu.memory_space<hbm>> -> memref<512x128xf32, #tpu.memory_space<hbm>>
      %dma_start3A_74 = arith.constant 0 : i32
      %dma_start3A_75 = tpu.memref_slice %arg8[%mul3A_68, %dma_start3A_74] : memref<8192x128xf32, #tpu.memory_space<vmem_shared>> -> memref<512x128xf32, #tpu.memory_space<vmem_shared>>
      tpu.enqueue_dma source(%dma_start3A_75 : memref<512x128xf32, #tpu.memory_space<vmem_shared>>) target(%dma_start3A_73 : memref<512x128xf32, #tpu.memory_space<hbm>>) target_semaphore(%run_scoped3A_71 : memref<!tpu.dma_semaphore, #tpu.memory_space<semaphore_mem>>)
      %dma_wait3A = arith.constant 0 : i32
      %dma_wait3A_76 = tpu.memref_slice %arg5[%arg0, %mul3A_70, %dma_wait3A] : memref<2x8192x128xf32, #tpu.memory_space<hbm>> -> memref<1x512x128xf32, #tpu.memory_space<hbm>>
      %dma_wait3A_77 = tpu.memref_squeeze %dma_wait3A_76 : memref<1x512x128xf32, #tpu.memory_space<hbm>> -> memref<512x128xf32, #tpu.memory_space<hbm>>
      %dma_wait3A_78 = arith.constant 0 : i32
      %dma_wait3A_79 = tpu.memref_slice %arg8[%mul3A_68, %dma_wait3A_78] : memref<8192x128xf32, #tpu.memory_space<vmem_shared>> -> memref<512x128xf32, #tpu.memory_space<vmem_shared>>
      tpu.wait_dma2 semaphore(%run_scoped3A_71 : memref<!tpu.dma_semaphore, #tpu.memory_space<semaphore_mem>>) src(%dma_wait3A_79 : memref<512x128xf32, #tpu.memory_space<vmem_shared>>) dst(%dma_wait3A_77 : memref<512x128xf32, #tpu.memory_space<hbm>>)
      tpu.yield
    }) : () -> ()
    return
  }
}

#map = affine_map<(d0, d1) -> (0)>
#map1 = affine_map<(d0, d1) -> (0, 0)>
#map2 = affine_map<(d0, d1) -> (0, 0, 0)>
module attributes {stable_mosaic.version = 14 : i64} {
  func.func @_deg_body(%arg0: i32, %arg1: i32, %arg2: memref<40960xi32, #tpu.memory_space<hbm>>, %arg3: memref<8192x128xf32, #tpu.memory_space<hbm>>, %arg4: memref<128x128xf32, #tpu.memory_space<hbm>>, %arg5: memref<2x8192x128xf32, #tpu.memory_space<hbm>>, %arg6: memref<10x128xi32, #tpu.memory_space<vmem>>, %arg7: memref<128x128xf32, #tpu.memory_space<vmem>>, %arg8: memref<8192x128xf32, #tpu.memory_space<vmem_shared>>) attributes {dimension_semantics = [#tpu.dimension_semantics<core_parallel>, #tpu.dimension_semantics<subcore_parallel>], iteration_bounds = array<i64: 2, 16>, scalar_prefetch = 0 : i64, scratch_operands = 3 : i64, tpu.core_type = #tpu.core_type<sc_vector_subcore>, window_params = [{transform_indices = #map}, {transform_indices = #map1}, {transform_indices = #map1}, {transform_indices = #map2}]} {
    %mul3A = arith.constant 4096 : i32
    %mul3A_0 = arith.muli %arg0, %mul3A : i32
    %mul3A_1 = arith.constant 256 : i32
    %mul3A_2 = arith.muli %arg1, %mul3A_1 : i32
    %add3A = arith.addi %mul3A_0, %mul3A_2 : i32
    %mul3A_3 = arith.constant 512 : i32
    %mul3A_4 = arith.muli %arg1, %mul3A_3 : i32
    %mul3A_5 = arith.constant 512 : i32
    %mul3A_6 = arith.muli %arg1, %mul3A_5 : i32
    "tpu.region"() ({
      %run_scoped3A_71 = tpu.sem_alloc : memref<!tpu.dma_semaphore, #tpu.memory_space<semaphore_mem>>
      %dma_start3A = arith.constant 0 : i32
      %dma_start3A_72 = tpu.memref_slice %arg8[%mul3A_6, %dma_start3A] : memref<8192x128xf32, #tpu.memory_space<vmem_shared>> -> memref<512x128xf32, #tpu.memory_space<vmem_shared>>
      %dma_start3A_73 = arith.constant 0 : i32
      %dma_start3A_74 = tpu.memref_slice %arg3[%mul3A_4, %dma_start3A_73] : memref<8192x128xf32, #tpu.memory_space<hbm>> -> memref<512x128xf32, #tpu.memory_space<hbm>>
      tpu.enqueue_dma source(%dma_start3A_74 : memref<512x128xf32, #tpu.memory_space<hbm>>) target(%dma_start3A_72 : memref<512x128xf32, #tpu.memory_space<vmem_shared>>) target_semaphore(%run_scoped3A_71 : memref<!tpu.dma_semaphore, #tpu.memory_space<semaphore_mem>>)
      %dma_wait3A = arith.constant 0 : i32
      %dma_wait3A_75 = tpu.memref_slice %arg8[%mul3A_6, %dma_wait3A] : memref<8192x128xf32, #tpu.memory_space<vmem_shared>> -> memref<512x128xf32, #tpu.memory_space<vmem_shared>>
      %dma_wait3A_76 = arith.constant 0 : i32
      %dma_wait3A_77 = tpu.memref_slice %arg3[%mul3A_4, %dma_wait3A_76] : memref<8192x128xf32, #tpu.memory_space<hbm>> -> memref<512x128xf32, #tpu.memory_space<hbm>>
      tpu.wait_dma2 semaphore(%run_scoped3A_71 : memref<!tpu.dma_semaphore, #tpu.memory_space<semaphore_mem>>) src(%dma_wait3A_77 : memref<512x128xf32, #tpu.memory_space<hbm>>) dst(%dma_wait3A_75 : memref<512x128xf32, #tpu.memory_space<vmem_shared>>)
      tpu.yield
    }) : () -> ()
    "tpu.region"() ({
      %run_scoped3A_71 = tpu.sem_alloc : memref<!tpu.dma_semaphore, #tpu.memory_space<semaphore_mem>>
      tpu.enqueue_dma source(%arg4 : memref<128x128xf32, #tpu.memory_space<hbm>>) target(%arg7 : memref<128x128xf32, #tpu.memory_space<vmem>>) target_semaphore(%run_scoped3A_71 : memref<!tpu.dma_semaphore, #tpu.memory_space<semaphore_mem>>)
      tpu.wait_dma2 semaphore(%run_scoped3A_71 : memref<!tpu.dma_semaphore, #tpu.memory_space<semaphore_mem>>) src(%arg4 : memref<128x128xf32, #tpu.memory_space<hbm>>) dst(%arg7 : memref<128x128xf32, #tpu.memory_space<vmem>>)
      tpu.yield
    }) : () -> ()
    %add3A_7 = arith.constant 0 : i32
    %add3A_8 = arith.addi %add3A_7, %add3A : i32
    %add3A_9 = arith.constant 0 : i32
    %add3A_10 = arith.addi %add3A_8, %add3A_9 : i32
    %run_scoped3A = arith.constant 0 : i32
    "tpu.region"() ({
      %run_scoped3A_71 = tpu.sem_alloc : memref<!tpu.dma_semaphore, #tpu.memory_space<semaphore_mem>>
      %dma_start3A = arith.constant 0 : i32
      %dma_start3A_72 = tpu.memref_slice %arg6[%run_scoped3A, %dma_start3A] : memref<10x128xi32, #tpu.memory_space<vmem>> -> memref<1x128xi32, #tpu.memory_space<vmem>>
      %dma_start3A_73 = tpu.memref_squeeze %dma_start3A_72 : memref<1x128xi32, #tpu.memory_space<vmem>> -> memref<128xi32, #tpu.memory_space<vmem>>
      %dma_start3A_74 = tpu.memref_slice %arg2[%add3A_10] : memref<40960xi32, #tpu.memory_space<hbm>> -> memref<128xi32, #tpu.memory_space<hbm>>
      %dma_start3A_75 = arith.constant 0 : i32
      %dma_start3A_76 = tpu.memref_slice %arg6[%run_scoped3A, %dma_start3A_75] : memref<10x128xi32, #tpu.memory_space<vmem>> -> memref<1x128xi32, #tpu.memory_space<vmem>>
      %dma_start3A_77 = tpu.memref_squeeze %dma_start3A_76 : memref<1x128xi32, #tpu.memory_space<vmem>> -> memref<128xi32, #tpu.memory_space<vmem>>
      %dma_start3A_78 = tpu.memref_slice %arg2[%add3A_10] : memref<40960xi32, #tpu.memory_space<hbm>> -> memref<128xi32, #tpu.memory_space<hbm>>
      tpu.enqueue_dma source(%dma_start3A_78 : memref<128xi32, #tpu.memory_space<hbm>>) target(%dma_start3A_77 : memref<128xi32, #tpu.memory_space<vmem>>) target_semaphore(%run_scoped3A_71 : memref<!tpu.dma_semaphore, #tpu.memory_space<semaphore_mem>>)
      %dma_wait3A = arith.constant 0 : i32
      %dma_wait3A_79 = tpu.memref_slice %arg6[%run_scoped3A, %dma_wait3A] : memref<10x128xi32, #tpu.memory_space<vmem>> -> memref<1x128xi32, #tpu.memory_space<vmem>>
      %dma_wait3A_80 = tpu.memref_squeeze %dma_wait3A_79 : memref<1x128xi32, #tpu.memory_space<vmem>> -> memref<128xi32, #tpu.memory_space<vmem>>
      %dma_wait3A_81 = tpu.memref_slice %arg2[%add3A_10] : memref<40960xi32, #tpu.memory_space<hbm>> -> memref<128xi32, #tpu.memory_space<hbm>>
      %dma_wait3A_82 = arith.constant 0 : i32
      %dma_wait3A_83 = tpu.memref_slice %arg6[%run_scoped3A, %dma_wait3A_82] : memref<10x128xi32, #tpu.memory_space<vmem>> -> memref<1x128xi32, #tpu.memory_space<vmem>>
      %dma_wait3A_84 = tpu.memref_squeeze %dma_wait3A_83 : memref<1x128xi32, #tpu.memory_space<vmem>> -> memref<128xi32, #tpu.memory_space<vmem>>
      %dma_wait3A_85 = tpu.memref_slice %arg2[%add3A_10] : memref<40960xi32, #tpu.memory_space<hbm>> -> memref<128xi32, #tpu.memory_space<hbm>>
      tpu.wait_dma2 semaphore(%run_scoped3A_71 : memref<!tpu.dma_semaphore, #tpu.memory_space<semaphore_mem>>) src(%dma_wait3A_85 : memref<128xi32, #tpu.memory_space<hbm>>) dst(%dma_wait3A_84 : memref<128xi32, #tpu.memory_space<vmem>>)
      tpu.yield
    }) : () -> ()
    %add3A_11 = arith.constant 0 : i32
    %add3A_12 = arith.addi %add3A_11, %add3A : i32
    %add3A_13 = arith.constant 128 : i32
    %add3A_14 = arith.addi %add3A_12, %add3A_13 : i32
    %run_scoped3A_15 = arith.constant 1 : i32
    "tpu.region"() ({
      %run_scoped3A_71 = tpu.sem_alloc : memref<!tpu.dma_semaphore, #tpu.memory_space<semaphore_mem>>
      %dma_start3A = arith.constant 0 : i32
      %dma_start3A_72 = tpu.memref_slice %arg6[%run_scoped3A_15, %dma_start3A] : memref<10x128xi32, #tpu.memory_space<vmem>> -> memref<1x128xi32, #tpu.memory_space<vmem>>
      %dma_start3A_73 = tpu.memref_squeeze %dma_start3A_72 : memref<1x128xi32, #tpu.memory_space<vmem>> -> memref<128xi32, #tpu.memory_space<vmem>>
      %dma_start3A_74 = tpu.memref_slice %arg2[%add3A_14] : memref<40960xi32, #tpu.memory_space<hbm>> -> memref<128xi32, #tpu.memory_space<hbm>>
      %dma_start3A_75 = arith.constant 0 : i32
      %dma_start3A_76 = tpu.memref_slice %arg6[%run_scoped3A_15, %dma_start3A_75] : memref<10x128xi32, #tpu.memory_space<vmem>> -> memref<1x128xi32, #tpu.memory_space<vmem>>
      %dma_start3A_77 = tpu.memref_squeeze %dma_start3A_76 : memref<1x128xi32, #tpu.memory_space<vmem>> -> memref<128xi32, #tpu.memory_space<vmem>>
      %dma_start3A_78 = tpu.memref_slice %arg2[%add3A_14] : memref<40960xi32, #tpu.memory_space<hbm>> -> memref<128xi32, #tpu.memory_space<hbm>>
      tpu.enqueue_dma source(%dma_start3A_78 : memref<128xi32, #tpu.memory_space<hbm>>) target(%dma_start3A_77 : memref<128xi32, #tpu.memory_space<vmem>>) target_semaphore(%run_scoped3A_71 : memref<!tpu.dma_semaphore, #tpu.memory_space<semaphore_mem>>)
      %dma_wait3A = arith.constant 0 : i32
      %dma_wait3A_79 = tpu.memref_slice %arg6[%run_scoped3A_15, %dma_wait3A] : memref<10x128xi32, #tpu.memory_space<vmem>> -> memref<1x128xi32, #tpu.memory_space<vmem>>
      %dma_wait3A_80 = tpu.memref_squeeze %dma_wait3A_79 : memref<1x128xi32, #tpu.memory_space<vmem>> -> memref<128xi32, #tpu.memory_space<vmem>>
      %dma_wait3A_81 = tpu.memref_slice %arg2[%add3A_14] : memref<40960xi32, #tpu.memory_space<hbm>> -> memref<128xi32, #tpu.memory_space<hbm>>
      %dma_wait3A_82 = arith.constant 0 : i32
      %dma_wait3A_83 = tpu.memref_slice %arg6[%run_scoped3A_15, %dma_wait3A_82] : memref<10x128xi32, #tpu.memory_space<vmem>> -> memref<1x128xi32, #tpu.memory_space<vmem>>
      %dma_wait3A_84 = tpu.memref_squeeze %dma_wait3A_83 : memref<1x128xi32, #tpu.memory_space<vmem>> -> memref<128xi32, #tpu.memory_space<vmem>>
      %dma_wait3A_85 = tpu.memref_slice %arg2[%add3A_14] : memref<40960xi32, #tpu.memory_space<hbm>> -> memref<128xi32, #tpu.memory_space<hbm>>
      tpu.wait_dma2 semaphore(%run_scoped3A_71 : memref<!tpu.dma_semaphore, #tpu.memory_space<semaphore_mem>>) src(%dma_wait3A_85 : memref<128xi32, #tpu.memory_space<hbm>>) dst(%dma_wait3A_84 : memref<128xi32, #tpu.memory_space<vmem>>)
      tpu.yield
    }) : () -> ()
    %add3A_16 = arith.constant 8192 : i32
    %add3A_17 = arith.addi %add3A_16, %add3A : i32
    %add3A_18 = arith.constant 0 : i32
    %add3A_19 = arith.addi %add3A_17, %add3A_18 : i32
    %run_scoped3A_20 = arith.constant 2 : i32
    "tpu.region"() ({
      %run_scoped3A_71 = tpu.sem_alloc : memref<!tpu.dma_semaphore, #tpu.memory_space<semaphore_mem>>
      %dma_start3A = arith.constant 0 : i32
      %dma_start3A_72 = tpu.memref_slice %arg6[%run_scoped3A_20, %dma_start3A] : memref<10x128xi32, #tpu.memory_space<vmem>> -> memref<1x128xi32, #tpu.memory_space<vmem>>
      %dma_start3A_73 = tpu.memref_squeeze %dma_start3A_72 : memref<1x128xi32, #tpu.memory_space<vmem>> -> memref<128xi32, #tpu.memory_space<vmem>>
      %dma_start3A_74 = tpu.memref_slice %arg2[%add3A_19] : memref<40960xi32, #tpu.memory_space<hbm>> -> memref<128xi32, #tpu.memory_space<hbm>>
      %dma_start3A_75 = arith.constant 0 : i32
      %dma_start3A_76 = tpu.memref_slice %arg6[%run_scoped3A_20, %dma_start3A_75] : memref<10x128xi32, #tpu.memory_space<vmem>> -> memref<1x128xi32, #tpu.memory_space<vmem>>
      %dma_start3A_77 = tpu.memref_squeeze %dma_start3A_76 : memref<1x128xi32, #tpu.memory_space<vmem>> -> memref<128xi32, #tpu.memory_space<vmem>>
      %dma_start3A_78 = tpu.memref_slice %arg2[%add3A_19] : memref<40960xi32, #tpu.memory_space<hbm>> -> memref<128xi32, #tpu.memory_space<hbm>>
      tpu.enqueue_dma source(%dma_start3A_78 : memref<128xi32, #tpu.memory_space<hbm>>) target(%dma_start3A_77 : memref<128xi32, #tpu.memory_space<vmem>>) target_semaphore(%run_scoped3A_71 : memref<!tpu.dma_semaphore, #tpu.memory_space<semaphore_mem>>)
      %dma_wait3A = arith.constant 0 : i32
      %dma_wait3A_79 = tpu.memref_slice %arg6[%run_scoped3A_20, %dma_wait3A] : memref<10x128xi32, #tpu.memory_space<vmem>> -> memref<1x128xi32, #tpu.memory_space<vmem>>
      %dma_wait3A_80 = tpu.memref_squeeze %dma_wait3A_79 : memref<1x128xi32, #tpu.memory_space<vmem>> -> memref<128xi32, #tpu.memory_space<vmem>>
      %dma_wait3A_81 = tpu.memref_slice %arg2[%add3A_19] : memref<40960xi32, #tpu.memory_space<hbm>> -> memref<128xi32, #tpu.memory_space<hbm>>
      %dma_wait3A_82 = arith.constant 0 : i32
      %dma_wait3A_83 = tpu.memref_slice %arg6[%run_scoped3A_20, %dma_wait3A_82] : memref<10x128xi32, #tpu.memory_space<vmem>> -> memref<1x128xi32, #tpu.memory_space<vmem>>
      %dma_wait3A_84 = tpu.memref_squeeze %dma_wait3A_83 : memref<1x128xi32, #tpu.memory_space<vmem>> -> memref<128xi32, #tpu.memory_space<vmem>>
      %dma_wait3A_85 = tpu.memref_slice %arg2[%add3A_19] : memref<40960xi32, #tpu.memory_space<hbm>> -> memref<128xi32, #tpu.memory_space<hbm>>
      tpu.wait_dma2 semaphore(%run_scoped3A_71 : memref<!tpu.dma_semaphore, #tpu.memory_space<semaphore_mem>>) src(%dma_wait3A_85 : memref<128xi32, #tpu.memory_space<hbm>>) dst(%dma_wait3A_84 : memref<128xi32, #tpu.memory_space<vmem>>)
      tpu.yield
    }) : () -> ()
    %add3A_21 = arith.constant 8192 : i32
    %add3A_22 = arith.addi %add3A_21, %add3A : i32
    %add3A_23 = arith.constant 128 : i32
    %add3A_24 = arith.addi %add3A_22, %add3A_23 : i32
    %run_scoped3A_25 = arith.constant 3 : i32
    "tpu.region"() ({
      %run_scoped3A_71 = tpu.sem_alloc : memref<!tpu.dma_semaphore, #tpu.memory_space<semaphore_mem>>
      %dma_start3A = arith.constant 0 : i32
      %dma_start3A_72 = tpu.memref_slice %arg6[%run_scoped3A_25, %dma_start3A] : memref<10x128xi32, #tpu.memory_space<vmem>> -> memref<1x128xi32, #tpu.memory_space<vmem>>
      %dma_start3A_73 = tpu.memref_squeeze %dma_start3A_72 : memref<1x128xi32, #tpu.memory_space<vmem>> -> memref<128xi32, #tpu.memory_space<vmem>>
      %dma_start3A_74 = tpu.memref_slice %arg2[%add3A_24] : memref<40960xi32, #tpu.memory_space<hbm>> -> memref<128xi32, #tpu.memory_space<hbm>>
      %dma_start3A_75 = arith.constant 0 : i32
      %dma_start3A_76 = tpu.memref_slice %arg6[%run_scoped3A_25, %dma_start3A_75] : memref<10x128xi32, #tpu.memory_space<vmem>> -> memref<1x128xi32, #tpu.memory_space<vmem>>
      %dma_start3A_77 = tpu.memref_squeeze %dma_start3A_76 : memref<1x128xi32, #tpu.memory_space<vmem>> -> memref<128xi32, #tpu.memory_space<vmem>>
      %dma_start3A_78 = tpu.memref_slice %arg2[%add3A_24] : memref<40960xi32, #tpu.memory_space<hbm>> -> memref<128xi32, #tpu.memory_space<hbm>>
      tpu.enqueue_dma source(%dma_start3A_78 : memref<128xi32, #tpu.memory_space<hbm>>) target(%dma_start3A_77 : memref<128xi32, #tpu.memory_space<vmem>>) target_semaphore(%run_scoped3A_71 : memref<!tpu.dma_semaphore, #tpu.memory_space<semaphore_mem>>)
      %dma_wait3A = arith.constant 0 : i32
      %dma_wait3A_79 = tpu.memref_slice %arg6[%run_scoped3A_25, %dma_wait3A] : memref<10x128xi32, #tpu.memory_space<vmem>> -> memref<1x128xi32, #tpu.memory_space<vmem>>
      %dma_wait3A_80 = tpu.memref_squeeze %dma_wait3A_79 : memref<1x128xi32, #tpu.memory_space<vmem>> -> memref<128xi32, #tpu.memory_space<vmem>>
      %dma_wait3A_81 = tpu.memref_slice %arg2[%add3A_24] : memref<40960xi32, #tpu.memory_space<hbm>> -> memref<128xi32, #tpu.memory_space<hbm>>
      %dma_wait3A_82 = arith.constant 0 : i32
      %dma_wait3A_83 = tpu.memref_slice %arg6[%run_scoped3A_25, %dma_wait3A_82] : memref<10x128xi32, #tpu.memory_space<vmem>> -> memref<1x128xi32, #tpu.memory_space<vmem>>
      %dma_wait3A_84 = tpu.memref_squeeze %dma_wait3A_83 : memref<1x128xi32, #tpu.memory_space<vmem>> -> memref<128xi32, #tpu.memory_space<vmem>>
      %dma_wait3A_85 = tpu.memref_slice %arg2[%add3A_24] : memref<40960xi32, #tpu.memory_space<hbm>> -> memref<128xi32, #tpu.memory_space<hbm>>
      tpu.wait_dma2 semaphore(%run_scoped3A_71 : memref<!tpu.dma_semaphore, #tpu.memory_space<semaphore_mem>>) src(%dma_wait3A_85 : memref<128xi32, #tpu.memory_space<hbm>>) dst(%dma_wait3A_84 : memref<128xi32, #tpu.memory_space<vmem>>)
      tpu.yield
    }) : () -> ()
    %add3A_26 = arith.constant 16384 : i32
    %add3A_27 = arith.addi %add3A_26, %add3A : i32
    %add3A_28 = arith.constant 0 : i32
    %add3A_29 = arith.addi %add3A_27, %add3A_28 : i32
    %run_scoped3A_30 = arith.constant 4 : i32
    "tpu.region"() ({
      %run_scoped3A_71 = tpu.sem_alloc : memref<!tpu.dma_semaphore, #tpu.memory_space<semaphore_mem>>
      %dma_start3A = arith.constant 0 : i32
      %dma_start3A_72 = tpu.memref_slice %arg6[%run_scoped3A_30, %dma_start3A] : memref<10x128xi32, #tpu.memory_space<vmem>> -> memref<1x128xi32, #tpu.memory_space<vmem>>
      %dma_start3A_73 = tpu.memref_squeeze %dma_start3A_72 : memref<1x128xi32, #tpu.memory_space<vmem>> -> memref<128xi32, #tpu.memory_space<vmem>>
      %dma_start3A_74 = tpu.memref_slice %arg2[%add3A_29] : memref<40960xi32, #tpu.memory_space<hbm>> -> memref<128xi32, #tpu.memory_space<hbm>>
      %dma_start3A_75 = arith.constant 0 : i32
      %dma_start3A_76 = tpu.memref_slice %arg6[%run_scoped3A_30, %dma_start3A_75] : memref<10x128xi32, #tpu.memory_space<vmem>> -> memref<1x128xi32, #tpu.memory_space<vmem>>
      %dma_start3A_77 = tpu.memref_squeeze %dma_start3A_76 : memref<1x128xi32, #tpu.memory_space<vmem>> -> memref<128xi32, #tpu.memory_space<vmem>>
      %dma_start3A_78 = tpu.memref_slice %arg2[%add3A_29] : memref<40960xi32, #tpu.memory_space<hbm>> -> memref<128xi32, #tpu.memory_space<hbm>>
      tpu.enqueue_dma source(%dma_start3A_78 : memref<128xi32, #tpu.memory_space<hbm>>) target(%dma_start3A_77 : memref<128xi32, #tpu.memory_space<vmem>>) target_semaphore(%run_scoped3A_71 : memref<!tpu.dma_semaphore, #tpu.memory_space<semaphore_mem>>)
      %dma_wait3A = arith.constant 0 : i32
      %dma_wait3A_79 = tpu.memref_slice %arg6[%run_scoped3A_30, %dma_wait3A] : memref<10x128xi32, #tpu.memory_space<vmem>> -> memref<1x128xi32, #tpu.memory_space<vmem>>
      %dma_wait3A_80 = tpu.memref_squeeze %dma_wait3A_79 : memref<1x128xi32, #tpu.memory_space<vmem>> -> memref<128xi32, #tpu.memory_space<vmem>>
      %dma_wait3A_81 = tpu.memref_slice %arg2[%add3A_29] : memref<40960xi32, #tpu.memory_space<hbm>> -> memref<128xi32, #tpu.memory_space<hbm>>
      %dma_wait3A_82 = arith.constant 0 : i32
      %dma_wait3A_83 = tpu.memref_slice %arg6[%run_scoped3A_30, %dma_wait3A_82] : memref<10x128xi32, #tpu.memory_space<vmem>> -> memref<1x128xi32, #tpu.memory_space<vmem>>
      %dma_wait3A_84 = tpu.memref_squeeze %dma_wait3A_83 : memref<1x128xi32, #tpu.memory_space<vmem>> -> memref<128xi32, #tpu.memory_space<vmem>>
      %dma_wait3A_85 = tpu.memref_slice %arg2[%add3A_29] : memref<40960xi32, #tpu.memory_space<hbm>> -> memref<128xi32, #tpu.memory_space<hbm>>
      tpu.wait_dma2 semaphore(%run_scoped3A_71 : memref<!tpu.dma_semaphore, #tpu.memory_space<semaphore_mem>>) src(%dma_wait3A_85 : memref<128xi32, #tpu.memory_space<hbm>>) dst(%dma_wait3A_84 : memref<128xi32, #tpu.memory_space<vmem>>)
      tpu.yield
    }) : () -> ()
    %add3A_31 = arith.constant 16384 : i32
    %add3A_32 = arith.addi %add3A_31, %add3A : i32
    %add3A_33 = arith.constant 128 : i32
    %add3A_34 = arith.addi %add3A_32, %add3A_33 : i32
    %run_scoped3A_35 = arith.constant 5 : i32
    "tpu.region"() ({
      %run_scoped3A_71 = tpu.sem_alloc : memref<!tpu.dma_semaphore, #tpu.memory_space<semaphore_mem>>
      %dma_start3A = arith.constant 0 : i32
      %dma_start3A_72 = tpu.memref_slice %arg6[%run_scoped3A_35, %dma_start3A] : memref<10x128xi32, #tpu.memory_space<vmem>> -> memref<1x128xi32, #tpu.memory_space<vmem>>
      %dma_start3A_73 = tpu.memref_squeeze %dma_start3A_72 : memref<1x128xi32, #tpu.memory_space<vmem>> -> memref<128xi32, #tpu.memory_space<vmem>>
      %dma_start3A_74 = tpu.memref_slice %arg2[%add3A_34] : memref<40960xi32, #tpu.memory_space<hbm>> -> memref<128xi32, #tpu.memory_space<hbm>>
      %dma_start3A_75 = arith.constant 0 : i32
      %dma_start3A_76 = tpu.memref_slice %arg6[%run_scoped3A_35, %dma_start3A_75] : memref<10x128xi32, #tpu.memory_space<vmem>> -> memref<1x128xi32, #tpu.memory_space<vmem>>
      %dma_start3A_77 = tpu.memref_squeeze %dma_start3A_76 : memref<1x128xi32, #tpu.memory_space<vmem>> -> memref<128xi32, #tpu.memory_space<vmem>>
      %dma_start3A_78 = tpu.memref_slice %arg2[%add3A_34] : memref<40960xi32, #tpu.memory_space<hbm>> -> memref<128xi32, #tpu.memory_space<hbm>>
      tpu.enqueue_dma source(%dma_start3A_78 : memref<128xi32, #tpu.memory_space<hbm>>) target(%dma_start3A_77 : memref<128xi32, #tpu.memory_space<vmem>>) target_semaphore(%run_scoped3A_71 : memref<!tpu.dma_semaphore, #tpu.memory_space<semaphore_mem>>)
      %dma_wait3A = arith.constant 0 : i32
      %dma_wait3A_79 = tpu.memref_slice %arg6[%run_scoped3A_35, %dma_wait3A] : memref<10x128xi32, #tpu.memory_space<vmem>> -> memref<1x128xi32, #tpu.memory_space<vmem>>
      %dma_wait3A_80 = tpu.memref_squeeze %dma_wait3A_79 : memref<1x128xi32, #tpu.memory_space<vmem>> -> memref<128xi32, #tpu.memory_space<vmem>>
      %dma_wait3A_81 = tpu.memref_slice %arg2[%add3A_34] : memref<40960xi32, #tpu.memory_space<hbm>> -> memref<128xi32, #tpu.memory_space<hbm>>
      %dma_wait3A_82 = arith.constant 0 : i32
      %dma_wait3A_83 = tpu.memref_slice %arg6[%run_scoped3A_35, %dma_wait3A_82] : memref<10x128xi32, #tpu.memory_space<vmem>> -> memref<1x128xi32, #tpu.memory_space<vmem>>
      %dma_wait3A_84 = tpu.memref_squeeze %dma_wait3A_83 : memref<1x128xi32, #tpu.memory_space<vmem>> -> memref<128xi32, #tpu.memory_space<vmem>>
      %dma_wait3A_85 = tpu.memref_slice %arg2[%add3A_34] : memref<40960xi32, #tpu.memory_space<hbm>> -> memref<128xi32, #tpu.memory_space<hbm>>
      tpu.wait_dma2 semaphore(%run_scoped3A_71 : memref<!tpu.dma_semaphore, #tpu.memory_space<semaphore_mem>>) src(%dma_wait3A_85 : memref<128xi32, #tpu.memory_space<hbm>>) dst(%dma_wait3A_84 : memref<128xi32, #tpu.memory_space<vmem>>)
      tpu.yield
    }) : () -> ()
    %add3A_36 = arith.constant 24576 : i32
    %add3A_37 = arith.addi %add3A_36, %add3A : i32
    %add3A_38 = arith.constant 0 : i32
    %add3A_39 = arith.addi %add3A_37, %add3A_38 : i32
    %run_scoped3A_40 = arith.constant 6 : i32
    "tpu.region"() ({
      %run_scoped3A_71 = tpu.sem_alloc : memref<!tpu.dma_semaphore, #tpu.memory_space<semaphore_mem>>
      %dma_start3A = arith.constant 0 : i32
      %dma_start3A_72 = tpu.memref_slice %arg6[%run_scoped3A_40, %dma_start3A] : memref<10x128xi32, #tpu.memory_space<vmem>> -> memref<1x128xi32, #tpu.memory_space<vmem>>
      %dma_start3A_73 = tpu.memref_squeeze %dma_start3A_72 : memref<1x128xi32, #tpu.memory_space<vmem>> -> memref<128xi32, #tpu.memory_space<vmem>>
      %dma_start3A_74 = tpu.memref_slice %arg2[%add3A_39] : memref<40960xi32, #tpu.memory_space<hbm>> -> memref<128xi32, #tpu.memory_space<hbm>>
      %dma_start3A_75 = arith.constant 0 : i32
      %dma_start3A_76 = tpu.memref_slice %arg6[%run_scoped3A_40, %dma_start3A_75] : memref<10x128xi32, #tpu.memory_space<vmem>> -> memref<1x128xi32, #tpu.memory_space<vmem>>
      %dma_start3A_77 = tpu.memref_squeeze %dma_start3A_76 : memref<1x128xi32, #tpu.memory_space<vmem>> -> memref<128xi32, #tpu.memory_space<vmem>>
      %dma_start3A_78 = tpu.memref_slice %arg2[%add3A_39] : memref<40960xi32, #tpu.memory_space<hbm>> -> memref<128xi32, #tpu.memory_space<hbm>>
      tpu.enqueue_dma source(%dma_start3A_78 : memref<128xi32, #tpu.memory_space<hbm>>) target(%dma_start3A_77 : memref<128xi32, #tpu.memory_space<vmem>>) target_semaphore(%run_scoped3A_71 : memref<!tpu.dma_semaphore, #tpu.memory_space<semaphore_mem>>)
      %dma_wait3A = arith.constant 0 : i32
      %dma_wait3A_79 = tpu.memref_slice %arg6[%run_scoped3A_40, %dma_wait3A] : memref<10x128xi32, #tpu.memory_space<vmem>> -> memref<1x128xi32, #tpu.memory_space<vmem>>
      %dma_wait3A_80 = tpu.memref_squeeze %dma_wait3A_79 : memref<1x128xi32, #tpu.memory_space<vmem>> -> memref<128xi32, #tpu.memory_space<vmem>>
      %dma_wait3A_81 = tpu.memref_slice %arg2[%add3A_39] : memref<40960xi32, #tpu.memory_space<hbm>> -> memref<128xi32, #tpu.memory_space<hbm>>
      %dma_wait3A_82 = arith.constant 0 : i32
      %dma_wait3A_83 = tpu.memref_slice %arg6[%run_scoped3A_40, %dma_wait3A_82] : memref<10x128xi32, #tpu.memory_space<vmem>> -> memref<1x128xi32, #tpu.memory_space<vmem>>
      %dma_wait3A_84 = tpu.memref_squeeze %dma_wait3A_83 : memref<1x128xi32, #tpu.memory_space<vmem>> -> memref<128xi32, #tpu.memory_space<vmem>>
      %dma_wait3A_85 = tpu.memref_slice %arg2[%add3A_39] : memref<40960xi32, #tpu.memory_space<hbm>> -> memref<128xi32, #tpu.memory_space<hbm>>
      tpu.wait_dma2 semaphore(%run_scoped3A_71 : memref<!tpu.dma_semaphore, #tpu.memory_space<semaphore_mem>>) src(%dma_wait3A_85 : memref<128xi32, #tpu.memory_space<hbm>>) dst(%dma_wait3A_84 : memref<128xi32, #tpu.memory_space<vmem>>)
      tpu.yield
    }) : () -> ()
    %add3A_41 = arith.constant 24576 : i32
    %add3A_42 = arith.addi %add3A_41, %add3A : i32
    %add3A_43 = arith.constant 128 : i32
    %add3A_44 = arith.addi %add3A_42, %add3A_43 : i32
    %run_scoped3A_45 = arith.constant 7 : i32
    "tpu.region"() ({
      %run_scoped3A_71 = tpu.sem_alloc : memref<!tpu.dma_semaphore, #tpu.memory_space<semaphore_mem>>
      %dma_start3A = arith.constant 0 : i32
      %dma_start3A_72 = tpu.memref_slice %arg6[%run_scoped3A_45, %dma_start3A] : memref<10x128xi32, #tpu.memory_space<vmem>> -> memref<1x128xi32, #tpu.memory_space<vmem>>
      %dma_start3A_73 = tpu.memref_squeeze %dma_start3A_72 : memref<1x128xi32, #tpu.memory_space<vmem>> -> memref<128xi32, #tpu.memory_space<vmem>>
      %dma_start3A_74 = tpu.memref_slice %arg2[%add3A_44] : memref<40960xi32, #tpu.memory_space<hbm>> -> memref<128xi32, #tpu.memory_space<hbm>>
      %dma_start3A_75 = arith.constant 0 : i32
      %dma_start3A_76 = tpu.memref_slice %arg6[%run_scoped3A_45, %dma_start3A_75] : memref<10x128xi32, #tpu.memory_space<vmem>> -> memref<1x128xi32, #tpu.memory_space<vmem>>
      %dma_start3A_77 = tpu.memref_squeeze %dma_start3A_76 : memref<1x128xi32, #tpu.memory_space<vmem>> -> memref<128xi32, #tpu.memory_space<vmem>>
      %dma_start3A_78 = tpu.memref_slice %arg2[%add3A_44] : memref<40960xi32, #tpu.memory_space<hbm>> -> memref<128xi32, #tpu.memory_space<hbm>>
      tpu.enqueue_dma source(%dma_start3A_78 : memref<128xi32, #tpu.memory_space<hbm>>) target(%dma_start3A_77 : memref<128xi32, #tpu.memory_space<vmem>>) target_semaphore(%run_scoped3A_71 : memref<!tpu.dma_semaphore, #tpu.memory_space<semaphore_mem>>)
      %dma_wait3A = arith.constant 0 : i32
      %dma_wait3A_79 = tpu.memref_slice %arg6[%run_scoped3A_45, %dma_wait3A] : memref<10x128xi32, #tpu.memory_space<vmem>> -> memref<1x128xi32, #tpu.memory_space<vmem>>
      %dma_wait3A_80 = tpu.memref_squeeze %dma_wait3A_79 : memref<1x128xi32, #tpu.memory_space<vmem>> -> memref<128xi32, #tpu.memory_space<vmem>>
      %dma_wait3A_81 = tpu.memref_slice %arg2[%add3A_44] : memref<40960xi32, #tpu.memory_space<hbm>> -> memref<128xi32, #tpu.memory_space<hbm>>
      %dma_wait3A_82 = arith.constant 0 : i32
      %dma_wait3A_83 = tpu.memref_slice %arg6[%run_scoped3A_45, %dma_wait3A_82] : memref<10x128xi32, #tpu.memory_space<vmem>> -> memref<1x128xi32, #tpu.memory_space<vmem>>
      %dma_wait3A_84 = tpu.memref_squeeze %dma_wait3A_83 : memref<1x128xi32, #tpu.memory_space<vmem>> -> memref<128xi32, #tpu.memory_space<vmem>>
      %dma_wait3A_85 = tpu.memref_slice %arg2[%add3A_44] : memref<40960xi32, #tpu.memory_space<hbm>> -> memref<128xi32, #tpu.memory_space<hbm>>
      tpu.wait_dma2 semaphore(%run_scoped3A_71 : memref<!tpu.dma_semaphore, #tpu.memory_space<semaphore_mem>>) src(%dma_wait3A_85 : memref<128xi32, #tpu.memory_space<hbm>>) dst(%dma_wait3A_84 : memref<128xi32, #tpu.memory_space<vmem>>)
      tpu.yield
    }) : () -> ()
    %add3A_46 = arith.constant 32768 : i32
    %add3A_47 = arith.addi %add3A_46, %add3A : i32
    %add3A_48 = arith.constant 0 : i32
    %add3A_49 = arith.addi %add3A_47, %add3A_48 : i32
    %run_scoped3A_50 = arith.constant 8 : i32
    "tpu.region"() ({
      %run_scoped3A_71 = tpu.sem_alloc : memref<!tpu.dma_semaphore, #tpu.memory_space<semaphore_mem>>
      %dma_start3A = arith.constant 0 : i32
      %dma_start3A_72 = tpu.memref_slice %arg6[%run_scoped3A_50, %dma_start3A] : memref<10x128xi32, #tpu.memory_space<vmem>> -> memref<1x128xi32, #tpu.memory_space<vmem>>
      %dma_start3A_73 = tpu.memref_squeeze %dma_start3A_72 : memref<1x128xi32, #tpu.memory_space<vmem>> -> memref<128xi32, #tpu.memory_space<vmem>>
      %dma_start3A_74 = tpu.memref_slice %arg2[%add3A_49] : memref<40960xi32, #tpu.memory_space<hbm>> -> memref<128xi32, #tpu.memory_space<hbm>>
      %dma_start3A_75 = arith.constant 0 : i32
      %dma_start3A_76 = tpu.memref_slice %arg6[%run_scoped3A_50, %dma_start3A_75] : memref<10x128xi32, #tpu.memory_space<vmem>> -> memref<1x128xi32, #tpu.memory_space<vmem>>
      %dma_start3A_77 = tpu.memref_squeeze %dma_start3A_76 : memref<1x128xi32, #tpu.memory_space<vmem>> -> memref<128xi32, #tpu.memory_space<vmem>>
      %dma_start3A_78 = tpu.memref_slice %arg2[%add3A_49] : memref<40960xi32, #tpu.memory_space<hbm>> -> memref<128xi32, #tpu.memory_space<hbm>>
      tpu.enqueue_dma source(%dma_start3A_78 : memref<128xi32, #tpu.memory_space<hbm>>) target(%dma_start3A_77 : memref<128xi32, #tpu.memory_space<vmem>>) target_semaphore(%run_scoped3A_71 : memref<!tpu.dma_semaphore, #tpu.memory_space<semaphore_mem>>)
      %dma_wait3A = arith.constant 0 : i32
      %dma_wait3A_79 = tpu.memref_slice %arg6[%run_scoped3A_50, %dma_wait3A] : memref<10x128xi32, #tpu.memory_space<vmem>> -> memref<1x128xi32, #tpu.memory_space<vmem>>
      %dma_wait3A_80 = tpu.memref_squeeze %dma_wait3A_79 : memref<1x128xi32, #tpu.memory_space<vmem>> -> memref<128xi32, #tpu.memory_space<vmem>>
      %dma_wait3A_81 = tpu.memref_slice %arg2[%add3A_49] : memref<40960xi32, #tpu.memory_space<hbm>> -> memref<128xi32, #tpu.memory_space<hbm>>
      %dma_wait3A_82 = arith.constant 0 : i32
      %dma_wait3A_83 = tpu.memref_slice %arg6[%run_scoped3A_50, %dma_wait3A_82] : memref<10x128xi32, #tpu.memory_space<vmem>> -> memref<1x128xi32, #tpu.memory_space<vmem>>
      %dma_wait3A_84 = tpu.memref_squeeze %dma_wait3A_83 : memref<1x128xi32, #tpu.memory_space<vmem>> -> memref<128xi32, #tpu.memory_space<vmem>>
      %dma_wait3A_85 = tpu.memref_slice %arg2[%add3A_49] : memref<40960xi32, #tpu.memory_space<hbm>> -> memref<128xi32, #tpu.memory_space<hbm>>
      tpu.wait_dma2 semaphore(%run_scoped3A_71 : memref<!tpu.dma_semaphore, #tpu.memory_space<semaphore_mem>>) src(%dma_wait3A_85 : memref<128xi32, #tpu.memory_space<hbm>>) dst(%dma_wait3A_84 : memref<128xi32, #tpu.memory_space<vmem>>)
      tpu.yield
    }) : () -> ()
    %add3A_51 = arith.constant 32768 : i32
    %add3A_52 = arith.addi %add3A_51, %add3A : i32
    %add3A_53 = arith.constant 128 : i32
    %add3A_54 = arith.addi %add3A_52, %add3A_53 : i32
    %run_scoped3A_55 = arith.constant 9 : i32
    "tpu.region"() ({
      %run_scoped3A_71 = tpu.sem_alloc : memref<!tpu.dma_semaphore, #tpu.memory_space<semaphore_mem>>
      %dma_start3A = arith.constant 0 : i32
      %dma_start3A_72 = tpu.memref_slice %arg6[%run_scoped3A_55, %dma_start3A] : memref<10x128xi32, #tpu.memory_space<vmem>> -> memref<1x128xi32, #tpu.memory_space<vmem>>
      %dma_start3A_73 = tpu.memref_squeeze %dma_start3A_72 : memref<1x128xi32, #tpu.memory_space<vmem>> -> memref<128xi32, #tpu.memory_space<vmem>>
      %dma_start3A_74 = tpu.memref_slice %arg2[%add3A_54] : memref<40960xi32, #tpu.memory_space<hbm>> -> memref<128xi32, #tpu.memory_space<hbm>>
      %dma_start3A_75 = arith.constant 0 : i32
      %dma_start3A_76 = tpu.memref_slice %arg6[%run_scoped3A_55, %dma_start3A_75] : memref<10x128xi32, #tpu.memory_space<vmem>> -> memref<1x128xi32, #tpu.memory_space<vmem>>
      %dma_start3A_77 = tpu.memref_squeeze %dma_start3A_76 : memref<1x128xi32, #tpu.memory_space<vmem>> -> memref<128xi32, #tpu.memory_space<vmem>>
      %dma_start3A_78 = tpu.memref_slice %arg2[%add3A_54] : memref<40960xi32, #tpu.memory_space<hbm>> -> memref<128xi32, #tpu.memory_space<hbm>>
      tpu.enqueue_dma source(%dma_start3A_78 : memref<128xi32, #tpu.memory_space<hbm>>) target(%dma_start3A_77 : memref<128xi32, #tpu.memory_space<vmem>>) target_semaphore(%run_scoped3A_71 : memref<!tpu.dma_semaphore, #tpu.memory_space<semaphore_mem>>)
      %dma_wait3A = arith.constant 0 : i32
      %dma_wait3A_79 = tpu.memref_slice %arg6[%run_scoped3A_55, %dma_wait3A] : memref<10x128xi32, #tpu.memory_space<vmem>> -> memref<1x128xi32, #tpu.memory_space<vmem>>
      %dma_wait3A_80 = tpu.memref_squeeze %dma_wait3A_79 : memref<1x128xi32, #tpu.memory_space<vmem>> -> memref<128xi32, #tpu.memory_space<vmem>>
      %dma_wait3A_81 = tpu.memref_slice %arg2[%add3A_54] : memref<40960xi32, #tpu.memory_space<hbm>> -> memref<128xi32, #tpu.memory_space<hbm>>
      %dma_wait3A_82 = arith.constant 0 : i32
      %dma_wait3A_83 = tpu.memref_slice %arg6[%run_scoped3A_55, %dma_wait3A_82] : memref<10x128xi32, #tpu.memory_space<vmem>> -> memref<1x128xi32, #tpu.memory_space<vmem>>
      %dma_wait3A_84 = tpu.memref_squeeze %dma_wait3A_83 : memref<1x128xi32, #tpu.memory_space<vmem>> -> memref<128xi32, #tpu.memory_space<vmem>>
      %dma_wait3A_85 = tpu.memref_slice %arg2[%add3A_54] : memref<40960xi32, #tpu.memory_space<hbm>> -> memref<128xi32, #tpu.memory_space<hbm>>
      tpu.wait_dma2 semaphore(%run_scoped3A_71 : memref<!tpu.dma_semaphore, #tpu.memory_space<semaphore_mem>>) src(%dma_wait3A_85 : memref<128xi32, #tpu.memory_space<hbm>>) dst(%dma_wait3A_84 : memref<128xi32, #tpu.memory_space<vmem>>)
      tpu.yield
    }) : () -> ()
    %barrier3A = arith.constant 0 : index
    tpu.barrier barrier_id(%barrier3A)
    %run_scoped3A_56 = arith.constant 0 : i32
    "tpu.region"() ({
      %run_scoped3A_71 = tpu.sem_alloc : memref<!tpu.dma_semaphore, #tpu.memory_space<semaphore_mem>>
      %dma_start3A = arith.constant 0 : i32
      %dma_start3A_72 = tpu.memref_slice %arg6[%run_scoped3A_56, %dma_start3A] : memref<10x128xi32, #tpu.memory_space<vmem>> -> memref<1x128xi32, #tpu.memory_space<vmem>>
      %dma_start3A_73 = tpu.memref_squeeze %dma_start3A_72 : memref<1x128xi32, #tpu.memory_space<vmem>> -> memref<128xi32, #tpu.memory_space<vmem>>
      %dma_start3A_74 = arith.constant 0 : i32
      %dma_start3A_75 = arith.constant 0 : i32
      %dma_start3A_76 = tpu.memref_slice %arg8[%dma_start3A_74, %dma_start3A_75] : memref<8192x128xf32, #tpu.memory_space<vmem_shared>> -> memref<8192x128xf32, #tpu.memory_space<vmem_shared>>
      tpu.enqueue_indirect_dma source(%arg7 : memref<128x128xf32, #tpu.memory_space<vmem>>) target(%dma_start3A_76 : memref<8192x128xf32, #tpu.memory_space<vmem_shared>>) offsets(%dma_start3A_73 : memref<128xi32, #tpu.memory_space<vmem>>) semaphore(%run_scoped3A_71 : memref<!tpu.dma_semaphore, #tpu.memory_space<semaphore_mem>>) {add = true}
      %dma_wait3A = arith.constant 0 : i32
      %dma_wait3A_77 = tpu.memref_slice %arg6[%run_scoped3A_56, %dma_wait3A] : memref<10x128xi32, #tpu.memory_space<vmem>> -> memref<1x128xi32, #tpu.memory_space<vmem>>
      %dma_wait3A_78 = tpu.memref_squeeze %dma_wait3A_77 : memref<1x128xi32, #tpu.memory_space<vmem>> -> memref<128xi32, #tpu.memory_space<vmem>>
      %dma_wait3A_79 = arith.constant 0 : i32
      %dma_wait3A_80 = arith.constant 0 : i32
      %dma_wait3A_81 = tpu.memref_slice %arg8[%dma_wait3A_79, %dma_wait3A_80] : memref<8192x128xf32, #tpu.memory_space<vmem_shared>> -> memref<8192x128xf32, #tpu.memory_space<vmem_shared>>
      tpu.wait_indirect_dma semaphore(%run_scoped3A_71 : memref<!tpu.dma_semaphore, #tpu.memory_space<semaphore_mem>>) src(%arg7 : memref<128x128xf32, #tpu.memory_space<vmem>>) dst(%dma_wait3A_81 : memref<8192x128xf32, #tpu.memory_space<vmem_shared>>)
      tpu.yield
    }) : () -> ()
    %run_scoped3A_57 = arith.constant 1 : i32
    "tpu.region"() ({
      %run_scoped3A_71 = tpu.sem_alloc : memref<!tpu.dma_semaphore, #tpu.memory_space<semaphore_mem>>
      %dma_start3A = arith.constant 0 : i32
      %dma_start3A_72 = tpu.memref_slice %arg6[%run_scoped3A_57, %dma_start3A] : memref<10x128xi32, #tpu.memory_space<vmem>> -> memref<1x128xi32, #tpu.memory_space<vmem>>
      %dma_start3A_73 = tpu.memref_squeeze %dma_start3A_72 : memref<1x128xi32, #tpu.memory_space<vmem>> -> memref<128xi32, #tpu.memory_space<vmem>>
      %dma_start3A_74 = arith.constant 0 : i32
      %dma_start3A_75 = arith.constant 0 : i32
      %dma_start3A_76 = tpu.memref_slice %arg8[%dma_start3A_74, %dma_start3A_75] : memref<8192x128xf32, #tpu.memory_space<vmem_shared>> -> memref<8192x128xf32, #tpu.memory_space<vmem_shared>>
      tpu.enqueue_indirect_dma source(%arg7 : memref<128x128xf32, #tpu.memory_space<vmem>>) target(%dma_start3A_76 : memref<8192x128xf32, #tpu.memory_space<vmem_shared>>) offsets(%dma_start3A_73 : memref<128xi32, #tpu.memory_space<vmem>>) semaphore(%run_scoped3A_71 : memref<!tpu.dma_semaphore, #tpu.memory_space<semaphore_mem>>) {add = true}
      %dma_wait3A = arith.constant 0 : i32
      %dma_wait3A_77 = tpu.memref_slice %arg6[%run_scoped3A_57, %dma_wait3A] : memref<10x128xi32, #tpu.memory_space<vmem>> -> memref<1x128xi32, #tpu.memory_space<vmem>>
      %dma_wait3A_78 = tpu.memref_squeeze %dma_wait3A_77 : memref<1x128xi32, #tpu.memory_space<vmem>> -> memref<128xi32, #tpu.memory_space<vmem>>
      %dma_wait3A_79 = arith.constant 0 : i32
      %dma_wait3A_80 = arith.constant 0 : i32
      %dma_wait3A_81 = tpu.memref_slice %arg8[%dma_wait3A_79, %dma_wait3A_80] : memref<8192x128xf32, #tpu.memory_space<vmem_shared>> -> memref<8192x128xf32, #tpu.memory_space<vmem_shared>>
      tpu.wait_indirect_dma semaphore(%run_scoped3A_71 : memref<!tpu.dma_semaphore, #tpu.memory_space<semaphore_mem>>) src(%arg7 : memref<128x128xf32, #tpu.memory_space<vmem>>) dst(%dma_wait3A_81 : memref<8192x128xf32, #tpu.memory_space<vmem_shared>>)
      tpu.yield
    }) : () -> ()
    %run_scoped3A_58 = arith.constant 2 : i32
    "tpu.region"() ({
      %run_scoped3A_71 = tpu.sem_alloc : memref<!tpu.dma_semaphore, #tpu.memory_space<semaphore_mem>>
      %dma_start3A = arith.constant 0 : i32
      %dma_start3A_72 = tpu.memref_slice %arg6[%run_scoped3A_58, %dma_start3A] : memref<10x128xi32, #tpu.memory_space<vmem>> -> memref<1x128xi32, #tpu.memory_space<vmem>>
      %dma_start3A_73 = tpu.memref_squeeze %dma_start3A_72 : memref<1x128xi32, #tpu.memory_space<vmem>> -> memref<128xi32, #tpu.memory_space<vmem>>
      %dma_start3A_74 = arith.constant 0 : i32
      %dma_start3A_75 = arith.constant 0 : i32
      %dma_start3A_76 = tpu.memref_slice %arg8[%dma_start3A_74, %dma_start3A_75] : memref<8192x128xf32, #tpu.memory_space<vmem_shared>> -> memref<8192x128xf32, #tpu.memory_space<vmem_shared>>
      tpu.enqueue_indirect_dma source(%arg7 : memref<128x128xf32, #tpu.memory_space<vmem>>) target(%dma_start3A_76 : memref<8192x128xf32, #tpu.memory_space<vmem_shared>>) offsets(%dma_start3A_73 : memref<128xi32, #tpu.memory_space<vmem>>) semaphore(%run_scoped3A_71 : memref<!tpu.dma_semaphore, #tpu.memory_space<semaphore_mem>>) {add = true}
      %dma_wait3A = arith.constant 0 : i32
      %dma_wait3A_77 = tpu.memref_slice %arg6[%run_scoped3A_58, %dma_wait3A] : memref<10x128xi32, #tpu.memory_space<vmem>> -> memref<1x128xi32, #tpu.memory_space<vmem>>
      %dma_wait3A_78 = tpu.memref_squeeze %dma_wait3A_77 : memref<1x128xi32, #tpu.memory_space<vmem>> -> memref<128xi32, #tpu.memory_space<vmem>>
      %dma_wait3A_79 = arith.constant 0 : i32
      %dma_wait3A_80 = arith.constant 0 : i32
      %dma_wait3A_81 = tpu.memref_slice %arg8[%dma_wait3A_79, %dma_wait3A_80] : memref<8192x128xf32, #tpu.memory_space<vmem_shared>> -> memref<8192x128xf32, #tpu.memory_space<vmem_shared>>
      tpu.wait_indirect_dma semaphore(%run_scoped3A_71 : memref<!tpu.dma_semaphore, #tpu.memory_space<semaphore_mem>>) src(%arg7 : memref<128x128xf32, #tpu.memory_space<vmem>>) dst(%dma_wait3A_81 : memref<8192x128xf32, #tpu.memory_space<vmem_shared>>)
      tpu.yield
    }) : () -> ()
    %run_scoped3A_59 = arith.constant 3 : i32
    "tpu.region"() ({
      %run_scoped3A_71 = tpu.sem_alloc : memref<!tpu.dma_semaphore, #tpu.memory_space<semaphore_mem>>
      %dma_start3A = arith.constant 0 : i32
      %dma_start3A_72 = tpu.memref_slice %arg6[%run_scoped3A_59, %dma_start3A] : memref<10x128xi32, #tpu.memory_space<vmem>> -> memref<1x128xi32, #tpu.memory_space<vmem>>
      %dma_start3A_73 = tpu.memref_squeeze %dma_start3A_72 : memref<1x128xi32, #tpu.memory_space<vmem>> -> memref<128xi32, #tpu.memory_space<vmem>>
      %dma_start3A_74 = arith.constant 0 : i32
      %dma_start3A_75 = arith.constant 0 : i32
      %dma_start3A_76 = tpu.memref_slice %arg8[%dma_start3A_74, %dma_start3A_75] : memref<8192x128xf32, #tpu.memory_space<vmem_shared>> -> memref<8192x128xf32, #tpu.memory_space<vmem_shared>>
      tpu.enqueue_indirect_dma source(%arg7 : memref<128x128xf32, #tpu.memory_space<vmem>>) target(%dma_start3A_76 : memref<8192x128xf32, #tpu.memory_space<vmem_shared>>) offsets(%dma_start3A_73 : memref<128xi32, #tpu.memory_space<vmem>>) semaphore(%run_scoped3A_71 : memref<!tpu.dma_semaphore, #tpu.memory_space<semaphore_mem>>) {add = true}
      %dma_wait3A = arith.constant 0 : i32
      %dma_wait3A_77 = tpu.memref_slice %arg6[%run_scoped3A_59, %dma_wait3A] : memref<10x128xi32, #tpu.memory_space<vmem>> -> memref<1x128xi32, #tpu.memory_space<vmem>>
      %dma_wait3A_78 = tpu.memref_squeeze %dma_wait3A_77 : memref<1x128xi32, #tpu.memory_space<vmem>> -> memref<128xi32, #tpu.memory_space<vmem>>
      %dma_wait3A_79 = arith.constant 0 : i32
      %dma_wait3A_80 = arith.constant 0 : i32
      %dma_wait3A_81 = tpu.memref_slice %arg8[%dma_wait3A_79, %dma_wait3A_80] : memref<8192x128xf32, #tpu.memory_space<vmem_shared>> -> memref<8192x128xf32, #tpu.memory_space<vmem_shared>>
      tpu.wait_indirect_dma semaphore(%run_scoped3A_71 : memref<!tpu.dma_semaphore, #tpu.memory_space<semaphore_mem>>) src(%arg7 : memref<128x128xf32, #tpu.memory_space<vmem>>) dst(%dma_wait3A_81 : memref<8192x128xf32, #tpu.memory_space<vmem_shared>>)
      tpu.yield
    }) : () -> ()
    %run_scoped3A_60 = arith.constant 4 : i32
    "tpu.region"() ({
      %run_scoped3A_71 = tpu.sem_alloc : memref<!tpu.dma_semaphore, #tpu.memory_space<semaphore_mem>>
      %dma_start3A = arith.constant 0 : i32
      %dma_start3A_72 = tpu.memref_slice %arg6[%run_scoped3A_60, %dma_start3A] : memref<10x128xi32, #tpu.memory_space<vmem>> -> memref<1x128xi32, #tpu.memory_space<vmem>>
      %dma_start3A_73 = tpu.memref_squeeze %dma_start3A_72 : memref<1x128xi32, #tpu.memory_space<vmem>> -> memref<128xi32, #tpu.memory_space<vmem>>
      %dma_start3A_74 = arith.constant 0 : i32
      %dma_start3A_75 = arith.constant 0 : i32
      %dma_start3A_76 = tpu.memref_slice %arg8[%dma_start3A_74, %dma_start3A_75] : memref<8192x128xf32, #tpu.memory_space<vmem_shared>> -> memref<8192x128xf32, #tpu.memory_space<vmem_shared>>
      tpu.enqueue_indirect_dma source(%arg7 : memref<128x128xf32, #tpu.memory_space<vmem>>) target(%dma_start3A_76 : memref<8192x128xf32, #tpu.memory_space<vmem_shared>>) offsets(%dma_start3A_73 : memref<128xi32, #tpu.memory_space<vmem>>) semaphore(%run_scoped3A_71 : memref<!tpu.dma_semaphore, #tpu.memory_space<semaphore_mem>>) {add = true}
      %dma_wait3A = arith.constant 0 : i32
      %dma_wait3A_77 = tpu.memref_slice %arg6[%run_scoped3A_60, %dma_wait3A] : memref<10x128xi32, #tpu.memory_space<vmem>> -> memref<1x128xi32, #tpu.memory_space<vmem>>
      %dma_wait3A_78 = tpu.memref_squeeze %dma_wait3A_77 : memref<1x128xi32, #tpu.memory_space<vmem>> -> memref<128xi32, #tpu.memory_space<vmem>>
      %dma_wait3A_79 = arith.constant 0 : i32
      %dma_wait3A_80 = arith.constant 0 : i32
      %dma_wait3A_81 = tpu.memref_slice %arg8[%dma_wait3A_79, %dma_wait3A_80] : memref<8192x128xf32, #tpu.memory_space<vmem_shared>> -> memref<8192x128xf32, #tpu.memory_space<vmem_shared>>
      tpu.wait_indirect_dma semaphore(%run_scoped3A_71 : memref<!tpu.dma_semaphore, #tpu.memory_space<semaphore_mem>>) src(%arg7 : memref<128x128xf32, #tpu.memory_space<vmem>>) dst(%dma_wait3A_81 : memref<8192x128xf32, #tpu.memory_space<vmem_shared>>)
      tpu.yield
    }) : () -> ()
    %run_scoped3A_61 = arith.constant 5 : i32
    "tpu.region"() ({
      %run_scoped3A_71 = tpu.sem_alloc : memref<!tpu.dma_semaphore, #tpu.memory_space<semaphore_mem>>
      %dma_start3A = arith.constant 0 : i32
      %dma_start3A_72 = tpu.memref_slice %arg6[%run_scoped3A_61, %dma_start3A] : memref<10x128xi32, #tpu.memory_space<vmem>> -> memref<1x128xi32, #tpu.memory_space<vmem>>
      %dma_start3A_73 = tpu.memref_squeeze %dma_start3A_72 : memref<1x128xi32, #tpu.memory_space<vmem>> -> memref<128xi32, #tpu.memory_space<vmem>>
      %dma_start3A_74 = arith.constant 0 : i32
      %dma_start3A_75 = arith.constant 0 : i32
      %dma_start3A_76 = tpu.memref_slice %arg8[%dma_start3A_74, %dma_start3A_75] : memref<8192x128xf32, #tpu.memory_space<vmem_shared>> -> memref<8192x128xf32, #tpu.memory_space<vmem_shared>>
      tpu.enqueue_indirect_dma source(%arg7 : memref<128x128xf32, #tpu.memory_space<vmem>>) target(%dma_start3A_76 : memref<8192x128xf32, #tpu.memory_space<vmem_shared>>) offsets(%dma_start3A_73 : memref<128xi32, #tpu.memory_space<vmem>>) semaphore(%run_scoped3A_71 : memref<!tpu.dma_semaphore, #tpu.memory_space<semaphore_mem>>) {add = true}
      %dma_wait3A = arith.constant 0 : i32
      %dma_wait3A_77 = tpu.memref_slice %arg6[%run_scoped3A_61, %dma_wait3A] : memref<10x128xi32, #tpu.memory_space<vmem>> -> memref<1x128xi32, #tpu.memory_space<vmem>>
      %dma_wait3A_78 = tpu.memref_squeeze %dma_wait3A_77 : memref<1x128xi32, #tpu.memory_space<vmem>> -> memref<128xi32, #tpu.memory_space<vmem>>
      %dma_wait3A_79 = arith.constant 0 : i32
      %dma_wait3A_80 = arith.constant 0 : i32
      %dma_wait3A_81 = tpu.memref_slice %arg8[%dma_wait3A_79, %dma_wait3A_80] : memref<8192x128xf32, #tpu.memory_space<vmem_shared>> -> memref<8192x128xf32, #tpu.memory_space<vmem_shared>>
      tpu.wait_indirect_dma semaphore(%run_scoped3A_71 : memref<!tpu.dma_semaphore, #tpu.memory_space<semaphore_mem>>) src(%arg7 : memref<128x128xf32, #tpu.memory_space<vmem>>) dst(%dma_wait3A_81 : memref<8192x128xf32, #tpu.memory_space<vmem_shared>>)
      tpu.yield
    }) : () -> ()
    %run_scoped3A_62 = arith.constant 6 : i32
    "tpu.region"() ({
      %run_scoped3A_71 = tpu.sem_alloc : memref<!tpu.dma_semaphore, #tpu.memory_space<semaphore_mem>>
      %dma_start3A = arith.constant 0 : i32
      %dma_start3A_72 = tpu.memref_slice %arg6[%run_scoped3A_62, %dma_start3A] : memref<10x128xi32, #tpu.memory_space<vmem>> -> memref<1x128xi32, #tpu.memory_space<vmem>>
      %dma_start3A_73 = tpu.memref_squeeze %dma_start3A_72 : memref<1x128xi32, #tpu.memory_space<vmem>> -> memref<128xi32, #tpu.memory_space<vmem>>
      %dma_start3A_74 = arith.constant 0 : i32
      %dma_start3A_75 = arith.constant 0 : i32
      %dma_start3A_76 = tpu.memref_slice %arg8[%dma_start3A_74, %dma_start3A_75] : memref<8192x128xf32, #tpu.memory_space<vmem_shared>> -> memref<8192x128xf32, #tpu.memory_space<vmem_shared>>
      tpu.enqueue_indirect_dma source(%arg7 : memref<128x128xf32, #tpu.memory_space<vmem>>) target(%dma_start3A_76 : memref<8192x128xf32, #tpu.memory_space<vmem_shared>>) offsets(%dma_start3A_73 : memref<128xi32, #tpu.memory_space<vmem>>) semaphore(%run_scoped3A_71 : memref<!tpu.dma_semaphore, #tpu.memory_space<semaphore_mem>>) {add = true}
      %dma_wait3A = arith.constant 0 : i32
      %dma_wait3A_77 = tpu.memref_slice %arg6[%run_scoped3A_62, %dma_wait3A] : memref<10x128xi32, #tpu.memory_space<vmem>> -> memref<1x128xi32, #tpu.memory_space<vmem>>
      %dma_wait3A_78 = tpu.memref_squeeze %dma_wait3A_77 : memref<1x128xi32, #tpu.memory_space<vmem>> -> memref<128xi32, #tpu.memory_space<vmem>>
      %dma_wait3A_79 = arith.constant 0 : i32
      %dma_wait3A_80 = arith.constant 0 : i32
      %dma_wait3A_81 = tpu.memref_slice %arg8[%dma_wait3A_79, %dma_wait3A_80] : memref<8192x128xf32, #tpu.memory_space<vmem_shared>> -> memref<8192x128xf32, #tpu.memory_space<vmem_shared>>
      tpu.wait_indirect_dma semaphore(%run_scoped3A_71 : memref<!tpu.dma_semaphore, #tpu.memory_space<semaphore_mem>>) src(%arg7 : memref<128x128xf32, #tpu.memory_space<vmem>>) dst(%dma_wait3A_81 : memref<8192x128xf32, #tpu.memory_space<vmem_shared>>)
      tpu.yield
    }) : () -> ()
    %run_scoped3A_63 = arith.constant 7 : i32
    "tpu.region"() ({
      %run_scoped3A_71 = tpu.sem_alloc : memref<!tpu.dma_semaphore, #tpu.memory_space<semaphore_mem>>
      %dma_start3A = arith.constant 0 : i32
      %dma_start3A_72 = tpu.memref_slice %arg6[%run_scoped3A_63, %dma_start3A] : memref<10x128xi32, #tpu.memory_space<vmem>> -> memref<1x128xi32, #tpu.memory_space<vmem>>
      %dma_start3A_73 = tpu.memref_squeeze %dma_start3A_72 : memref<1x128xi32, #tpu.memory_space<vmem>> -> memref<128xi32, #tpu.memory_space<vmem>>
      %dma_start3A_74 = arith.constant 0 : i32
      %dma_start3A_75 = arith.constant 0 : i32
      %dma_start3A_76 = tpu.memref_slice %arg8[%dma_start3A_74, %dma_start3A_75] : memref<8192x128xf32, #tpu.memory_space<vmem_shared>> -> memref<8192x128xf32, #tpu.memory_space<vmem_shared>>
      tpu.enqueue_indirect_dma source(%arg7 : memref<128x128xf32, #tpu.memory_space<vmem>>) target(%dma_start3A_76 : memref<8192x128xf32, #tpu.memory_space<vmem_shared>>) offsets(%dma_start3A_73 : memref<128xi32, #tpu.memory_space<vmem>>) semaphore(%run_scoped3A_71 : memref<!tpu.dma_semaphore, #tpu.memory_space<semaphore_mem>>) {add = true}
      %dma_wait3A = arith.constant 0 : i32
      %dma_wait3A_77 = tpu.memref_slice %arg6[%run_scoped3A_63, %dma_wait3A] : memref<10x128xi32, #tpu.memory_space<vmem>> -> memref<1x128xi32, #tpu.memory_space<vmem>>
      %dma_wait3A_78 = tpu.memref_squeeze %dma_wait3A_77 : memref<1x128xi32, #tpu.memory_space<vmem>> -> memref<128xi32, #tpu.memory_space<vmem>>
      %dma_wait3A_79 = arith.constant 0 : i32
      %dma_wait3A_80 = arith.constant 0 : i32
      %dma_wait3A_81 = tpu.memref_slice %arg8[%dma_wait3A_79, %dma_wait3A_80] : memref<8192x128xf32, #tpu.memory_space<vmem_shared>> -> memref<8192x128xf32, #tpu.memory_space<vmem_shared>>
      tpu.wait_indirect_dma semaphore(%run_scoped3A_71 : memref<!tpu.dma_semaphore, #tpu.memory_space<semaphore_mem>>) src(%arg7 : memref<128x128xf32, #tpu.memory_space<vmem>>) dst(%dma_wait3A_81 : memref<8192x128xf32, #tpu.memory_space<vmem_shared>>)
      tpu.yield
    }) : () -> ()
    %run_scoped3A_64 = arith.constant 8 : i32
    "tpu.region"() ({
      %run_scoped3A_71 = tpu.sem_alloc : memref<!tpu.dma_semaphore, #tpu.memory_space<semaphore_mem>>
      %dma_start3A = arith.constant 0 : i32
      %dma_start3A_72 = tpu.memref_slice %arg6[%run_scoped3A_64, %dma_start3A] : memref<10x128xi32, #tpu.memory_space<vmem>> -> memref<1x128xi32, #tpu.memory_space<vmem>>
      %dma_start3A_73 = tpu.memref_squeeze %dma_start3A_72 : memref<1x128xi32, #tpu.memory_space<vmem>> -> memref<128xi32, #tpu.memory_space<vmem>>
      %dma_start3A_74 = arith.constant 0 : i32
      %dma_start3A_75 = arith.constant 0 : i32
      %dma_start3A_76 = tpu.memref_slice %arg8[%dma_start3A_74, %dma_start3A_75] : memref<8192x128xf32, #tpu.memory_space<vmem_shared>> -> memref<8192x128xf32, #tpu.memory_space<vmem_shared>>
      tpu.enqueue_indirect_dma source(%arg7 : memref<128x128xf32, #tpu.memory_space<vmem>>) target(%dma_start3A_76 : memref<8192x128xf32, #tpu.memory_space<vmem_shared>>) offsets(%dma_start3A_73 : memref<128xi32, #tpu.memory_space<vmem>>) semaphore(%run_scoped3A_71 : memref<!tpu.dma_semaphore, #tpu.memory_space<semaphore_mem>>) {add = true}
      %dma_wait3A = arith.constant 0 : i32
      %dma_wait3A_77 = tpu.memref_slice %arg6[%run_scoped3A_64, %dma_wait3A] : memref<10x128xi32, #tpu.memory_space<vmem>> -> memref<1x128xi32, #tpu.memory_space<vmem>>
      %dma_wait3A_78 = tpu.memref_squeeze %dma_wait3A_77 : memref<1x128xi32, #tpu.memory_space<vmem>> -> memref<128xi32, #tpu.memory_space<vmem>>
      %dma_wait3A_79 = arith.constant 0 : i32
      %dma_wait3A_80 = arith.constant 0 : i32
      %dma_wait3A_81 = tpu.memref_slice %arg8[%dma_wait3A_79, %dma_wait3A_80] : memref<8192x128xf32, #tpu.memory_space<vmem_shared>> -> memref<8192x128xf32, #tpu.memory_space<vmem_shared>>
      tpu.wait_indirect_dma semaphore(%run_scoped3A_71 : memref<!tpu.dma_semaphore, #tpu.memory_space<semaphore_mem>>) src(%arg7 : memref<128x128xf32, #tpu.memory_space<vmem>>) dst(%dma_wait3A_81 : memref<8192x128xf32, #tpu.memory_space<vmem_shared>>)
      tpu.yield
    }) : () -> ()
    %run_scoped3A_65 = arith.constant 9 : i32
    "tpu.region"() ({
      %run_scoped3A_71 = tpu.sem_alloc : memref<!tpu.dma_semaphore, #tpu.memory_space<semaphore_mem>>
      %dma_start3A = arith.constant 0 : i32
      %dma_start3A_72 = tpu.memref_slice %arg6[%run_scoped3A_65, %dma_start3A] : memref<10x128xi32, #tpu.memory_space<vmem>> -> memref<1x128xi32, #tpu.memory_space<vmem>>
      %dma_start3A_73 = tpu.memref_squeeze %dma_start3A_72 : memref<1x128xi32, #tpu.memory_space<vmem>> -> memref<128xi32, #tpu.memory_space<vmem>>
      %dma_start3A_74 = arith.constant 0 : i32
      %dma_start3A_75 = arith.constant 0 : i32
      %dma_start3A_76 = tpu.memref_slice %arg8[%dma_start3A_74, %dma_start3A_75] : memref<8192x128xf32, #tpu.memory_space<vmem_shared>> -> memref<8192x128xf32, #tpu.memory_space<vmem_shared>>
      tpu.enqueue_indirect_dma source(%arg7 : memref<128x128xf32, #tpu.memory_space<vmem>>) target(%dma_start3A_76 : memref<8192x128xf32, #tpu.memory_space<vmem_shared>>) offsets(%dma_start3A_73 : memref<128xi32, #tpu.memory_space<vmem>>) semaphore(%run_scoped3A_71 : memref<!tpu.dma_semaphore, #tpu.memory_space<semaphore_mem>>) {add = true}
      %dma_wait3A = arith.constant 0 : i32
      %dma_wait3A_77 = tpu.memref_slice %arg6[%run_scoped3A_65, %dma_wait3A] : memref<10x128xi32, #tpu.memory_space<vmem>> -> memref<1x128xi32, #tpu.memory_space<vmem>>
      %dma_wait3A_78 = tpu.memref_squeeze %dma_wait3A_77 : memref<1x128xi32, #tpu.memory_space<vmem>> -> memref<128xi32, #tpu.memory_space<vmem>>
      %dma_wait3A_79 = arith.constant 0 : i32
      %dma_wait3A_80 = arith.constant 0 : i32
      %dma_wait3A_81 = tpu.memref_slice %arg8[%dma_wait3A_79, %dma_wait3A_80] : memref<8192x128xf32, #tpu.memory_space<vmem_shared>> -> memref<8192x128xf32, #tpu.memory_space<vmem_shared>>
      tpu.wait_indirect_dma semaphore(%run_scoped3A_71 : memref<!tpu.dma_semaphore, #tpu.memory_space<semaphore_mem>>) src(%arg7 : memref<128x128xf32, #tpu.memory_space<vmem>>) dst(%dma_wait3A_81 : memref<8192x128xf32, #tpu.memory_space<vmem_shared>>)
      tpu.yield
    }) : () -> ()
    %barrier3A_66 = arith.constant 0 : index
    tpu.barrier barrier_id(%barrier3A_66)
    %mul3A_67 = arith.constant 512 : i32
    %mul3A_68 = arith.muli %arg1, %mul3A_67 : i32
    %mul3A_69 = arith.constant 512 : i32
    %mul3A_70 = arith.muli %arg1, %mul3A_69 : i32
    "tpu.region"() ({
      %run_scoped3A_71 = tpu.sem_alloc : memref<!tpu.dma_semaphore, #tpu.memory_space<semaphore_mem>>
      %dma_start3A = arith.constant 0 : i32
      %dma_start3A_72 = tpu.memref_slice %arg5[%arg0, %mul3A_70, %dma_start3A] : memref<2x8192x128xf32, #tpu.memory_space<hbm>> -> memref<1x512x128xf32, #tpu.memory_space<hbm>>
      %dma_start3A_73 = tpu.memref_squeeze %dma_start3A_72 : memref<1x512x128xf32, #tpu.memory_space<hbm>> -> memref<512x128xf32, #tpu.memory_space<hbm>>
      %dma_start3A_74 = arith.constant 0 : i32
      %dma_start3A_75 = tpu.memref_slice %arg8[%mul3A_68, %dma_start3A_74] : memref<8192x128xf32, #tpu.memory_space<vmem_shared>> -> memref<512x128xf32, #tpu.memory_space<vmem_shared>>
      tpu.enqueue_dma source(%dma_start3A_75 : memref<512x128xf32, #tpu.memory_space<vmem_shared>>) target(%dma_start3A_73 : memref<512x128xf32, #tpu.memory_space<hbm>>) target_semaphore(%run_scoped3A_71 : memref<!tpu.dma_semaphore, #tpu.memory_space<semaphore_mem>>)
      %dma_wait3A = arith.constant 0 : i32
      %dma_wait3A_76 = tpu.memref_slice %arg5[%arg0, %mul3A_70, %dma_wait3A] : memref<2x8192x128xf32, #tpu.memory_space<hbm>> -> memref<1x512x128xf32, #tpu.memory_space<hbm>>
      %dma_wait3A_77 = tpu.memref_squeeze %dma_wait3A_76 : memref<1x512x128xf32, #tpu.memory_space<hbm>> -> memref<512x128xf32, #tpu.memory_space<hbm>>
      %dma_wait3A_78 = arith.constant 0 : i32
      %dma_wait3A_79 = tpu.memref_slice %arg8[%mul3A_68, %dma_wait3A_78] : memref<8192x128xf32, #tpu.memory_space<vmem_shared>> -> memref<512x128xf32, #tpu.memory_space<vmem_shared>>
      tpu.wait_dma2 semaphore(%run_scoped3A_71 : memref<!tpu.dma_semaphore, #tpu.memory_space<semaphore_mem>>) src(%dma_wait3A_79 : memref<512x128xf32, #tpu.memory_space<vmem_shared>>) dst(%dma_wait3A_77 : memref<512x128xf32, #tpu.memory_space<hbm>>)
      tpu.yield
    }) : () -> ()
    return
  }
}

module attributes {stable_mosaic.version = 14 : i64} {
  func.func @_normalize_body(%arg0: i32, %arg1: memref<1024x128xf32, #tpu.memory_space<vmem>>, %arg2: memref<1024x128xf32, #tpu.memory_space<vmem>>) attributes {dimension_semantics = [#tpu.dimension_semantics<arbitrary>], iteration_bounds = array<i64: 8>, scalar_prefetch = 0 : i64, scratch_operands = 0 : i64, tpu.core_type = #tpu.core_type<tc>, window_params = [{transform_indices = @transform_0, window_bounds = array<i64: 1024, 128>}, {transform_indices = @transform_1, window_bounds = array<i64: 1024, 128>}]} {
    %get3A = arith.constant 0 : index
    %get3A_0 = arith.constant 0 : index
    %get3A_1 = vector.load %arg1[%get3A, %get3A_0] : memref<1024x128xf32, #tpu.memory_space<vmem>>, vector<1024x128xf32>
    %mul3A = arith.mulf %get3A_1, %get3A_1 : vector<1024x128xf32>
    %reduce_sum3A = arith.constant dense<0.000000e+00> : vector<1024xf32>
    %reduce_sum3A_2 = vector.multi_reduction <add>, %mul3A, %reduce_sum3A [1] : vector<1024x128xf32> to vector<1024xf32>
    %broadcast_in_dim3A = vector.shape_cast %reduce_sum3A_2 : vector<1024xf32> to vector<1024x1xf32>
    %sqrt3A = math.sqrt %broadcast_in_dim3A : vector<1024x1xf32>
    %max3A = arith.constant 9.99999996E-13 : f32
    %max3A_3 = vector.broadcast %max3A : f32 to vector<1024x1xf32>
    %max3A_4 = arith.maximumf %sqrt3A, %max3A_3 : vector<1024x1xf32>
    %div3A = vector.broadcast %max3A_4 : vector<1024x1xf32> to vector<1024x128xf32>
    %div3A_5 = arith.divf %get3A_1, %div3A : vector<1024x128xf32>
    %swap3A = arith.constant 0 : index
    %swap3A_6 = arith.constant 0 : index
    %swap3A_7 = vector.load %arg2[%swap3A, %swap3A_6] : memref<1024x128xf32, #tpu.memory_space<vmem>>, vector<1024x128xf32>
    tpu.vector_store %arg2[%swap3A, %swap3A_6], %div3A_5 {strides = array<i32>} : memref<1024x128xf32, #tpu.memory_space<vmem>>, vector<1024x128xf32>,
    return
  }
  func.func @transform_0(%arg0: i32) -> (i32, i32) {
    %c0_i32 = arith.constant 0 : i32
    %c0_i32_0 = arith.constant 0 : i32
    return %arg0, %c0_i32 : i32, i32
  }
  func.func @transform_1(%arg0: i32) -> (i32, i32) {
    %c0_i32 = arith.constant 0 : i32
    %c0_i32_0 = arith.constant 0 : i32
    return %arg0, %c0_i32 : i32, i32
  }
}

module attributes {stable_mosaic.version = 14 : i64} {
  func.func @_topk_body(%arg0: i32, %arg1: memref<256x128xf32, #tpu.memory_space<vmem>>, %arg2: memref<4096x128xf32, #tpu.memory_space<vmem>>, %arg3: memref<5x256xi32, #tpu.memory_space<vmem>>) attributes {dimension_semantics = [#tpu.dimension_semantics<arbitrary>], iteration_bounds = array<i64: 32>, scalar_prefetch = 0 : i64, scratch_operands = 0 : i64, tpu.core_type = #tpu.core_type<tc>, window_params = [{transform_indices = @transform_0, window_bounds = array<i64: 256, 128>}, {transform_indices = @transform_1, window_bounds = array<i64: 4096, 128>}, {transform_indices = @transform_2, window_bounds = array<i64: 5, 256>}]} {
    %jit3A = arith.constant 16 : i32
    %div3A = arith.divsi %arg0, %jit3A : i32
    %sign3A = arith.constant 0 : i32
    %sign3A_0 = arith.cmpi sgt, %arg0, %sign3A : i32
    %sign3A_1 = arith.extui %sign3A_0 : i1 to i32
    %sign3A_2 = arith.constant 0 : i32
    %sign3A_3 = arith.cmpi slt, %arg0, %sign3A_2 : i32
    %sign3A_4 = arith.extui %sign3A_3 : i1 to i32
    %sign3A_5 = arith.subi %sign3A_1, %sign3A_4 : i32
    %sign3A_6 = arith.constant 0 : i32
    %sign3A_7 = arith.cmpi sgt, %jit3A, %sign3A_6 : i32
    %sign3A_8 = arith.extui %sign3A_7 : i1 to i32
    %sign3A_9 = arith.constant 0 : i32
    %sign3A_10 = arith.cmpi slt, %jit3A, %sign3A_9 : i32
    %sign3A_11 = arith.extui %sign3A_10 : i1 to i32
    %sign3A_12 = arith.subi %sign3A_8, %sign3A_11 : i32
    %ne3A = arith.cmpi ne, %sign3A_5, %sign3A_12 : i32
    %rem3A = arith.remsi %arg0, %jit3A : i32
    %ne3A_13 = arith.constant 0 : i32
    %ne3A_14 = arith.cmpi ne, %rem3A, %ne3A_13 : i32
    %and3A = arith.andi %ne3A, %ne3A_14 : i1
    %sub3A = arith.constant 1 : i32
    %sub3A_15 = arith.subi %div3A, %sub3A : i32
    %select_n3A = arith.select %and3A, %sub3A_15, %div3A : i32
    %sub3A_16 = arith.constant 1 : i32
    %sub3A_17 = arith.subi %sub3A_16, %select_n3A : i32
    %mul3A = arith.constant 4096 : i32
    %mul3A_18 = arith.muli %sub3A_17, %mul3A : i32
    %get3A = arith.constant 0 : index
    %get3A_19 = arith.constant 0 : index
    %get3A_20 = vector.load %arg1[%get3A, %get3A_19] : memref<256x128xf32, #tpu.memory_space<vmem>>, vector<256x128xf32>
    %get3A_21 = arith.constant 0 : index
    %get3A_22 = arith.constant 0 : index
    %get3A_23 = vector.load %arg2[%get3A_21, %get3A_22] : memref<4096x128xf32, #tpu.memory_space<vmem>>, vector<4096x128xf32>
    %dot_general3A = arith.constant dense<0.000000e+00> : vector<256x4096xf32>
    %dot_general3A_24 = tpu.matmul %get3A_20, %get3A_23, %dot_general3A {dimension_numbers = #tpu.dot_dimension_numbers<[1], [1], [0], [0], [0, 0, 1, 0], [], []>, transpose_lhs_hint = false} : vector<256x128xf32>, vector<4096x128xf32>, vector<256x4096xf32> -> vector<256x4096xf32>
    %iota3A = tpu.iota {dimensions = array<i32: 1>} : vector<256x4096xi32>
    %reduce_max3A = arith.constant dense<0xFF800000> : vector<256xf32>
    %reduce_max3A_25 = vector.multi_reduction <maximumf>, %dot_general3A_24, %reduce_max3A [1] : vector<256x4096xf32> to vector<256xf32>
    %broadcast_in_dim3A = vector.shape_cast %reduce_max3A_25 : vector<256xf32> to vector<256x1xf32>
    %ge3A = vector.broadcast %broadcast_in_dim3A : vector<256x1xf32> to vector<256x4096xf32>
    %ge3A_26 = arith.cmpf oge, %dot_general3A_24, %ge3A : vector<256x4096xf32>
    %jit3A_27 = arith.constant 4096 : i32
    %broadcast_in_dim3A_28 = vector.broadcast %jit3A_27 : i32 to vector<256x4096xi32>
    %select_n3A_29 = arith.select %ge3A_26, %iota3A, %broadcast_in_dim3A_28 : vector<256x4096xi1>, vector<256x4096xi32>
    %reduce_min3A = arith.constant dense<2147483647> : vector<256xi32>
    %reduce_min3A_30 = vector.multi_reduction <minsi>, %select_n3A_29, %reduce_min3A [1] : vector<256x4096xi32> to vector<256xi32>
    %jit3A_31 = arith.constant -3.000000e+00 : f32
    %broadcast_in_dim3A_32 = vector.broadcast %jit3A_31 : f32 to vector<256x4096xf32>
    %select_n3A_33 = arith.select %ge3A_26, %broadcast_in_dim3A_32, %dot_general3A_24 : vector<256x4096xi1>, vector<256x4096xf32>
    %add3A = vector.broadcast %mul3A_18 : i32 to vector<256xi32>
    %add3A_34 = arith.addi %reduce_min3A_30, %add3A : vector<256xi32>
    %reshape3A = vector.shape_cast %add3A_34 : vector<256xi32> to vector<1x256xi32>
    %reduce_max3A_35 = arith.constant dense<0xFF800000> : vector<256xf32>
    %reduce_max3A_36 = vector.multi_reduction <maximumf>, %select_n3A_33, %reduce_max3A_35 [1] : vector<256x4096xf32> to vector<256xf32>
    %broadcast_in_dim3A_37 = vector.shape_cast %reduce_max3A_36 : vector<256xf32> to vector<256x1xf32>
    %ge3A_38 = vector.broadcast %broadcast_in_dim3A_37 : vector<256x1xf32> to vector<256x4096xf32>
    %ge3A_39 = arith.cmpf oge, %select_n3A_33, %ge3A_38 : vector<256x4096xf32>
    %jit3A_40 = arith.constant 4096 : i32
    %broadcast_in_dim3A_41 = vector.broadcast %jit3A_40 : i32 to vector<256x4096xi32>
    %select_n3A_42 = arith.select %ge3A_39, %iota3A, %broadcast_in_dim3A_41 : vector<256x4096xi1>, vector<256x4096xi32>
    %reduce_min3A_43 = arith.constant dense<2147483647> : vector<256xi32>
    %reduce_min3A_44 = vector.multi_reduction <minsi>, %select_n3A_42, %reduce_min3A_43 [1] : vector<256x4096xi32> to vector<256xi32>
    %jit3A_45 = arith.constant -3.000000e+00 : f32
    %broadcast_in_dim3A_46 = vector.broadcast %jit3A_45 : f32 to vector<256x4096xf32>
    %select_n3A_47 = arith.select %ge3A_39, %broadcast_in_dim3A_46, %select_n3A_33 : vector<256x4096xi1>, vector<256x4096xf32>
    %add3A_48 = vector.broadcast %mul3A_18 : i32 to vector<256xi32>
    %add3A_49 = arith.addi %reduce_min3A_44, %add3A_48 : vector<256xi32>
    %reshape3A_50 = vector.shape_cast %add3A_49 : vector<256xi32> to vector<1x256xi32>
    %reduce_max3A_51 = arith.constant dense<0xFF800000> : vector<256xf32>
    %reduce_max3A_52 = vector.multi_reduction <maximumf>, %select_n3A_47, %reduce_max3A_51 [1] : vector<256x4096xf32> to vector<256xf32>
    %broadcast_in_dim3A_53 = vector.shape_cast %reduce_max3A_52 : vector<256xf32> to vector<256x1xf32>
    %ge3A_54 = vector.broadcast %broadcast_in_dim3A_53 : vector<256x1xf32> to vector<256x4096xf32>
    %ge3A_55 = arith.cmpf oge, %select_n3A_47, %ge3A_54 : vector<256x4096xf32>
    %jit3A_56 = arith.constant 4096 : i32
    %broadcast_in_dim3A_57 = vector.broadcast %jit3A_56 : i32 to vector<256x4096xi32>
    %select_n3A_58 = arith.select %ge3A_55, %iota3A, %broadcast_in_dim3A_57 : vector<256x4096xi1>, vector<256x4096xi32>
    %reduce_min3A_59 = arith.constant dense<2147483647> : vector<256xi32>
    %reduce_min3A_60 = vector.multi_reduction <minsi>, %select_n3A_58, %reduce_min3A_59 [1] : vector<256x4096xi32> to vector<256xi32>
    %jit3A_61 = arith.constant -3.000000e+00 : f32
    %broadcast_in_dim3A_62 = vector.broadcast %jit3A_61 : f32 to vector<256x4096xf32>
    %select_n3A_63 = arith.select %ge3A_55, %broadcast_in_dim3A_62, %select_n3A_47 : vector<256x4096xi1>, vector<256x4096xf32>
    %add3A_64 = vector.broadcast %mul3A_18 : i32 to vector<256xi32>
    %add3A_65 = arith.addi %reduce_min3A_60, %add3A_64 : vector<256xi32>
    %reshape3A_66 = vector.shape_cast %add3A_65 : vector<256xi32> to vector<1x256xi32>
    %reduce_max3A_67 = arith.constant dense<0xFF800000> : vector<256xf32>
    %reduce_max3A_68 = vector.multi_reduction <maximumf>, %select_n3A_63, %reduce_max3A_67 [1] : vector<256x4096xf32> to vector<256xf32>
    %broadcast_in_dim3A_69 = vector.shape_cast %reduce_max3A_68 : vector<256xf32> to vector<256x1xf32>
    %ge3A_70 = vector.broadcast %broadcast_in_dim3A_69 : vector<256x1xf32> to vector<256x4096xf32>
    %ge3A_71 = arith.cmpf oge, %select_n3A_63, %ge3A_70 : vector<256x4096xf32>
    %jit3A_72 = arith.constant 4096 : i32
    %broadcast_in_dim3A_73 = vector.broadcast %jit3A_72 : i32 to vector<256x4096xi32>
    %select_n3A_74 = arith.select %ge3A_71, %iota3A, %broadcast_in_dim3A_73 : vector<256x4096xi1>, vector<256x4096xi32>
    %reduce_min3A_75 = arith.constant dense<2147483647> : vector<256xi32>
    %reduce_min3A_76 = vector.multi_reduction <minsi>, %select_n3A_74, %reduce_min3A_75 [1] : vector<256x4096xi32> to vector<256xi32>
    %jit3A_77 = arith.constant -3.000000e+00 : f32
    %broadcast_in_dim3A_78 = vector.broadcast %jit3A_77 : f32 to vector<256x4096xf32>
    %select_n3A_79 = arith.select %ge3A_71, %broadcast_in_dim3A_78, %select_n3A_63 : vector<256x4096xi1>, vector<256x4096xf32>
    %add3A_80 = vector.broadcast %mul3A_18 : i32 to vector<256xi32>
    %add3A_81 = arith.addi %reduce_min3A_76, %add3A_80 : vector<256xi32>
    %reshape3A_82 = vector.shape_cast %add3A_81 : vector<256xi32> to vector<1x256xi32>
    %reduce_max3A_83 = arith.constant dense<0xFF800000> : vector<256xf32>
    %reduce_max3A_84 = vector.multi_reduction <maximumf>, %select_n3A_79, %reduce_max3A_83 [1] : vector<256x4096xf32> to vector<256xf32>
    %broadcast_in_dim3A_85 = vector.shape_cast %reduce_max3A_84 : vector<256xf32> to vector<256x1xf32>
    %ge3A_86 = vector.broadcast %broadcast_in_dim3A_85 : vector<256x1xf32> to vector<256x4096xf32>
    %ge3A_87 = arith.cmpf oge, %select_n3A_79, %ge3A_86 : vector<256x4096xf32>
    %jit3A_88 = arith.constant 4096 : i32
    %broadcast_in_dim3A_89 = vector.broadcast %jit3A_88 : i32 to vector<256x4096xi32>
    %select_n3A_90 = arith.select %ge3A_87, %iota3A, %broadcast_in_dim3A_89 : vector<256x4096xi1>, vector<256x4096xi32>
    %reduce_min3A_91 = arith.constant dense<2147483647> : vector<256xi32>
    %reduce_min3A_92 = vector.multi_reduction <minsi>, %select_n3A_90, %reduce_min3A_91 [1] : vector<256x4096xi32> to vector<256xi32>
    %add3A_93 = vector.broadcast %mul3A_18 : i32 to vector<256xi32>
    %add3A_94 = arith.addi %reduce_min3A_92, %add3A_93 : vector<256xi32>
    %reshape3A_95 = vector.shape_cast %add3A_94 : vector<256xi32> to vector<1x256xi32>
    %concatenate3A = tpu.concatenate %reshape3A, %reshape3A_50, %reshape3A_66, %reshape3A_82, %reshape3A_95 in 0 : vector<1x256xi32>, vector<1x256xi32>, vector<1x256xi32>, vector<1x256xi32>, vector<1x256xi32> -> vector<5x256xi32>
    %swap3A = arith.constant 0 : index
    %swap3A_96 = arith.constant 0 : index
    %swap3A_97 = vector.load %arg3[%swap3A, %swap3A_96] : memref<5x256xi32, #tpu.memory_space<vmem>>, vector<5x256xi32>
    tpu.vector_store %arg3[%swap3A, %swap3A_96], %concatenate3A {strides = array<i32>} : memref<5x256xi32, #tpu.memory_space<vmem>>, vector<5x256xi32>,
    return
  }
  func.func @transform_0(%arg0: i32) -> (i32, i32) {
    %c0_i32 = arith.constant 0 : i32
    %c0_i32_0 = arith.constant 0 : i32
    return %arg0, %c0_i32 : i32, i32
  }
  func.func @transform_1(%arg0: i32) -> (i32, i32) {
    %jit3A = arith.constant 16 : i32
    %div3A = arith.divsi %arg0, %jit3A : i32
    %sign3A = arith.constant 0 : i32
    %sign3A_0 = arith.cmpi sgt, %arg0, %sign3A : i32
    %sign3A_1 = arith.extui %sign3A_0 : i1 to i32
    %sign3A_2 = arith.constant 0 : i32
    %sign3A_3 = arith.cmpi slt, %arg0, %sign3A_2 : i32
    %sign3A_4 = arith.extui %sign3A_3 : i1 to i32
    %sign3A_5 = arith.subi %sign3A_1, %sign3A_4 : i32
    %sign3A_6 = arith.constant 0 : i32
    %sign3A_7 = arith.cmpi sgt, %jit3A, %sign3A_6 : i32
    %sign3A_8 = arith.extui %sign3A_7 : i1 to i32
    %sign3A_9 = arith.constant 0 : i32
    %sign3A_10 = arith.cmpi slt, %jit3A, %sign3A_9 : i32
    %sign3A_11 = arith.extui %sign3A_10 : i1 to i32
    %sign3A_12 = arith.subi %sign3A_8, %sign3A_11 : i32
    %ne3A = arith.cmpi ne, %sign3A_5, %sign3A_12 : i32
    %rem3A = arith.remsi %arg0, %jit3A : i32
    %ne3A_13 = arith.constant 0 : i32
    %ne3A_14 = arith.cmpi ne, %rem3A, %ne3A_13 : i32
    %and3A = arith.andi %ne3A, %ne3A_14 : i1
    %sub3A = arith.constant 1 : i32
    %sub3A_15 = arith.subi %div3A, %sub3A : i32
    %select_n3A = arith.select %and3A, %sub3A_15, %div3A : i32
    %sub3A_16 = arith.constant 1 : i32
    %sub3A_17 = arith.subi %sub3A_16, %select_n3A : i32
    %c0_i32 = arith.constant 0 : i32
    %c0_i32_18 = arith.constant 0 : i32
    return %sub3A_17, %c0_i32 : i32, i32
  }
  func.func @transform_2(%arg0: i32) -> (i32, i32) {
    %c0_i32 = arith.constant 0 : i32
    %c0_i32_0 = arith.constant 0 : i32
    return %c0_i32, %arg0 : i32, i32
  }
}

module attributes {stable_mosaic.version = 14 : i64} {
  func.func @_hm_body(%arg0: i32, %arg1: memref<1024x128xf32, #tpu.memory_space<vmem>>, %arg2: memref<128x128xf32, #tpu.memory_space<vmem>>, %arg3: memref<2x1024x128xf32, #tpu.memory_space<vmem>>, %arg4: memref<1024x128xf32, #tpu.memory_space<vmem>>, %arg5: memref<1024x1xf32, #tpu.memory_space<vmem>>) attributes {dimension_semantics = [#tpu.dimension_semantics<arbitrary>], iteration_bounds = array<i64: 8>, scalar_prefetch = 0 : i64, scratch_operands = 0 : i64, tpu.core_type = #tpu.core_type<tc>, window_params = [{transform_indices = @transform_0, window_bounds = array<i64: 1024, 128>}, {pipeline_mode = #tpu.pipeline_mode<synchronous>, transform_indices = @transform_1, window_bounds = array<i64: 128, 128>}, {transform_indices = @transform_2, window_bounds = array<i64: 2, 1024, 128>}, {transform_indices = @transform_3, window_bounds = array<i64: 1024, 128>}, {transform_indices = @transform_4, window_bounds = array<i64: 1024, 1>}]} {
    %get3A = arith.constant 0 : index
    %get3A_0 = arith.constant 0 : index
    %get3A_1 = vector.load %arg1[%get3A, %get3A_0] : memref<1024x128xf32, #tpu.memory_space<vmem>>, vector<1024x128xf32>
    %get3A_2 = arith.constant 0 : index
    %get3A_3 = arith.constant 0 : index
    %get3A_4 = vector.load %arg2[%get3A_2, %get3A_3] : memref<128x128xf32, #tpu.memory_space<vmem>>, vector<128x128xf32>
    %dot_general3A = arith.constant dense<0.000000e+00> : vector<1024x128xf32>
    %dot_general3A_5 = tpu.matmul %get3A_1, %get3A_4, %dot_general3A {dimension_numbers = #tpu.dot_dimension_numbers<[1], [1], [0], [0], [0, 0, 1, 0], [], []>, precision = #tpu.contract_precision<fp32>, transpose_lhs_hint = false} : vector<1024x128xf32>, vector<128x128xf32>, vector<1024x128xf32> -> vector<1024x128xf32>
    %get3A_6 = arith.constant 0 : index
    %get3A_7 = arith.constant 0 : index
    %get3A_8 = arith.constant 0 : index
    %get3A_9 = vector.load %arg3[%get3A_6, %get3A_7, %get3A_8] : memref<2x1024x128xf32, #tpu.memory_space<vmem>>, vector<1x1024x1xf32>
    %get3A_10 = vector.shape_cast %get3A_9 : vector<1x1024x1xf32> to vector<1024x1xf32>
    %get3A_11 = arith.constant 1 : index
    %get3A_12 = arith.constant 0 : index
    %get3A_13 = arith.constant 0 : index
    %get3A_14 = vector.load %arg3[%get3A_11, %get3A_12, %get3A_13] : memref<2x1024x128xf32, #tpu.memory_space<vmem>>, vector<1x1024x1xf32>
    %get3A_15 = vector.shape_cast %get3A_14 : vector<1x1024x1xf32> to vector<1024x1xf32>
    %add3A = arith.addf %get3A_10, %get3A_15 : vector<1024x1xf32>
    %add3A_16 = arith.constant 1.000000e+00 : f32
    %add3A_17 = vector.broadcast %add3A_16 : f32 to vector<1024x1xf32>
    %add3A_18 = arith.addf %add3A, %add3A_17 : vector<1024x1xf32>
    %rsqrt3A = math.rsqrt %add3A_18 : vector<1024x1xf32>
    %swap3A = arith.constant 0 : index
    %swap3A_19 = arith.constant 0 : index
    %swap3A_20 = vector.load %arg5[%swap3A, %swap3A_19] : memref<1024x1xf32, #tpu.memory_space<vmem>>, vector<1024x1xf32>
    tpu.vector_store %arg5[%swap3A, %swap3A_19], %rsqrt3A {strides = array<i32>} : memref<1024x1xf32, #tpu.memory_space<vmem>>, vector<1024x1xf32>,
    %mul3A = vector.broadcast %rsqrt3A : vector<1024x1xf32> to vector<1024x128xf32>
    %mul3A_21 = arith.mulf %dot_general3A_5, %mul3A : vector<1024x128xf32>
    %swap3A_22 = arith.constant 0 : index
    %swap3A_23 = arith.constant 0 : index
    %swap3A_24 = vector.load %arg4[%swap3A_22, %swap3A_23] : memref<1024x128xf32, #tpu.memory_space<vmem>>, vector<1024x128xf32>
    tpu.vector_store %arg4[%swap3A_22, %swap3A_23], %mul3A_21 {strides = array<i32>} : memref<1024x128xf32, #tpu.memory_space<vmem>>, vector<1024x128xf32>,
    return
  }
  func.func @transform_0(%arg0: i32) -> (i32, i32) {
    %c0_i32 = arith.constant 0 : i32
    %c0_i32_0 = arith.constant 0 : i32
    return %arg0, %c0_i32 : i32, i32
  }
  func.func @transform_1(%arg0: i32) -> (i32, i32) {
    %c0_i32 = arith.constant 0 : i32
    %c0_i32_0 = arith.constant 0 : i32
    %c0_i32_1 = arith.constant 0 : i32
    return %c0_i32, %c0_i32_0 : i32, i32
  }
  func.func @transform_2(%arg0: i32) -> (i32, i32, i32) {
    %c0_i32 = arith.constant 0 : i32
    %c0_i32_0 = arith.constant 0 : i32
    %c0_i32_1 = arith.constant 0 : i32
    return %c0_i32, %arg0, %c0_i32_0 : i32, i32, i32
  }
  func.func @transform_3(%arg0: i32) -> (i32, i32) {
    %c0_i32 = arith.constant 0 : i32
    %c0_i32_0 = arith.constant 0 : i32
    return %arg0, %c0_i32 : i32, i32
  }
  func.func @transform_4(%arg0: i32) -> (i32, i32) {
    %c0_i32 = arith.constant 0 : i32
    %c0_i32_0 = arith.constant 0 : i32
    return %arg0, %c0_i32 : i32, i32
  }
}

module attributes {stable_mosaic.version = 14 : i64} {
  func.func @_final_body(%arg0: i32, %arg1: memref<512x128xf32, #tpu.memory_space<vmem>>, %arg2: memref<512x128xf32, #tpu.memory_space<vmem>>, %arg3: memref<2x512x128xf32, #tpu.memory_space<vmem>>, %arg4: memref<512x1xf32, #tpu.memory_space<vmem>>, %arg5: memref<1x128xf32, #tpu.memory_space<vmem>>, %arg6: memref<1x128xf32, #tpu.memory_space<vmem>>, %arg7: memref<1x1xf32, #tpu.memory_space<vmem>>, %arg8: memref<512x128xf32, #tpu.memory_space<vmem>>, %arg9: memref<1x1xf32, #tpu.memory_space<vmem>>, %arg10: memref<2x128xf32, #tpu.memory_space<vmem>>) attributes {dimension_semantics = [#tpu.dimension_semantics<arbitrary>], iteration_bounds = array<i64: 16>, scalar_prefetch = 0 : i64, scratch_operands = 1 : i64, tpu.core_type = #tpu.core_type<tc>, window_params = [{transform_indices = @transform_0, window_bounds = array<i64: 512, 128>}, {transform_indices = @transform_1, window_bounds = array<i64: 512, 128>}, {transform_indices = @transform_2, window_bounds = array<i64: 2, 512, 128>}, {transform_indices = @transform_3, window_bounds = array<i64: 512, 1>}, {pipeline_mode = #tpu.pipeline_mode<synchronous>, transform_indices = @transform_4, window_bounds = array<i64: 1, 128>}, {pipeline_mode = #tpu.pipeline_mode<synchronous>, transform_indices = @transform_5, window_bounds = array<i64: 1, 128>}, {pipeline_mode = #tpu.pipeline_mode<synchronous>, transform_indices = @transform_6, window_bounds = array<i64: 1, 1>}, {transform_indices = @transform_7, window_bounds = array<i64: 512, 128>}, {pipeline_mode = #tpu.pipeline_mode<synchronous>, transform_indices = @transform_8, window_bounds = array<i64: 1, 1>}]} {
    %get3A = arith.constant 0 : index
    %get3A_0 = arith.constant 0 : index
    %get3A_1 = vector.load %arg1[%get3A, %get3A_0] : memref<512x128xf32, #tpu.memory_space<vmem>>, vector<512x128xf32>
    %get3A_2 = arith.constant 0 : index
    %get3A_3 = arith.constant 0 : index
    %get3A_4 = vector.load %arg2[%get3A_2, %get3A_3] : memref<512x128xf32, #tpu.memory_space<vmem>>, vector<512x128xf32>
    %get3A_5 = arith.constant 0 : index
    %get3A_6 = arith.constant 0 : index
    %get3A_7 = vector.load %arg4[%get3A_5, %get3A_6] : memref<512x1xf32, #tpu.memory_space<vmem>>, vector<512x1xf32>
    %get3A_8 = arith.constant 0 : index
    %get3A_9 = arith.constant 0 : index
    %get3A_10 = arith.constant 0 : index
    %get3A_11 = vector.load %arg3[%get3A_8, %get3A_9, %get3A_10] : memref<2x512x128xf32, #tpu.memory_space<vmem>>, vector<1x512x128xf32>
    %get3A_12 = vector.shape_cast %get3A_11 : vector<1x512x128xf32> to vector<512x128xf32>
    %get3A_13 = arith.constant 1 : index
    %get3A_14 = arith.constant 0 : index
    %get3A_15 = arith.constant 0 : index
    %get3A_16 = vector.load %arg3[%get3A_13, %get3A_14, %get3A_15] : memref<2x512x128xf32, #tpu.memory_space<vmem>>, vector<1x512x128xf32>
    %get3A_17 = vector.shape_cast %get3A_16 : vector<1x512x128xf32> to vector<512x128xf32>
    %add3A = arith.addf %get3A_12, %get3A_17 : vector<512x128xf32>
    %add3A_18 = arith.addf %add3A, %get3A_4 : vector<512x128xf32>
    %mul3A = vector.broadcast %get3A_7 : vector<512x1xf32> to vector<512x128xf32>
    %mul3A_19 = arith.mulf %mul3A, %add3A_18 : vector<512x128xf32>
    %get3A_20 = arith.constant 0 : index
    %get3A_21 = arith.constant 0 : index
    %get3A_22 = vector.load %arg5[%get3A_20, %get3A_21] : memref<1x128xf32, #tpu.memory_space<vmem>>, vector<1x128xf32>
    %add3A_23 = vector.broadcast %get3A_22 : vector<1x128xf32> to vector<512x128xf32>
    %add3A_24 = arith.addf %mul3A_19, %add3A_23 : vector<512x128xf32>
    %get3A_25 = arith.constant 0 : index
    %get3A_26 = arith.constant 0 : index
    %get3A_27 = vector.load %arg6[%get3A_25, %get3A_26] : memref<1x128xf32, #tpu.memory_space<vmem>>, vector<1x128xf32>
    %get3A_28 = arith.constant 0 : index
    %get3A_29 = arith.constant 0 : index
    %get3A_30 = vector.load %arg7[%get3A_28, %get3A_29] : memref<1x1xf32, #tpu.memory_space<vmem>>, vector<1x1xf32>
    %get3A_31 = vector.extract %get3A_30[0, 0] : f32 from vector<1x1xf32>
    %mul3A_32 = vector.broadcast %get3A_27 : vector<1x128xf32> to vector<512x128xf32>
    %mul3A_33 = arith.mulf %get3A_1, %mul3A_32 : vector<512x128xf32>
    %reduce_sum3A = arith.constant dense<0.000000e+00> : vector<512xf32>
    %reduce_sum3A_34 = vector.multi_reduction <add>, %mul3A_33, %reduce_sum3A [1] : vector<512x128xf32> to vector<512xf32>
    %broadcast_in_dim3A = vector.shape_cast %reduce_sum3A_34 : vector<512xf32> to vector<512x1xf32>
    %add3A_35 = vector.broadcast %get3A_31 : f32 to vector<512x1xf32>
    %add3A_36 = arith.addf %broadcast_in_dim3A, %add3A_35 : vector<512x1xf32>
    %mul3A_37 = vector.broadcast %get3A_27 : vector<1x128xf32> to vector<512x128xf32>
    %mul3A_38 = arith.mulf %add3A_24, %mul3A_37 : vector<512x128xf32>
    %reduce_sum3A_39 = arith.constant dense<0.000000e+00> : vector<512xf32>
    %reduce_sum3A_40 = vector.multi_reduction <add>, %mul3A_38, %reduce_sum3A_39 [1] : vector<512x128xf32> to vector<512xf32>
    %broadcast_in_dim3A_41 = vector.shape_cast %reduce_sum3A_40 : vector<512xf32> to vector<512x1xf32>
    %add3A_42 = vector.broadcast %get3A_31 : f32 to vector<512x1xf32>
    %add3A_43 = arith.addf %broadcast_in_dim3A_41, %add3A_42 : vector<512x1xf32>
    %max3A = arith.maximumf %add3A_36, %add3A_43 : vector<512x1xf32>
    %sub3A = arith.subf %add3A_36, %max3A : vector<512x1xf32>
    %exp3A = math.exp %sub3A : vector<512x1xf32>
    %sub3A_44 = arith.subf %add3A_43, %max3A : vector<512x1xf32>
    %exp3A_45 = math.exp %sub3A_44 : vector<512x1xf32>
    %add3A_46 = arith.addf %exp3A, %exp3A_45 : vector<512x1xf32>
    %div3A = arith.constant 1.000000e+00 : f32
    %div3A_47 = vector.broadcast %div3A : f32 to vector<512x1xf32>
    %div3A_48 = arith.divf %div3A_47, %add3A_46 : vector<512x1xf32>
    %mul3A_49 = arith.mulf %exp3A, %div3A_48 : vector<512x1xf32>
    %mul3A_50 = vector.broadcast %mul3A_49 : vector<512x1xf32> to vector<512x128xf32>
    %mul3A_51 = arith.mulf %mul3A_50, %get3A_1 : vector<512x128xf32>
    %mul3A_52 = arith.mulf %exp3A_45, %div3A_48 : vector<512x1xf32>
    %mul3A_53 = vector.broadcast %mul3A_52 : vector<512x1xf32> to vector<512x128xf32>
    %mul3A_54 = arith.mulf %mul3A_53, %add3A_24 : vector<512x128xf32>
    %add3A_55 = arith.addf %mul3A_51, %mul3A_54 : vector<512x128xf32>
    %swap3A = arith.constant 0 : index
    %swap3A_56 = arith.constant 0 : index
    %swap3A_57 = vector.load %arg8[%swap3A, %swap3A_56] : memref<512x128xf32, #tpu.memory_space<vmem>>, vector<512x128xf32>
    tpu.vector_store %arg8[%swap3A, %swap3A_56], %add3A_55 {strides = array<i32>} : memref<512x128xf32, #tpu.memory_space<vmem>>, vector<512x128xf32>,
    %eq3A = arith.constant 0 : i32
    %eq3A_58 = arith.cmpi eq, %arg0, %eq3A : i32
    %convert_element_type3A = arith.extui %eq3A_58 : i1 to i32
    %cond3A = arith.constant 0 : i32
    %cond3A_59 = arith.cmpi ne, %convert_element_type3A, %cond3A : i32
    scf.if %cond3A_59 {
      %broadcast_in_dim3A_76 = arith.constant 0.000000e+00 : f32
      %broadcast_in_dim3A_77 = vector.broadcast %broadcast_in_dim3A_76 : f32 to vector<2x128xf32>
      %swap3A_78 = arith.constant 0 : index
      %swap3A_79 = arith.constant 0 : index
      %swap3A_80 = vector.load %arg10[%swap3A_78, %swap3A_79] : memref<2x128xf32, #tpu.memory_space<vmem>>, vector<2x128xf32>
      tpu.vector_store %arg10[%swap3A_78, %swap3A_79], %broadcast_in_dim3A_77 {strides = array<i32>} : memref<2x128xf32, #tpu.memory_space<vmem>>, vector<2x128xf32>,
    } else {
    }
    %reduce_sum3A_60 = arith.constant dense<0.000000e+00> : vector<128xf32>
    %reduce_sum3A_61 = vector.multi_reduction <add>, %add3A_55, %reduce_sum3A_60 [0] : vector<512x128xf32> to vector<128xf32>
    %broadcast_in_dim3A_62 = vector.shape_cast %reduce_sum3A_61 : vector<128xf32> to vector<1x128xf32>
    %lt3A = arith.constant 8 : i32
    %lt3A_63 = arith.cmpi slt, %arg0, %lt3A : i32
    %convert_element_type3A_64 = arith.extui %lt3A_63 : i1 to i32
    %cond3A_65 = arith.constant 0 : i32
    %cond3A_66 = arith.cmpi ne, %convert_element_type3A_64, %cond3A_65 : i32
    scf.if %cond3A_66 {
      %get3A_76 = arith.constant 0 : index
      %get3A_77 = arith.constant 0 : index
      %get3A_78 = vector.load %arg10[%get3A_76, %get3A_77] : memref<2x128xf32, #tpu.memory_space<vmem>>, vector<1x128xf32>
      %add3A_79 = arith.addf %get3A_78, %broadcast_in_dim3A_62 : vector<1x128xf32>
      %swap3A_80 = arith.constant 0 : index
      %swap3A_81 = arith.constant 0 : index
      %swap3A_82 = vector.load %arg10[%swap3A_80, %swap3A_81] : memref<2x128xf32, #tpu.memory_space<vmem>>, vector<1x128xf32>
      tpu.vector_store %arg10[%swap3A_80, %swap3A_81], %add3A_79 {strides = array<i32>} : memref<2x128xf32, #tpu.memory_space<vmem>>, vector<1x128xf32>,
    } else {
    }
    %ge3A = arith.constant 8 : i32
    %ge3A_67 = arith.cmpi sge, %arg0, %ge3A : i32
    %convert_element_type3A_68 = arith.extui %ge3A_67 : i1 to i32
    %cond3A_69 = arith.constant 0 : i32
    %cond3A_70 = arith.cmpi ne, %convert_element_type3A_68, %cond3A_69 : i32
    scf.if %cond3A_70 {
      %get3A_76 = arith.constant 1 : index
      %get3A_77 = arith.constant 0 : index
      %get3A_78 = vector.load %arg10[%get3A_76, %get3A_77] : memref<2x128xf32, #tpu.memory_space<vmem>>, vector<1x128xf32>
      %add3A_79 = arith.addf %get3A_78, %broadcast_in_dim3A_62 : vector<1x128xf32>
      %swap3A_80 = arith.constant 1 : index
      %swap3A_81 = arith.constant 0 : index
      %swap3A_82 = vector.load %arg10[%swap3A_80, %swap3A_81] : memref<2x128xf32, #tpu.memory_space<vmem>>, vector<1x128xf32>
      tpu.vector_store %arg10[%swap3A_80, %swap3A_81], %add3A_79 {strides = array<i32>} : memref<2x128xf32, #tpu.memory_space<vmem>>, vector<1x128xf32>,
    } else {
    }
    %eq3A_71 = arith.constant 15 : i32
    %eq3A_72 = arith.cmpi eq, %arg0, %eq3A_71 : i32
    %convert_element_type3A_73 = arith.extui %eq3A_72 : i1 to i32
    %cond3A_74 = arith.constant 0 : i32
    %cond3A_75 = arith.cmpi ne, %convert_element_type3A_73, %cond3A_74 : i32
    scf.if %cond3A_75 {
      %get3A_76 = arith.constant 0 : index
      %get3A_77 = arith.constant 0 : index
      %get3A_78 = vector.load %arg10[%get3A_76, %get3A_77] : memref<2x128xf32, #tpu.memory_space<vmem>>, vector<1x128xf32>
      %get3A_79 = arith.constant 1 : index
      %get3A_80 = arith.constant 0 : index
      %get3A_81 = vector.load %arg10[%get3A_79, %get3A_80] : memref<2x128xf32, #tpu.memory_space<vmem>>, vector<1x128xf32>
      %sub3A_82 = arith.subf %get3A_78, %get3A_81 : vector<1x128xf32>
      %mul3A_83 = arith.constant 2.44140625E-4 : f32
      %mul3A_84 = vector.broadcast %mul3A_83 : f32 to vector<1x128xf32>
      %mul3A_85 = arith.mulf %sub3A_82, %mul3A_84 : vector<1x128xf32>
      %mul3A_86 = arith.mulf %mul3A_85, %mul3A_85 : vector<1x128xf32>
      %reduce_sum3A_87 = arith.constant dense<0.000000e+00> : vector<1xf32>
      %reduce_sum3A_88 = vector.multi_reduction <add>, %mul3A_86, %reduce_sum3A_87 [1] : vector<1x128xf32> to vector<1xf32>
      %broadcast_in_dim3A_89 = vector.shape_cast %reduce_sum3A_88 : vector<1xf32> to vector<1x1xf32>
      %swap3A_90 = arith.constant 0 : index
      %swap3A_91 = arith.constant 0 : index
      %swap3A_92 = vector.load %arg9[%swap3A_90, %swap3A_91] : memref<1x1xf32, #tpu.memory_space<vmem>>, vector<1x1xf32>
      tpu.vector_store %arg9[%swap3A_90, %swap3A_91], %broadcast_in_dim3A_89 {strides = array<i32>} : memref<1x1xf32, #tpu.memory_space<vmem>>, vector<1x1xf32>,
    } else {
    }
    return
  }
  func.func @transform_0(%arg0: i32) -> (i32, i32) {
    %c0_i32 = arith.constant 0 : i32
    %c0_i32_0 = arith.constant 0 : i32
    return %arg0, %c0_i32 : i32, i32
  }
  func.func @transform_1(%arg0: i32) -> (i32, i32) {
    %c0_i32 = arith.constant 0 : i32
    %c0_i32_0 = arith.constant 0 : i32
    return %arg0, %c0_i32 : i32, i32
  }
  func.func @transform_2(%arg0: i32) -> (i32, i32, i32) {
    %c0_i32 = arith.constant 0 : i32
    %c0_i32_0 = arith.constant 0 : i32
    %c0_i32_1 = arith.constant 0 : i32
    return %c0_i32, %arg0, %c0_i32_0 : i32, i32, i32
  }
  func.func @transform_3(%arg0: i32) -> (i32, i32) {
    %c0_i32 = arith.constant 0 : i32
    %c0_i32_0 = arith.constant 0 : i32
    return %arg0, %c0_i32 : i32, i32
  }
  func.func @transform_4(%arg0: i32) -> (i32, i32) {
    %c0_i32 = arith.constant 0 : i32
    %c0_i32_0 = arith.constant 0 : i32
    %c0_i32_1 = arith.constant 0 : i32
    return %c0_i32, %c0_i32_0 : i32, i32
  }
  func.func @transform_5(%arg0: i32) -> (i32, i32) {
    %c0_i32 = arith.constant 0 : i32
    %c0_i32_0 = arith.constant 0 : i32
    %c0_i32_1 = arith.constant 0 : i32
    return %c0_i32, %c0_i32_0 : i32, i32
  }
  func.func @transform_6(%arg0: i32) -> (i32, i32) {
    %c0_i32 = arith.constant 0 : i32
    %c0_i32_0 = arith.constant 0 : i32
    %c0_i32_1 = arith.constant 0 : i32
    return %c0_i32, %c0_i32_0 : i32, i32
  }
  func.func @transform_7(%arg0: i32) -> (i32, i32) {
    %c0_i32 = arith.constant 0 : i32
    %c0_i32_0 = arith.constant 0 : i32
    return %arg0, %c0_i32 : i32, i32
  }
  func.func @transform_8(%arg0: i32) -> (i32, i32) {
    %c0_i32 = arith.constant 0 : i32
    %c0_i32_0 = arith.constant 0 : i32
    %c0_i32_1 = arith.constant 0 : i32
    return %c0_i32, %c0_i32_0 : i32, i32
  }
}

</mosaic_0001>

<sc_bundles>
// kernel: kernel.11.cloned.1.call-start
scs
__scs_entry_jumppad:
0x0: {  	(pc) =	sbr.rel $0x88, $3  }
0x1: {  	(tag) =	ssettag $0x0;
	lr =	simm.s32 $0x1  }
0x2: {  	[smem:$0x3F9B] =	sst lr;
	_ =	strace $0xD0000000  }
0x3: {  	_ = 	snop  }
0x4: {  	_ = 	snop  }
0x5: {  	_ = 	snop  }
0x6: {  	_ = 	snop  }
0x7: {  	_ = 	snop  }
__scs_overlays_trampoline_lowered:
0x8: {  	[smem:$0x3FAA] =	sst s0  }
0x9: {  	[smem:$0x3FAB] =	sst s1  }
0xa: {  	[smem:$0x3FAC] =	sst s2  }
0xb: {  	[smem:$0x3FAD] =	sst s3  }
0xc: {  	[smem:$0x3FAE] =	sst s4  }
0xd: {  	[smem:$0x3FAF] =	sst s5  }
0xe: {  	[smem:$0x3FB0] =	sst s6  }
0xf: {  	[smem:$0x3FB1] =	sst s7  }
0x10: {  	[smem:$0x3FB2] =	sst s8  }
0x11: {  	[smem:$0x3FB3] =	sst s9;
	s0 =	simm.s32 @!p0 $0x0  }
0x12: {  	s1 =	sld [smem:$0x3F99];
	s0 =	simm.s32 @p0 $0x1  }
0x13: {  	[smem:$0x3FB4] =	sst s0;
	s0 =	simm.s32 @!p1 $0x0  }
0x14: {  	s2 =	sld [smem:$0x3F98];
	s0 =	simm.s32 @p1 $0x1  }
0x15: {  	[smem:$0x3FB5] =	sst s0;
	s0 =	simm.s32 @!p2 $0x0  }
0x16: {  	s3 =	sld [smem:$0x3FDB];
	s0 =	simm.s32 @p2 $0x1  }
0x17: {  	s4 =	simm.s32 $0x1BF5;
	[smem:$0x3FB7] =	sst s0  }
0x18: {  	s0 =	sld [smem:$0x3F9A];
	_ =	swait.ge [sflag:s4], $0x0  }
0x19: {  	s7 =	sld [smem:$0x3F9B]  }
0x1a: {  	s8 =	sadd.s32 $0xFFFFE003, lr  }
0x1b: {  	s9 =	sadd.s32 $0xFFFFFEF7, lr;
	s5 =	simm.s32 $0xFFFFFFFF;
	p2 =	slt.u32 s8, $0xFFFFF086  }
0x1c: {  	p1 =	slt.u32 s9, $0xF7A;
	s5 =	simm.s32 @!p2 $0x0  }
0x1d: {  	s5 =	simm.s32 @p1 $0x1;
	p0 =	seq.s32 s7, s2  }
0x1e: {  	s7 =	smul.u32 @!p0 $0xF7A, s2;
	p2 =	seq.s32 @!p0 s5, $0x0  }
0x1f: {  	s9 =	smul.u32 $0xF7A, s1;
	s8 =	simm.s32 @!p0 $0x1BF5;
	p2 =	por !p2, p0  }
0x20: {  	[sflag:s8] =	ssyncset.s32 @!p0 $0xFFFFF086;
	s6 =	sadd.s32 @!p0 s3, s7;
	s7 =	simm.s32 @!p0 $0x108  }
0x21: {  	s3 =	sadd.s32 s3, s9;
	s6 =	sadd.s32 @!p0 $0x88, s6;
	s7 =	simm.s32 @p2 $0x1082  }
0x22: {  	[simem:s7], [sflag:s8] =	dma.local @!p0 [hbm:s6], $0xF7A  }
0x23: {  	s9 =	sor.u32 $0xD0000000, s2;
	s6 =	simm.s32 $0x108;
	_ =	swait.ge @!p0 [sflag:s8], $0x0  }
0x24: {  	s3 =	sadd.s32 $0x88, s3;
	s6 =	simm.s32 @!p1 $0x1082;
	[sflag:s4] =	ssyncset.s32 $0xFFFFF086  }
0x25: {  	[simem:s6], [sflag:s4] =	dma.local [hbm:s3], $0xF7A  }
0x26: {  	[smem:$0x3F9B] =	sst s1;
	(tag) =	ssettag s2;
	_ =	strace s9  }
0x27: {  	s1 =	sld [smem:$0x3FAB]  }
0x28: {  	s2 =	sld [smem:$0x3FAC]  }
0x29: {  	s4 =	sld [smem:$0x3FAE]  }
0x2a: {  	p0 =	seq.s32 s5, $0x0;
	s5 =	sld [smem:$0x3FAF]  }
0x2b: {  	s6 =	sld [smem:$0x3FB0]  }
0x2c: {  	s7 =	sld [smem:$0x3FB1]  }
0x2d: {  	s3 =	simm.s32 $0x108;
	s8 =	sld [smem:$0x3FB2]  }
0x2e: {  	s3 =	simm.s32 @!p0 $0x1082;
	s9 =	sld [smem:$0x3FB3]  }
0x2f: {  	lr =	sadd.s32 s0, s3;
	s0 =	sld [smem:$0x3FAA]  }
0x30: {  	s3 =	sld [smem:$0x3FAD]  }
0x31: {  	[smem:$0x3FB6] =	sst s10  }
0x32: {  	s10 =	sld [smem:$0x3FB4];
	_ =	sdelay $0x3  }
0x33: {  	p0 =	seq.s32 s10, $0x1;
	s10 =	sld [smem:$0x3FB6];
	_ =	sdelay $0x3  }
0x34: {  	[smem:$0x3FB6] =	sst s10  }
0x35: {  	s10 =	sld [smem:$0x3FB5];
	_ =	sdelay $0x3  }
0x36: {  	p1 =	seq.s32 s10, $0x1;
	s10 =	sld [smem:$0x3FB6];
	_ =	sdelay $0x3  }
0x37: {  	[smem:$0x3FB6] =	sst s10  }
0x38: {  	s10 =	sld [smem:$0x3FB7]  }
0x39: {  	_ = 	snop;
	(pc) =	sbr.ind lr, $3  }
0x3a: {  	_ = 	snop  }
0x3b: {  	_ = 	snop  }
0x3c: {  	p2 =	seq.s32 s10, $0x1;
	s10 =	sld [smem:$0x3FB6]  }
0x3d: {  	_ =	shalt  }
0x3e: {  	_ =	shalt  }
0x3f: {  	_ =	shalt  }
0x40: {  	_ =	shalt  }
0x41: {  	_ =	shalt  }
0x42: {  	_ =	shalt  }
0x43: {  	_ =	shalt  }
0x44: {  	_ =	shalt  }
0x45: {  	_ =	shalt  }
0x46: {  	_ =	shalt  }
0x47: {  	_ =	shalt  }
0x48: {  	_ =	shalt  }
0x49: {  	_ =	shalt  }
0x4a: {  	_ =	shalt  }
0x4b: {  	_ =	shalt  }
0x4c: {  	_ =	shalt  }
0x4d: {  	_ =	shalt  }
0x4e: {  	_ =	shalt  }
0x4f: {  	_ =	shalt  }
0x50: {  	_ =	shalt  }
0x51: {  	_ =	shalt  }
0x52: {  	_ =	shalt  }
0x53: {  	_ =	shalt  }
0x54: {  	_ =	shalt  }
0x55: {  	_ =	shalt  }
0x56: {  	_ =	shalt  }
0x57: {  	_ =	shalt  }
0x58: {  	_ =	shalt  }
0x59: {  	_ =	shalt  }
0x5a: {  	_ =	shalt  }
0x5b: {  	_ =	shalt  }
0x5c: {  	_ =	shalt  }
0x5d: {  	_ =	shalt  }
0x5e: {  	_ =	shalt  }
0x5f: {  	_ =	shalt  }
0x60: {  	_ =	shalt  }
0x61: {  	_ =	shalt  }
0x62: {  	_ =	shalt  }
0x63: {  	_ =	shalt  }
0x64: {  	_ =	shalt  }
0x65: {  	_ =	shalt  }
0x66: {  	_ =	shalt  }
0x67: {  	_ =	shalt  }
0x68: {  	_ =	shalt  }
0x69: {  	_ =	shalt  }
0x6a: {  	_ =	shalt  }
0x6b: {  	_ =	shalt  }
0x6c: {  	_ =	shalt  }
0x6d: {  	_ =	shalt  }
0x6e: {  	_ =	shalt  }
0x6f: {  	_ =	shalt  }
0x70: {  	_ =	shalt  }
0x71: {  	_ =	shalt  }
0x72: {  	_ =	shalt  }
0x73: {  	_ =	shalt  }
0x74: {  	_ =	shalt  }
0x75: {  	_ =	shalt  }
0x76: {  	_ =	shalt  }
0x77: {  	_ =	shalt  }
0x78: {  	_ =	shalt  }
0x79: {  	_ =	shalt  }
0x7a: {  	_ =	shalt  }
0x7b: {  	_ =	shalt  }
0x7c: {  	_ =	shalt  }
0x7d: {  	_ =	shalt  }
0x7e: {  	_ =	shalt  }
0x7f: {  	_ =	shalt  }
0x80: {  	_ =	shalt  }
0x81: {  	_ =	shalt  }
0x82: {  	_ =	shalt  }
0x83: {  	_ =	shalt  }
0x84: {  	_ =	shalt  }
0x85: {  	_ =	shalt  }
0x86: {  	_ =	shalt  }
0x87: {  	_ =	shalt  }
.Lfunc_end0:
.L_simem_size_0:
called_computation.1_lowered:
.L_overlay_start_0:
0x88: {  	s2 =	sld [smem:$0x3FD9]  }
0x89: {  	s3 =	sld [smem:$0x3FFE];
	_ =	sdelay $0x1  }
0x8a: {  	s1 =	srdreg.scid  }
0x8b: {  	s0 =	sand.u32 $0x1, s1  }
0x8c: {  	s14 =	sshll.u32 s0, $0xA;
	s2 =	sadd.s32 s3, s2  }
0x8d: {  	s2 =	sadd.s32 s2, s14  }
0x8e: {  	[smem:$0x3FC2] =	sst s2  }
0x8f: {  	_ = 	snop  }
0x90: {  	s2 =	sld [smem:$0x3FD0];
	_ =	sdelay $0x2  }
0x91: {  	s15 =	simm.s32 $0xA;
	s4 =	simm.s32 $0x10  }
0x92: {  	[smem:s4], [sflag:s15] =	dma.local [hbm:s2], $0x1  }
0x93: {  	_ =	swait.eq [sflag:s15], $0x1  }
0x94: {  	[sflag:s15] =	ssyncset.done $0x0  }
0x95: {  	[sflag:s15] =	ssyncadd.s32 $0xFFFFFFFF  }
0x96: {  	s16 =	sld [smem:$0x11];
	(tm) =	ssettm $0x1  }
0x97: {  	s17 =	sld [smem:$0x3FFB];
	_ =	sdelay $0x3  }
0x98: {  	_ =	strace s17  }
0x99: {  	s3 =	sld [smem:$0x3FFC];
	_ =	sdelay $0x3  }
0x9a: {  	_ =	strace s3  }
0x9b: {  	s3 =	sld [smem:$0x3FFD];
	_ =	sdelay $0x3  }
0x9c: {  	_ =	strace s3  }
0x9d: {  	_ =	strace $0x8FFFFFFF  }
0x9e: {  	s18 =	sld [smem:$0x3FDB];
	_ =	sdelay $0x1  }
0x9f: {  	s19 =	simm.s32 $_scs_section_size  }
0xa0: {  	s5 =	simm.s32 $_size__tile_overlayer_lowered;
	s6 =	simm.s32 $_tile_overlayer_lowered  }
0xa1: {  	s22 =	simm.s32 $0x1BFF;
	s21 =	sshll.u32 s6, $0x1;
	s3 =	sadd.s32 s19, s18  }
0xa2: {  	s7 =	simm.s32 $0x0;
	s20 =	sshll.u32 s5, $0x1;
	s5 =	sadd.s32 s21, s3  }
0xa3: {  	[timem:s7], [sflag:s22] =	dma.local [hbm:s5], s20  }
0xa4: {  	_ =	swait.ge [sflag:s22], s20  }
0xa5: {  	s4 =	ssub.s32 $0x0, s20;
	[sflag:s22] =	ssyncset.done $0x0  }
0xa6: {  	[sflag:s22] =	ssyncadd.s32 s4;
	_ =	sdelay $0x1  }
0xa7: {  	s23 =	simm.s32 $0x1B8B  }
0xa8: {  	_ =	swait.ge [sflag:s23], $0x1  }
0xa9: {  	[sflag:s23] =	ssyncset.done $0x0  }
0xaa: {  	s25 =	simm.s32 $0x1B8E;
	s24 =	sld [smem:$0x3FFE];
	[sflag:s23] =	ssyncadd.s32 $0xFFFFFFFF  }
0xab: {  	s26 =	simm.s32 $execute0_lowered;
	[smem:$0x3FD2] =	sst s25  }
0xac: {  	s5 =	sshll.u32 s26, $0x1;
	_ =	strace $0x80000049;
	[dreg:$0x1] =	wrdreg $0xFFFFFFFF  }
0xad: {  	s28 =	simm.s32 $_size_execute0_lowered;
	s3 =	sadd.s32 s3, s5;
	[dreg:$0x0] =	wrdreg $0x0  }
0xae: {  	s5 =	sshll.u32 s28, $0x1;
	[dreg:$0x2] =	wrdreg s3  }
0xaf: {  	[dreg:$0x3] =	wrdreg s5  }
0xb0: {  	[dreg:$0x4] =	wrdreg $0xC0  }
0xb1: {  	_ =	task [dreg:s7], $0x5FFFF  }
0xb2: {  	[dreg:$0x1] =	wrdreg $0xFFFFFFFF  }
0xb3: {  	[dreg:$0x0] =	wrdreg $0x60  }
0xb4: {  	[dreg:$0x2] =	wrdreg s24  }
0xb5: {  	[dreg:$0x3] =	wrdreg s16  }
0xb6: {  	[dreg:$0x4] =	wrdreg $0x88000  }
0xb7: {  	[dreg:$0x5] =	wrdreg $0x9  }
0xb8: {  	_ =	task.clear_ibuf [dreg:s7], $0x6FFFF;
	_ =	strace $0x90000049  }
0xb9: {  	s29 =	simm.s32 $0x9;
	_ =	strace $0x8000004B  }
0xba: {  	_ =	swait.ge [sflag:s29], $0x1  }
0xbb: {  	[sflag:s29] =	ssyncadd.s32 $0xFFFFFFFF  }
0xbc: {  	_ =	strace $0x9000004B  }
0xbd: {  	_ =	sfence  }
0xbe: {  	s30 =	sld [smem:$0x0];
	_ =	sdelay $0x2  }
0xbf: {  	s31 =	sshll.u32 s1, $0xD;
	s1 =	sshrl.u32 s1, $0x2  }
0xc0: {  	s3 =	sand.u32 $0x4000, s31;
	s1 =	sadd.s32 s1, s30  }
0xc1: {  	s0 =	sor.u32 s3, s0;
	s1 =	sshll.u32 s1, $0x11  }
0xc2: {  	s0 =	sor.u32 s1, s0  }
0xc3: {  	s0 =	sadd.s32 $0x8F2B, s0  }
0xc4: {  	[sflag:s0] =	ssyncadd.remote.s32 $0x1  }
0xc5: {  	_ =	sfence.sel $0xFFFF  }
0xc6: {  	[dreg:$0x0] =	wrdreg $0xFFFFFFFF;
	(pc) =	sbr.abs _section_cstart, $3  }
0xc7: {  	[dreg:$0x1] =	wrdreg $0xFFFFFFFF  }
0xc8: {  	_ =	task.clear_ibuf [dreg:s7], $0x2FFFF;
	_ =	strace $0x9FFFFFFF  }
0xc9: {  	(tm) =	ssettm $0x7FFFFFFF  }
tec
execute0_lowered:
.L_overlay_start_1:
0x0: {  	(tag) =	ssettag $0x1  }
0x1: {  	s30 =	rddreg [dreg:$0x0]  }
0x2: {  	s4 =	rddreg [dreg:$0x1]  }
0x3: {  	s2 =	rddreg [dreg:$0x2];
	s3 =	simm.s32 $0x0;
	s1 =	stileid.u32  }
0x4: {  	s5 =	srdreg.scid;
	[smem:$0x7FF] =	sst s3  }
0x5: {  	s0 =	sshll.u32 s1, $0xD;
	s31 =	sand.u32 $0x1, s5;
	s23 =	sshll.u32 s1, $0x8  }
0x6: {  	s6 =	sshll.u32 s1, $0x10;
	s25 =	sshll.u32 s1, $0x6;
	_ =	strace $0x8000004A  }
0x7: {  	s4 =	sadd.s32 s4, s0;
	s5 =	sshll.u32 s31, $0xC;
	s24 =	sadd.s32 s6, s2  }
0x8: {  	[dreg:$0x4] =	wrdreg s4;
	s9 =	sor.u32 s23, s5;
	s5 =	sor.u32 $0x1C01, s25  }
0x9: {  	s6 =	sshrl.u32 s24, $0x3;
	s4 =	simm.s32 $0x1;
	s7 =	rddreg [dreg:$0x4]  }
0xa: {  	[spmem:s6], [sflag:s5] =	dma.local [hbm:s7], $0x2000  }
0xb: {  	s26 =	sshll.u32 s9, $0x4;
	_ =	swait.ge [sflag:s4], $0x2000  }
0xc: {  	s7 =	sadd.s32 s26, s30;
	[sflag:s4] =	ssyncset.done $0x0  }
0xd: {  	s8 =	simm.s32 $0x800;
	s7 =	sadd.s32 $0x3000, s7;
	[sflag:s4] =	ssyncadd.s32 $0xFFFFE000  }
0xe: {  	[tilespmem:s8], [sflag:$0x1] =	stream.linear.gather [hbm4b:s7+s3], $0x8000, $0x38;
	[tilespmem:$0x18800] =	vst v63  }
0xf: {  	s9 =	sshrl.u32 s9, $0x3;
	_ =	swait.ge [sflag:s4], $0x8000  }
0x10: {  	s26 =	sadd.s32 s9, s30;
	[sflag:s4] =	ssyncset.done $0x0  }
0x11: {  	s9 =	sadd.s32 $0x1C00, s26;
	[sflag:s4] =	ssyncadd.s32 $0xFFFF8000  }
0x12: {  	[tilespmem:s3], [sflag:$0x1] =	stream.linear.gather [hbm4b:s9+s3], $0x80, $0x38;
	[tilespmem:$0x18800] =	vst v63  }
0x13: {  	_ =	swait.ge [sflag:s4], $0x80  }
0x14: {  	[sflag:s4] =	ssyncset.done $0x0  }
0x15: {  	s11 =	simm.s32 $0x80;
	s10 =	sadd.s32 $0x1C10, s26;
	[sflag:s4] =	ssyncadd.s32 $0xFFFFFF80  }
0x16: {  	[tilespmem:s11], [sflag:$0x1] =	stream.linear.gather [hbm4b:s10+s3], $0x80, $0x38;
	[tilespmem:$0x18800] =	vst v63  }
0x17: {  	_ =	swait.ge [sflag:s4], $0x80  }
0x18: {  	[sflag:s4] =	ssyncset.done $0x0  }
0x19: {  	s13 =	simm.s32 $0x100;
	s12 =	sadd.s32 $0x2000, s26;
	[sflag:s4] =	ssyncadd.s32 $0xFFFFFF80  }
0x1a: {  	[tilespmem:s13], [sflag:$0x1] =	stream.linear.gather [hbm4b:s12+s3], $0x80, $0x38;
	[tilespmem:$0x18800] =	vst v63  }
0x1b: {  	_ =	swait.ge [sflag:s4], $0x80  }
0x1c: {  	[sflag:s4] =	ssyncset.done $0x0  }
0x1d: {  	s15 =	simm.s32 $0x180;
	s14 =	sadd.s32 $0x2010, s26;
	[sflag:s4] =	ssyncadd.s32 $0xFFFFFF80  }
0x1e: {  	[tilespmem:s15], [sflag:$0x1] =	stream.linear.gather [hbm4b:s14+s3], $0x80, $0x38;
	[tilespmem:$0x18800] =	vst v63  }
0x1f: {  	_ =	swait.ge [sflag:s4], $0x80  }
0x20: {  	[sflag:s4] =	ssyncset.done $0x0  }
0x21: {  	s17 =	simm.s32 $0x200;
	s16 =	sadd.s32 $0x2400, s26;
	[sflag:s4] =	ssyncadd.s32 $0xFFFFFF80  }
0x22: {  	[tilespmem:s17], [sflag:$0x1] =	stream.linear.gather [hbm4b:s16+s3], $0x80, $0x38;
	[tilespmem:$0x18800] =	vst v63  }
0x23: {  	_ =	swait.ge [sflag:s4], $0x80  }
0x24: {  	[sflag:s4] =	ssyncset.done $0x0  }
0x25: {  	s19 =	simm.s32 $0x280;
	s18 =	sadd.s32 $0x2410, s26;
	[sflag:s4] =	ssyncadd.s32 $0xFFFFFF80  }
0x26: {  	[tilespmem:s19], [sflag:$0x1] =	stream.linear.gather [hbm4b:s18+s3], $0x80, $0x38;
	[tilespmem:$0x18800] =	vst v63  }
0x27: {  	_ =	swait.ge [sflag:s4], $0x80  }
0x28: {  	[sflag:s4] =	ssyncset.done $0x0  }
0x29: {  	s21 =	simm.s32 $0x300;
	s20 =	sadd.s32 $0x2800, s26;
	[sflag:s4] =	ssyncadd.s32 $0xFFFFFF80  }
0x2a: {  	[tilespmem:s21], [sflag:$0x1] =	stream.linear.gather [hbm4b:s20+s3], $0x80, $0x38;
	[tilespmem:$0x18800] =	vst v63  }
0x2b: {  	_ =	swait.ge [sflag:s4], $0x80  }
0x2c: {  	[sflag:s4] =	ssyncset.done $0x0  }
0x2d: {  	s23 =	simm.s32 $0x380;
	s22 =	sadd.s32 $0x2810, s26;
	[sflag:s4] =	ssyncadd.s32 $0xFFFFFF80  }
0x2e: {  	[tilespmem:s23], [sflag:$0x1] =	stream.linear.gather [hbm4b:s22+s3], $0x80, $0x38;
	[tilespmem:$0x18800] =	vst v63  }
0x2f: {  	_ =	swait.ge [sflag:s4], $0x80  }
0x30: {  	[sflag:s4] =	ssyncset.done $0x0  }
0x31: {  	s25 =	simm.s32 $0x400;
	s24 =	sadd.s32 $0x2C00, s26;
	[sflag:s4] =	ssyncadd.s32 $0xFFFFFF80  }
0x32: {  	[tilespmem:s25], [sflag:$0x1] =	stream.linear.gather [hbm4b:s24+s3], $0x80, $0x38;
	[tilespmem:$0x18800] =	vst v63  }
0x33: {  	_ =	swait.ge [sflag:s4], $0x80  }
0x34: {  	[sflag:s4] =	ssyncset.done $0x0  }
0x35: {  	s28 =	simm.s32 $0x480;
	s26 =	sadd.s32 $0x2C10, s26;
	[sflag:s4] =	ssyncadd.s32 $0xFFFFFF80  }
0x36: {  	[tilespmem:s28], [sflag:$0x1] =	stream.linear.gather [hbm4b:s26+s3], $0x80, $0x38;
	[tilespmem:$0x18800] =	vst v63  }
0x37: {  	_ =	swait.ge [sflag:s4], $0x80  }
0x38: {  	[sflag:s4] =	ssyncset.done $0x0  }
0x39: {  	[sflag:s4] =	ssyncadd.s32 $0xFFFFFF80  }
0x3a: {  	[bflag:$0x0] =	sbarrier.arrive $0xFFFF  }
0x3b: {  	[spmem:s2] =	stream.indirect.scatter.add.f32 [tilespmem:s8], [sflag:$0x1], $0x80, s3, s11, $0xb8;
	[tilespmem:$0x18800] =	vst v63  }
0x3c: {  	_ =	swait.ge [sflag:s4], $0x4000  }
0x3d: {  	[sflag:s4] =	ssyncset.done $0x0  }
0x3e: {  	s29 =	simm.s32 $0x4800;
	[sflag:s4] =	ssyncadd.s32 $0xFFFFC000  }
0x3f: {  	[spmem:s2] =	stream.indirect.scatter.add.f32 [tilespmem:s29], [sflag:$0x1], $0x80, s11, s11, $0xb8;
	[tilespmem:$0x18800] =	vst v63  }
0x40: {  	_ =	swait.ge [sflag:s4], $0x4000  }
0x41: {  	[sflag:s4] =	ssyncset.done $0x0  }
0x42: {  	[sflag:s4] =	ssyncadd.s32 $0xFFFFC000  }
0x43: {  	[spmem:s2] =	stream.indirect.scatter.add.f32 [tilespmem:s8], [sflag:$0x1], $0x80, s13, s11, $0xb8;
	[tilespmem:$0x18800] =	vst v63  }
0x44: {  	_ =	swait.ge [sflag:s4], $0x4000  }
0x45: {  	[sflag:s4] =	ssyncset.done $0x0  }
0x46: {  	[sflag:s4] =	ssyncadd.s32 $0xFFFFC000  }
0x47: {  	[spmem:s2] =	stream.indirect.scatter.add.f32 [tilespmem:s29], [sflag:$0x1], $0x80, s15, s11, $0xb8;
	[tilespmem:$0x18800] =	vst v63  }
0x48: {  	_ =	swait.ge [sflag:s4], $0x4000  }
0x49: {  	[sflag:s4] =	ssyncset.done $0x0  }
0x4a: {  	[sflag:s4] =	ssyncadd.s32 $0xFFFFC000  }
0x4b: {  	[spmem:s2] =	stream.indirect.scatter.add.f32 [tilespmem:s8], [sflag:$0x1], $0x80, s17, s11, $0xb8;
	[tilespmem:$0x18800] =	vst v63  }
0x4c: {  	_ =	swait.ge [sflag:s4], $0x4000  }
0x4d: {  	[sflag:s4] =	ssyncset.done $0x0  }
0x4e: {  	[sflag:s4] =	ssyncadd.s32 $0xFFFFC000  }
0x4f: {  	[spmem:s2] =	stream.indirect.scatter.add.f32 [tilespmem:s29], [sflag:$0x1], $0x80, s19, s11, $0xb8;
	[tilespmem:$0x18800] =	vst v63  }
0x50: {  	_ =	swait.ge [sflag:s4], $0x4000  }
0x51: {  	[sflag:s4] =	ssyncset.done $0x0  }
0x52: {  	[sflag:s4] =	ssyncadd.s32 $0xFFFFC000  }
0x53: {  	[spmem:s2] =	stream.indirect.scatter.add.f32 [tilespmem:s8], [sflag:$0x1], $0x80, s21, s11, $0xb8;
	[tilespmem:$0x18800] =	vst v63  }
0x54: {  	_ =	swait.ge [sflag:s4], $0x4000  }
0x55: {  	[sflag:s4] =	ssyncset.done $0x0  }
0x56: {  	[sflag:s4] =	ssyncadd.s32 $0xFFFFC000  }
0x57: {  	[spmem:s2] =	stream.indirect.scatter.add.f32 [tilespmem:s29], [sflag:$0x1], $0x80, s23, s11, $0xb8;
	[tilespmem:$0x18800] =	vst v63  }
0x58: {  	_ =	swait.ge [sflag:s4], $0x4000  }
0x59: {  	[sflag:s4] =	ssyncset.done $0x0  }
0x5a: {  	s0 =	sadd.s32 s0, s30;
	s30 =	ssub.s32 $0x2, s31;
	[sflag:s4] =	ssyncadd.s32 $0xFFFFC000  }
0x5b: {  	[spmem:s2] =	stream.indirect.scatter.add.f32 [tilespmem:s8], [sflag:$0x1], $0x80, s25, s11, $0xb8;
	[tilespmem:$0x18800] =	vst v63  }
0x5c: {  	s1 =	sshrl.u32 s30, $0x1;
	_ =	swait.ge [sflag:s4], $0x4000  }
0x5d: {  	s1 =	ssub.s32 s30, s1;
	[sflag:s4] =	ssyncset.done $0x0  }
0x5e: {  	s1 =	smax.u32 s1, $0x1;
	[sflag:s4] =	ssyncadd.s32 $0xFFFFC000  }
0x5f: {  	[spmem:s2] =	stream.indirect.scatter.add.f32 [tilespmem:s29], [sflag:$0x1], $0x80, s28, s11, $0xb8;
	[tilespmem:$0x18800] =	vst v63  }
0x60: {  	p0 =	sne.s32 s1, $0x1;
	_ =	swait.ge [sflag:s4], $0x4000  }
.Ltmp0:
0x61: {  	s31 =	sshll.u32 s31, $0x11;
	[sflag:s4] =	ssyncset.done $0x0;
	(pc) =	sbr.rel @!p0 .LBB2_2-.Ltmp0, $4  }
0x62: {  	s0 =	sadd.s32 s31, s0;
	[sflag:s4] =	ssyncadd.s32 $0xFFFFC000  }
0x63: {  	s30 =	sadd.s32 $0x23000, s0;
	[bflag:$0x0] =	sbarrier.arrive $0xFFFF  }
0x64: {  	[hbm:s30], [sflag:s5] =	dma.local [spmem:s6], $0x2000  }
0x65: {  	s31 =	sadd.s32 $0xFFFFFFFF, s1;
	_ =	swait.ge [sflag:s4], $0x2000  }
.LBB2_1:
0x66: {  	[sflag:s4] =	ssyncset.done $0x0  }
0x67: {  	s0 =	rddreg [dreg:$0x4];
	[sflag:s4] =	ssyncadd.s32 $0xFFFFE000  }
0x68: {  	[spmem:s6], [sflag:s5] =	dma.local [hbm:s0], $0x2000  }
0x69: {  	_ =	swait.ge [sflag:s4], $0x2000  }
0x6a: {  	[sflag:s4] =	ssyncset.done $0x0  }
0x6b: {  	[sflag:s4] =	ssyncadd.s32 $0xFFFFE000  }
0x6c: {  	[tilespmem:s8], [sflag:$0x1] =	stream.linear.gather [hbm4b:s7+s3], $0x8000, $0x38;
	[tilespmem:$0x18800] =	vst v63  }
0x6d: {  	_ =	swait.ge [sflag:s4], $0x8000  }
0x6e: {  	[sflag:s4] =	ssyncset.done $0x0  }
0x6f: {  	[sflag:s4] =	ssyncadd.s32 $0xFFFF8000  }
0x70: {  	[tilespmem:s3], [sflag:$0x1] =	stream.linear.gather [hbm4b:s9+s3], $0x80, $0x38;
	[tilespmem:$0x18800] =	vst v63  }
0x71: {  	_ =	swait.ge [sflag:s4], $0x80  }
0x72: {  	[sflag:s4] =	ssyncset.done $0x0  }
0x73: {  	[sflag:s4] =	ssyncadd.s32 $0xFFFFFF80  }
0x74: {  	[tilespmem:s11], [sflag:$0x1] =	stream.linear.gather [hbm4b:s10+s3], $0x80, $0x38;
	[tilespmem:$0x18800] =	vst v63  }
0x75: {  	_ =	swait.ge [sflag:s4], $0x80  }
0x76: {  	[sflag:s4] =	ssyncset.done $0x0  }
0x77: {  	[sflag:s4] =	ssyncadd.s32 $0xFFFFFF80  }
0x78: {  	[tilespmem:s13], [sflag:$0x1] =	stream.linear.gather [hbm4b:s12+s3], $0x80, $0x38;
	[tilespmem:$0x18800] =	vst v63  }
0x79: {  	_ =	swait.ge [sflag:s4], $0x80  }
0x7a: {  	[sflag:s4] =	ssyncset.done $0x0  }
0x7b: {  	[sflag:s4] =	ssyncadd.s32 $0xFFFFFF80  }
0x7c: {  	[tilespmem:s15], [sflag:$0x1] =	stream.linear.gather [hbm4b:s14+s3], $0x80, $0x38;
	[tilespmem:$0x18800] =	vst v63  }
0x7d: {  	_ =	swait.ge [sflag:s4], $0x80  }
0x7e: {  	[sflag:s4] =	ssyncset.done $0x0  }
0x7f: {  	[sflag:s4] =	ssyncadd.s32 $0xFFFFFF80  }
0x80: {  	[tilespmem:s17], [sflag:$0x1] =	stream.linear.gather [hbm4b:s16+s3], $0x80, $0x38;
	[tilespmem:$0x18800] =	vst v63  }
0x81: {  	_ =	swait.ge [sflag:s4], $0x80  }
0x82: {  	[sflag:s4] =	ssyncset.done $0x0  }
0x83: {  	[sflag:s4] =	ssyncadd.s32 $0xFFFFFF80  }
0x84: {  	[tilespmem:s19], [sflag:$0x1] =	stream.linear.gather [hbm4b:s18+s3], $0x80, $0x38;
	[tilespmem:$0x18800] =	vst v63  }
0x85: {  	_ =	swait.ge [sflag:s4], $0x80  }
0x86: {  	[sflag:s4] =	ssyncset.done $0x0  }
0x87: {  	[sflag:s4] =	ssyncadd.s32 $0xFFFFFF80  }
0x88: {  	[tilespmem:s21], [sflag:$0x1] =	stream.linear.gather [hbm4b:s20+s3], $0x80, $0x38;
	[tilespmem:$0x18800] =	vst v63  }
0x89: {  	_ =	swait.ge [sflag:s4], $0x80  }
0x8a: {  	[sflag:s4] =	ssyncset.done $0x0  }
0x8b: {  	[sflag:s4] =	ssyncadd.s32 $0xFFFFFF80  }
0x8c: {  	[tilespmem:s23], [sflag:$0x1] =	stream.linear.gather [hbm4b:s22+s3], $0x80, $0x38;
	[tilespmem:$0x18800] =	vst v63  }
0x8d: {  	_ =	swait.ge [sflag:s4], $0x80  }
0x8e: {  	[sflag:s4] =	ssyncset.done $0x0  }
0x8f: {  	[sflag:s4] =	ssyncadd.s32 $0xFFFFFF80  }
0x90: {  	[tilespmem:s25], [sflag:$0x1] =	stream.linear.gather [hbm4b:s24+s3], $0x80, $0x38;
	[tilespmem:$0x18800] =	vst v63  }
0x91: {  	_ =	swait.ge [sflag:s4], $0x80  }
0x92: {  	[sflag:s4] =	ssyncset.done $0x0  }
0x93: {  	[sflag:s4] =	ssyncadd.s32 $0xFFFFFF80  }
0x94: {  	[tilespmem:s28], [sflag:$0x1] =	stream.linear.gather [hbm4b:s26+s3], $0x80, $0x38;
	[tilespmem:$0x18800] =	vst v63  }
0x95: {  	_ =	swait.ge [sflag:s4], $0x80  }
0x96: {  	[sflag:s4] =	ssyncset.done $0x0  }
0x97: {  	[sflag:s4] =	ssyncadd.s32 $0xFFFFFF80  }
0x98: {  	[bflag:$0x0] =	sbarrier.arrive $0xFFFF  }
0x99: {  	[spmem:s2] =	stream.indirect.scatter.add.f32 [tilespmem:s8], [sflag:$0x1], $0x80, s3, s11, $0xb8;
	[tilespmem:$0x18800] =	vst v63  }
0x9a: {  	_ =	swait.ge [sflag:s4], $0x4000  }
0x9b: {  	[sflag:s4] =	ssyncset.done $0x0  }
0x9c: {  	[sflag:s4] =	ssyncadd.s32 $0xFFFFC000  }
0x9d: {  	[spmem:s2] =	stream.indirect.scatter.add.f32 [tilespmem:s29], [sflag:$0x1], $0x80, s11, s11, $0xb8;
	[tilespmem:$0x18800] =	vst v63  }
0x9e: {  	_ =	swait.ge [sflag:s4], $0x4000  }
0x9f: {  	[sflag:s4] =	ssyncset.done $0x0  }
0xa0: {  	[sflag:s4] =	ssyncadd.s32 $0xFFFFC000  }
0xa1: {  	[spmem:s2] =	stream.indirect.scatter.add.f32 [tilespmem:s8], [sflag:$0x1], $0x80, s13, s11, $0xb8;
	[tilespmem:$0x18800] =	vst v63  }
0xa2: {  	_ =	swait.ge [sflag:s4], $0x4000  }
0xa3: {  	[sflag:s4] =	ssyncset.done $0x0  }
0xa4: {  	[sflag:s4] =	ssyncadd.s32 $0xFFFFC000  }
0xa5: {  	[spmem:s2] =	stream.indirect.scatter.add.f32 [tilespmem:s29], [sflag:$0x1], $0x80, s15, s11, $0xb8;
	[tilespmem:$0x18800] =	vst v63  }
0xa6: {  	_ =	swait.ge [sflag:s4], $0x4000  }
0xa7: {  	[sflag:s4] =	ssyncset.done $0x0  }
0xa8: {  	[sflag:s4] =	ssyncadd.s32 $0xFFFFC000  }
0xa9: {  	[spmem:s2] =	stream.indirect.scatter.add.f32 [tilespmem:s8], [sflag:$0x1], $0x80, s17, s11, $0xb8;
	[tilespmem:$0x18800] =	vst v63  }
0xaa: {  	_ =	swait.ge [sflag:s4], $0x4000  }
0xab: {  	[sflag:s4] =	ssyncset.done $0x0  }
0xac: {  	[sflag:s4] =	ssyncadd.s32 $0xFFFFC000  }
0xad: {  	[spmem:s2] =	stream.indirect.scatter.add.f32 [tilespmem:s29], [sflag:$0x1], $0x80, s19, s11, $0xb8;
	[tilespmem:$0x18800] =	vst v63  }
0xae: {  	_ =	swait.ge [sflag:s4], $0x4000  }
0xaf: {  	[sflag:s4] =	ssyncset.done $0x0  }
0xb0: {  	[sflag:s4] =	ssyncadd.s32 $0xFFFFC000  }
0xb1: {  	[spmem:s2] =	stream.indirect.scatter.add.f32 [tilespmem:s8], [sflag:$0x1], $0x80, s21, s11, $0xb8;
	[tilespmem:$0x18800] =	vst v63  }
0xb2: {  	_ =	swait.ge [sflag:s4], $0x4000  }
0xb3: {  	[sflag:s4] =	ssyncset.done $0x0  }
0xb4: {  	[sflag:s4] =	ssyncadd.s32 $0xFFFFC000  }
0xb5: {  	[spmem:s2] =	stream.indirect.scatter.add.f32 [tilespmem:s29], [sflag:$0x1], $0x80, s23, s11, $0xb8;
	[tilespmem:$0x18800] =	vst v63  }
0xb6: {  	_ =	swait.ge [sflag:s4], $0x4000  }
0xb7: {  	[sflag:s4] =	ssyncset.done $0x0  }
0xb8: {  	[sflag:s4] =	ssyncadd.s32 $0xFFFFC000  }
0xb9: {  	[spmem:s2] =	stream.indirect.scatter.add.f32 [tilespmem:s8], [sflag:$0x1], $0x80, s25, s11, $0xb8;
	[tilespmem:$0x18800] =	vst v63  }
0xba: {  	_ =	swait.ge [sflag:s4], $0x4000  }
0xbb: {  	[sflag:s4] =	ssyncset.done $0x0  }
0xbc: {  	[sflag:s4] =	ssyncadd.s32 $0xFFFFC000  }
0xbd: {  	[spmem:s2] =	stream.indirect.scatter.add.f32 [tilespmem:s29], [sflag:$0x1], $0x80, s28, s11, $0xb8;
	[tilespmem:$0x18800] =	vst v63  }
0xbe: {  	p0 =	sne.s32 s31, $0x1;
	_ =	swait.ge [sflag:s4], $0x4000  }
.Ltmp1:
0xbf: {  	[sflag:s4] =	ssyncset.done $0x0;
	(pc) =	sbr.rel @p0 .LBB2_1-.Ltmp1, $4  }
0xc0: {  	[sflag:s4] =	ssyncadd.s32 $0xFFFFC000  }
0xc1: {  	[bflag:$0x0] =	sbarrier.arrive $0xFFFF  }
0xc2: {  	[hbm:s30], [sflag:s5] =	dma.local [spmem:s6], $0x2000  }
0xc3: {  	s31 =	sadd.s32 $0xFFFFFFFF, s31;
	_ =	swait.ge [sflag:s4], $0x2000  }
.LBB2_2:
0xc4: {  	[sflag:s4] =	ssyncset.done $0x0  }
0xc5: {  	[sflag:s4] =	ssyncadd.s32 $0xFFFFE000  }
0xc6: {  	_ =	sfence.sel $0x180000  }
0xc7: {  	[bflag:$0x0] =	sbarrier.arrive $0xFFFF  }
0xc8: {  	_ =	strace $0x9000004A  }
0xc9: {  	s0 =	stileid.u32;
	[bflag:$0x2] =	sbarrier.arrive $0xFFFF  }
0xca: {  	p0 =	sne.s32 s0, $0x0;
	s0 =	rddreg [dreg:$0x3]  }
0xcb: {  	s0 =	sadd.s32 @!p0 $0x100000, s0  }
0xcc: {  	[sflag:s0] =	ssyncadd.tile.s32 @!p0 $0x1;
	_ =	shalt  }
.Lfunc_end2:
_tile_overlayer_lowered:
.L_overlay_start_2:
0xcd: {  	(tag) =	ssettag $0x2  }
0xce: {  	s0 =	rddreg [dreg:$0x0];
	s2 =	stileid.u32  }
0xcf: {  	s1 =	rddreg [dreg:$0x1];
	p0 =	sne.s32 s2, $0x0  }
0xd0: {  	s3 =	rddreg [dreg:$0x2];
	[bflag:$0x3] =	sbarrier.arrive $0xFFFF;
	s2 =	simm.s32 @!p0 $0x1C01  }
0xd1: {  	[timem:s3], [sflag:s2] =	dma.local @!p0 [hbm:s0], s1  }
0xd2: {  	s0 =	simm.s32 @!p0 $0x1  }
0xd3: {  	_ =	swait.ge @!p0 [sflag:s0], s1  }
0xd4: {  	s1 =	ssub.s32 @!p0 $0x0, s1;
	[sflag:s0] =	ssyncset.done @!p0 $0x0  }
0xd5: {  	[sflag:s0] =	ssyncadd.s32 @!p0 s1  }
0xd6: {  	[bflag:$0x3] =	sbarrier.arrive $0xFFFF  }
0xd7: {  	_ =	shalt  }

// kernel: kernel.8.cloned.1.call-start
scs
__scs_entry_jumppad:
0x0: {  	(pc) =	sbr.rel $0x88, $3  }
0x1: {  	(tag) =	ssettag $0x0;
	lr =	simm.s32 $0x1  }
0x2: {  	[smem:$0x3F9B] =	sst lr;
	_ =	strace $0xD0000000  }
0x3: {  	_ = 	snop  }
0x4: {  	_ = 	snop  }
0x5: {  	_ = 	snop  }
0x6: {  	_ = 	snop  }
0x7: {  	_ = 	snop  }
__scs_overlays_trampoline_lowered:
0x8: {  	[smem:$0x3FAA] =	sst s0  }
0x9: {  	[smem:$0x3FAB] =	sst s1  }
0xa: {  	[smem:$0x3FAC] =	sst s2  }
0xb: {  	[smem:$0x3FAD] =	sst s3  }
0xc: {  	[smem:$0x3FAE] =	sst s4  }
0xd: {  	[smem:$0x3FAF] =	sst s5  }
0xe: {  	[smem:$0x3FB0] =	sst s6  }
0xf: {  	[smem:$0x3FB1] =	sst s7  }
0x10: {  	[smem:$0x3FB2] =	sst s8  }
0x11: {  	[smem:$0x3FB3] =	sst s9;
	s0 =	simm.s32 @!p0 $0x0  }
0x12: {  	s1 =	sld [smem:$0x3F99];
	s0 =	simm.s32 @p0 $0x1  }
0x13: {  	[smem:$0x3FB4] =	sst s0;
	s0 =	simm.s32 @!p1 $0x0  }
0x14: {  	s2 =	sld [smem:$0x3F98];
	s0 =	simm.s32 @p1 $0x1  }
0x15: {  	[smem:$0x3FB5] =	sst s0;
	s0 =	simm.s32 @!p2 $0x0  }
0x16: {  	s3 =	sld [smem:$0x3FDB];
	s0 =	simm.s32 @p2 $0x1  }
0x17: {  	s4 =	simm.s32 $0x1BF5;
	[smem:$0x3FB7] =	sst s0  }
0x18: {  	s0 =	sld [smem:$0x3F9A];
	_ =	swait.ge [sflag:s4], $0x0  }
0x19: {  	s7 =	sld [smem:$0x3F9B]  }
0x1a: {  	s8 =	sadd.s32 $0xFFFFE003, lr  }
0x1b: {  	s9 =	sadd.s32 $0xFFFFFEF7, lr;
	s5 =	simm.s32 $0xFFFFFFFF;
	p2 =	slt.u32 s8, $0xFFFFF086  }
0x1c: {  	p1 =	slt.u32 s9, $0xF7A;
	s5 =	simm.s32 @!p2 $0x0  }
0x1d: {  	s5 =	simm.s32 @p1 $0x1;
	p0 =	seq.s32 s7, s2  }
0x1e: {  	s7 =	smul.u32 @!p0 $0xF7A, s2;
	p2 =	seq.s32 @!p0 s5, $0x0  }
0x1f: {  	s9 =	smul.u32 $0xF7A, s1;
	s8 =	simm.s32 @!p0 $0x1BF5;
	p2 =	por !p2, p0  }
0x20: {  	[sflag:s8] =	ssyncset.s32 @!p0 $0xFFFFF086;
	s6 =	sadd.s32 @!p0 s3, s7;
	s7 =	simm.s32 @!p0 $0x108  }
0x21: {  	s3 =	sadd.s32 s3, s9;
	s6 =	sadd.s32 @!p0 $0x88, s6;
	s7 =	simm.s32 @p2 $0x1082  }
0x22: {  	[simem:s7], [sflag:s8] =	dma.local @!p0 [hbm:s6], $0xF7A  }
0x23: {  	s9 =	sor.u32 $0xD0000000, s2;
	s6 =	simm.s32 $0x108;
	_ =	swait.ge @!p0 [sflag:s8], $0x0  }
0x24: {  	s3 =	sadd.s32 $0x88, s3;
	s6 =	simm.s32 @!p1 $0x1082;
	[sflag:s4] =	ssyncset.s32 $0xFFFFF086  }
0x25: {  	[simem:s6], [sflag:s4] =	dma.local [hbm:s3], $0xF7A  }
0x26: {  	[smem:$0x3F9B] =	sst s1;
	(tag) =	ssettag s2;
	_ =	strace s9  }
0x27: {  	s1 =	sld [smem:$0x3FAB]  }
0x28: {  	s2 =	sld [smem:$0x3FAC]  }
0x29: {  	s4 =	sld [smem:$0x3FAE]  }
0x2a: {  	p0 =	seq.s32 s5, $0x0;
	s5 =	sld [smem:$0x3FAF]  }
0x2b: {  	s6 =	sld [smem:$0x3FB0]  }
0x2c: {  	s7 =	sld [smem:$0x3FB1]  }
0x2d: {  	s3 =	simm.s32 $0x108;
	s8 =	sld [smem:$0x3FB2]  }
0x2e: {  	s3 =	simm.s32 @!p0 $0x1082;
	s9 =	sld [smem:$0x3FB3]  }
0x2f: {  	lr =	sadd.s32 s0, s3;
	s0 =	sld [smem:$0x3FAA]  }
0x30: {  	s3 =	sld [smem:$0x3FAD]  }
0x31: {  	[smem:$0x3FB6] =	sst s10  }
0x32: {  	s10 =	sld [smem:$0x3FB4];
	_ =	sdelay $0x3  }
0x33: {  	p0 =	seq.s32 s10, $0x1;
	s10 =	sld [smem:$0x3FB6];
	_ =	sdelay $0x3  }
0x34: {  	[smem:$0x3FB6] =	sst s10  }
0x35: {  	s10 =	sld [smem:$0x3FB5];
	_ =	sdelay $0x3  }
0x36: {  	p1 =	seq.s32 s10, $0x1;
	s10 =	sld [smem:$0x3FB6];
	_ =	sdelay $0x3  }
0x37: {  	[smem:$0x3FB6] =	sst s10  }
0x38: {  	s10 =	sld [smem:$0x3FB7]  }
0x39: {  	_ = 	snop;
	(pc) =	sbr.ind lr, $3  }
0x3a: {  	_ = 	snop  }
0x3b: {  	_ = 	snop  }
0x3c: {  	p2 =	seq.s32 s10, $0x1;
	s10 =	sld [smem:$0x3FB6]  }
0x3d: {  	_ =	shalt  }
0x3e: {  	_ =	shalt  }
0x3f: {  	_ =	shalt  }
0x40: {  	_ =	shalt  }
0x41: {  	_ =	shalt  }
0x42: {  	_ =	shalt  }
0x43: {  	_ =	shalt  }
0x44: {  	_ =	shalt  }
0x45: {  	_ =	shalt  }
0x46: {  	_ =	shalt  }
0x47: {  	_ =	shalt  }
0x48: {  	_ =	shalt  }
0x49: {  	_ =	shalt  }
0x4a: {  	_ =	shalt  }
0x4b: {  	_ =	shalt  }
0x4c: {  	_ =	shalt  }
0x4d: {  	_ =	shalt  }
0x4e: {  	_ =	shalt  }
0x4f: {  	_ =	shalt  }
0x50: {  	_ =	shalt  }
0x51: {  	_ =	shalt  }
0x52: {  	_ =	shalt  }
0x53: {  	_ =	shalt  }
0x54: {  	_ =	shalt  }
0x55: {  	_ =	shalt  }
0x56: {  	_ =	shalt  }
0x57: {  	_ =	shalt  }
0x58: {  	_ =	shalt  }
0x59: {  	_ =	shalt  }
0x5a: {  	_ =	shalt  }
0x5b: {  	_ =	shalt  }
0x5c: {  	_ =	shalt  }
0x5d: {  	_ =	shalt  }
0x5e: {  	_ =	shalt  }
0x5f: {  	_ =	shalt  }
0x60: {  	_ =	shalt  }
0x61: {  	_ =	shalt  }
0x62: {  	_ =	shalt  }
0x63: {  	_ =	shalt  }
0x64: {  	_ =	shalt  }
0x65: {  	_ =	shalt  }
0x66: {  	_ =	shalt  }
0x67: {  	_ =	shalt  }
0x68: {  	_ =	shalt  }
0x69: {  	_ =	shalt  }
0x6a: {  	_ =	shalt  }
0x6b: {  	_ =	shalt  }
0x6c: {  	_ =	shalt  }
0x6d: {  	_ =	shalt  }
0x6e: {  	_ =	shalt  }
0x6f: {  	_ =	shalt  }
0x70: {  	_ =	shalt  }
0x71: {  	_ =	shalt  }
0x72: {  	_ =	shalt  }
0x73: {  	_ =	shalt  }
0x74: {  	_ =	shalt  }
0x75: {  	_ =	shalt  }
0x76: {  	_ =	shalt  }
0x77: {  	_ =	shalt  }
0x78: {  	_ =	shalt  }
0x79: {  	_ =	shalt  }
0x7a: {  	_ =	shalt  }
0x7b: {  	_ =	shalt  }
0x7c: {  	_ =	shalt  }
0x7d: {  	_ =	shalt  }
0x7e: {  	_ =	shalt  }
0x7f: {  	_ =	shalt  }
0x80: {  	_ =	shalt  }
0x81: {  	_ =	shalt  }
0x82: {  	_ =	shalt  }
0x83: {  	_ =	shalt  }
0x84: {  	_ =	shalt  }
0x85: {  	_ =	shalt  }
0x86: {  	_ =	shalt  }
0x87: {  	_ =	shalt  }
.Lfunc_end0:
.L_simem_size_0:
called_computation_lowered:
.L_overlay_start_0:
0x88: {  	s2 =	sld [smem:$0x3FD9]  }
0x89: {  	s3 =	sld [smem:$0x3FFE];
	_ =	sdelay $0x1  }
0x8a: {  	s1 =	srdreg.scid  }
0x8b: {  	s0 =	sand.u32 $0x1, s1  }
0x8c: {  	s14 =	sshll.u32 s0, $0xA;
	s2 =	sadd.s32 s3, s2  }
0x8d: {  	s2 =	sadd.s32 s2, s14  }
0x8e: {  	[smem:$0x3FC2] =	sst s2  }
0x8f: {  	_ = 	snop  }
0x90: {  	s2 =	sld [smem:$0x3FD0];
	_ =	sdelay $0x2  }
0x91: {  	s15 =	simm.s32 $0xA;
	s4 =	simm.s32 $0x10  }
0x92: {  	[smem:s4], [sflag:s15] =	dma.local [hbm:s2], $0x1  }
0x93: {  	_ =	swait.eq [sflag:s15], $0x1  }
0x94: {  	[sflag:s15] =	ssyncset.done $0x0  }
0x95: {  	[sflag:s15] =	ssyncadd.s32 $0xFFFFFFFF  }
0x96: {  	s16 =	sld [smem:$0x11];
	(tm) =	ssettm $0x1  }
0x97: {  	s17 =	sld [smem:$0x3FFB];
	_ =	sdelay $0x3  }
0x98: {  	_ =	strace s17  }
0x99: {  	s3 =	sld [smem:$0x3FFC];
	_ =	sdelay $0x3  }
0x9a: {  	_ =	strace s3  }
0x9b: {  	s3 =	sld [smem:$0x3FFD];
	_ =	sdelay $0x3  }
0x9c: {  	_ =	strace s3  }
0x9d: {  	_ =	strace $0x8FFFFFFF  }
0x9e: {  	s18 =	sld [smem:$0x3FDB];
	_ =	sdelay $0x1  }
0x9f: {  	s19 =	simm.s32 $_scs_section_size  }
0xa0: {  	s5 =	simm.s32 $_size__tile_overlayer_lowered;
	s6 =	simm.s32 $_tile_overlayer_lowered  }
0xa1: {  	s22 =	simm.s32 $0x1BFF;
	s21 =	sshll.u32 s6, $0x1;
	s3 =	sadd.s32 s19, s18  }
0xa2: {  	s7 =	simm.s32 $0x0;
	s20 =	sshll.u32 s5, $0x1;
	s5 =	sadd.s32 s21, s3  }
0xa3: {  	[timem:s7], [sflag:s22] =	dma.local [hbm:s5], s20  }
0xa4: {  	_ =	swait.ge [sflag:s22], s20  }
0xa5: {  	s4 =	ssub.s32 $0x0, s20;
	[sflag:s22] =	ssyncset.done $0x0  }
0xa6: {  	[sflag:s22] =	ssyncadd.s32 s4;
	_ =	sdelay $0x1  }
0xa7: {  	s23 =	simm.s32 $0x1B8B  }
0xa8: {  	_ =	swait.ge [sflag:s23], $0x1  }
0xa9: {  	[sflag:s23] =	ssyncset.done $0x0  }
0xaa: {  	s25 =	simm.s32 $0x1B8E;
	s24 =	sld [smem:$0x3FFE];
	[sflag:s23] =	ssyncadd.s32 $0xFFFFFFFF  }
0xab: {  	s26 =	simm.s32 $execute0_lowered;
	[smem:$0x3FD2] =	sst s25  }
0xac: {  	s5 =	sshll.u32 s26, $0x1;
	_ =	strace $0x80000046;
	[dreg:$0x1] =	wrdreg $0xFFFFFFFF  }
0xad: {  	s28 =	simm.s32 $_size_execute0_lowered;
	s3 =	sadd.s32 s3, s5;
	[dreg:$0x0] =	wrdreg $0x0  }
0xae: {  	s5 =	sshll.u32 s28, $0x1;
	[dreg:$0x2] =	wrdreg s3  }
0xaf: {  	[dreg:$0x3] =	wrdreg s5  }
0xb0: {  	[dreg:$0x4] =	wrdreg $0xC0  }
0xb1: {  	_ =	task [dreg:s7], $0x5FFFF  }
0xb2: {  	[dreg:$0x1] =	wrdreg $0xFFFFFFFF  }
0xb3: {  	[dreg:$0x0] =	wrdreg $0x60  }
0xb4: {  	[dreg:$0x2] =	wrdreg s24  }
0xb5: {  	[dreg:$0x3] =	wrdreg s16  }
0xb6: {  	[dreg:$0x4] =	wrdreg $0x48000  }
0xb7: {  	[dreg:$0x5] =	wrdreg $0x9  }
0xb8: {  	_ =	task.clear_ibuf [dreg:s7], $0x6FFFF;
	_ =	strace $0x90000046  }
0xb9: {  	s29 =	simm.s32 $0x9;
	_ =	strace $0x80000048  }
0xba: {  	_ =	swait.ge [sflag:s29], $0x1  }
0xbb: {  	[sflag:s29] =	ssyncadd.s32 $0xFFFFFFFF  }
0xbc: {  	_ =	strace $0x90000048  }
0xbd: {  	_ =	sfence  }
0xbe: {  	s30 =	sld [smem:$0x0];
	_ =	sdelay $0x2  }
0xbf: {  	s31 =	sshll.u32 s1, $0xD;
	s1 =	sshrl.u32 s1, $0x2  }
0xc0: {  	s3 =	sand.u32 $0x4000, s31;
	s1 =	sadd.s32 s1, s30  }
0xc1: {  	s0 =	sor.u32 s3, s0;
	s1 =	sshll.u32 s1, $0x11  }
0xc2: {  	s0 =	sor.u32 s1, s0  }
0xc3: {  	s0 =	sadd.s32 $0x8F2B, s0  }
0xc4: {  	[sflag:s0] =	ssyncadd.remote.s32 $0x1  }
0xc5: {  	_ =	sfence.sel $0xFFFF  }
0xc6: {  	[dreg:$0x0] =	wrdreg $0xFFFFFFFF;
	(pc) =	sbr.abs _section_cstart, $3  }
0xc7: {  	[dreg:$0x1] =	wrdreg $0xFFFFFFFF  }
0xc8: {  	_ =	task.clear_ibuf [dreg:s7], $0x2FFFF;
	_ =	strace $0x9FFFFFFF  }
0xc9: {  	(tm) =	ssettm $0x7FFFFFFF  }
tec
execute0_lowered:
.L_overlay_start_1:
0x0: {  	(tag) =	ssettag $0x1  }
0x1: {  	s30 =	rddreg [dreg:$0x0]  }
0x2: {  	s0 =	rddreg [dreg:$0x1]  }
0x3: {  	s2 =	rddreg [dreg:$0x2];
	s3 =	simm.s32 $0x0  }
0x4: {  	s1 =	stileid.u32;
	[smem:$0x7FF] =	sst s3  }
0x5: {  	s31 =	sshll.u32 s1, $0xD;
	s4 =	sshll.u32 s1, $0x10;
	s26 =	sshll.u32 s1, $0x6  }
0x6: {  	_ =	strace $0x80000047;
	s6 =	sadd.s32 s4, s2;
	s4 =	sadd.s32 s0, s31  }
0x7: {  	s5 =	sor.u32 $0x1C01, s26;
	s7 =	sshrl.u32 s6, $0x3;
	s6 =	simm.s32 $0x1  }
0x8: {  	[spmem:s7], [sflag:s5] =	dma.local [hbm:s4], $0x2000  }
0x9: {  	s8 =	srdreg.scid;
	s9 =	simm.s32 $0x800;
	_ =	swait.ge [sflag:s6], $0x2000  }
0xa: {  	s11 =	sshll.u32 s1, $0x5;
	s0 =	sand.u32 $0x1, s8;
	[sflag:s6] =	ssyncset.done $0x0  }
0xb: {  	s8 =	sadd.s32 $0x3000, s30;
	s10 =	sshll.u32 s0, $0x9;
	[sflag:s6] =	ssyncadd.s32 $0xFFFFE000  }
0xc: {  	[tilespmem:s9], [sflag:$0x1] =	stream.linear.gather [hbm4b:s8+s3], $0x4000, $0x38;
	[tilespmem:$0x14800] =	vst v63  }
0xd: {  	s10 =	sor.u32 s11, s10;
	_ =	swait.ge [sflag:s6], $0x4000  }
0xe: {  	s28 =	sadd.s32 s10, s30;
	[sflag:s6] =	ssyncset.done $0x0  }
0xf: {  	s10 =	sadd.s32 $0x1C00, s28;
	[sflag:s6] =	ssyncadd.s32 $0xFFFFC000  }
0x10: {  	[tilespmem:s3], [sflag:$0x1] =	stream.linear.gather [hbm4b:s10+s3], $0x80, $0x38;
	[tilespmem:$0x14800] =	vst v63  }
0x11: {  	_ =	swait.ge [sflag:s6], $0x80  }
0x12: {  	[sflag:s6] =	ssyncset.done $0x0  }
0x13: {  	s12 =	simm.s32 $0x80;
	s11 =	sadd.s32 $0x1C10, s28;
	[sflag:s6] =	ssyncadd.s32 $0xFFFFFF80  }
0x14: {  	[tilespmem:s12], [sflag:$0x1] =	stream.linear.gather [hbm4b:s11+s3], $0x80, $0x38;
	[tilespmem:$0x14800] =	vst v63  }
0x15: {  	_ =	swait.ge [sflag:s6], $0x80  }
0x16: {  	[sflag:s6] =	ssyncset.done $0x0  }
0x17: {  	s14 =	simm.s32 $0x100;
	s13 =	sadd.s32 $0x2000, s28;
	[sflag:s6] =	ssyncadd.s32 $0xFFFFFF80  }
0x18: {  	[tilespmem:s14], [sflag:$0x1] =	stream.linear.gather [hbm4b:s13+s3], $0x80, $0x38;
	[tilespmem:$0x14800] =	vst v63  }
0x19: {  	_ =	swait.ge [sflag:s6], $0x80  }
0x1a: {  	[sflag:s6] =	ssyncset.done $0x0  }
0x1b: {  	s16 =	simm.s32 $0x180;
	s15 =	sadd.s32 $0x2010, s28;
	[sflag:s6] =	ssyncadd.s32 $0xFFFFFF80  }
0x1c: {  	[tilespmem:s16], [sflag:$0x1] =	stream.linear.gather [hbm4b:s15+s3], $0x80, $0x38;
	[tilespmem:$0x14800] =	vst v63  }
0x1d: {  	_ =	swait.ge [sflag:s6], $0x80  }
0x1e: {  	[sflag:s6] =	ssyncset.done $0x0  }
0x1f: {  	s18 =	simm.s32 $0x200;
	s17 =	sadd.s32 $0x2400, s28;
	[sflag:s6] =	ssyncadd.s32 $0xFFFFFF80  }
0x20: {  	[tilespmem:s18], [sflag:$0x1] =	stream.linear.gather [hbm4b:s17+s3], $0x80, $0x38;
	[tilespmem:$0x14800] =	vst v63  }
0x21: {  	_ =	swait.ge [sflag:s6], $0x80  }
0x22: {  	[sflag:s6] =	ssyncset.done $0x0  }
0x23: {  	s20 =	simm.s32 $0x280;
	s19 =	sadd.s32 $0x2410, s28;
	[sflag:s6] =	ssyncadd.s32 $0xFFFFFF80  }
0x24: {  	[tilespmem:s20], [sflag:$0x1] =	stream.linear.gather [hbm4b:s19+s3], $0x80, $0x38;
	[tilespmem:$0x14800] =	vst v63  }
0x25: {  	_ =	swait.ge [sflag:s6], $0x80  }
0x26: {  	[sflag:s6] =	ssyncset.done $0x0  }
0x27: {  	s22 =	simm.s32 $0x300;
	s21 =	sadd.s32 $0x2800, s28;
	[sflag:s6] =	ssyncadd.s32 $0xFFFFFF80  }
0x28: {  	[tilespmem:s22], [sflag:$0x1] =	stream.linear.gather [hbm4b:s21+s3], $0x80, $0x38;
	[tilespmem:$0x14800] =	vst v63  }
0x29: {  	_ =	swait.ge [sflag:s6], $0x80  }
0x2a: {  	[sflag:s6] =	ssyncset.done $0x0  }
0x2b: {  	s24 =	simm.s32 $0x380;
	s23 =	sadd.s32 $0x2810, s28;
	[sflag:s6] =	ssyncadd.s32 $0xFFFFFF80  }
0x2c: {  	[tilespmem:s24], [sflag:$0x1] =	stream.linear.gather [hbm4b:s23+s3], $0x80, $0x38;
	[tilespmem:$0x14800] =	vst v63  }
0x2d: {  	_ =	swait.ge [sflag:s6], $0x80  }
0x2e: {  	[sflag:s6] =	ssyncset.done $0x0  }
0x2f: {  	s26 =	simm.s32 $0x400;
	s25 =	sadd.s32 $0x2C00, s28;
	[sflag:s6] =	ssyncadd.s32 $0xFFFFFF80  }
0x30: {  	[tilespmem:s26], [sflag:$0x1] =	stream.linear.gather [hbm4b:s25+s3], $0x80, $0x38;
	[tilespmem:$0x14800] =	vst v63  }
0x31: {  	_ =	swait.ge [sflag:s6], $0x80  }
0x32: {  	[sflag:s6] =	ssyncset.done $0x0  }
0x33: {  	s29 =	simm.s32 $0x480;
	s28 =	sadd.s32 $0x2C10, s28;
	[sflag:s6] =	ssyncadd.s32 $0xFFFFFF80  }
0x34: {  	[tilespmem:s29], [sflag:$0x1] =	stream.linear.gather [hbm4b:s28+s3], $0x80, $0x38;
	[tilespmem:$0x14800] =	vst v63  }
0x35: {  	_ =	swait.ge [sflag:s6], $0x80  }
0x36: {  	[sflag:s6] =	ssyncset.done $0x0  }
0x37: {  	[sflag:s6] =	ssyncadd.s32 $0xFFFFFF80  }
0x38: {  	[bflag:$0x0] =	sbarrier.arrive $0xFFFF  }
0x39: {  	[spmem:s2] =	stream.indirect.scatter.add.f32 [tilespmem:s9], [sflag:$0x1], $0x80, s3, s12, $0xb8;
	[tilespmem:$0x14800] =	vst v63  }
0x3a: {  	_ =	swait.ge [sflag:s6], $0x4000  }
0x3b: {  	[sflag:s6] =	ssyncset.done $0x0  }
0x3c: {  	[sflag:s6] =	ssyncadd.s32 $0xFFFFC000  }
0x3d: {  	[spmem:s2] =	stream.indirect.scatter.add.f32 [tilespmem:s9], [sflag:$0x1], $0x80, s12, s12, $0xb8;
	[tilespmem:$0x14800] =	vst v63  }
0x3e: {  	_ =	swait.ge [sflag:s6], $0x4000  }
0x3f: {  	[sflag:s6] =	ssyncset.done $0x0  }
0x40: {  	[sflag:s6] =	ssyncadd.s32 $0xFFFFC000  }
0x41: {  	[spmem:s2] =	stream.indirect.scatter.add.f32 [tilespmem:s9], [sflag:$0x1], $0x80, s14, s12, $0xb8;
	[tilespmem:$0x14800] =	vst v63  }
0x42: {  	_ =	swait.ge [sflag:s6], $0x4000  }
0x43: {  	[sflag:s6] =	ssyncset.done $0x0  }
0x44: {  	[sflag:s6] =	ssyncadd.s32 $0xFFFFC000  }
0x45: {  	[spmem:s2] =	stream.indirect.scatter.add.f32 [tilespmem:s9], [sflag:$0x1], $0x80, s16, s12, $0xb8;
	[tilespmem:$0x14800] =	vst v63  }
0x46: {  	_ =	swait.ge [sflag:s6], $0x4000  }
0x47: {  	[sflag:s6] =	ssyncset.done $0x0  }
0x48: {  	[sflag:s6] =	ssyncadd.s32 $0xFFFFC000  }
0x49: {  	[spmem:s2] =	stream.indirect.scatter.add.f32 [tilespmem:s9], [sflag:$0x1], $0x80, s18, s12, $0xb8;
	[tilespmem:$0x14800] =	vst v63  }
0x4a: {  	_ =	swait.ge [sflag:s6], $0x4000  }
0x4b: {  	[sflag:s6] =	ssyncset.done $0x0  }
0x4c: {  	[sflag:s6] =	ssyncadd.s32 $0xFFFFC000  }
0x4d: {  	[spmem:s2] =	stream.indirect.scatter.add.f32 [tilespmem:s9], [sflag:$0x1], $0x80, s20, s12, $0xb8;
	[tilespmem:$0x14800] =	vst v63  }
0x4e: {  	_ =	swait.ge [sflag:s6], $0x4000  }
0x4f: {  	[sflag:s6] =	ssyncset.done $0x0  }
0x50: {  	[sflag:s6] =	ssyncadd.s32 $0xFFFFC000  }
0x51: {  	[spmem:s2] =	stream.indirect.scatter.add.f32 [tilespmem:s9], [sflag:$0x1], $0x80, s22, s12, $0xb8;
	[tilespmem:$0x14800] =	vst v63  }
0x52: {  	_ =	swait.ge [sflag:s6], $0x4000  }
0x53: {  	[sflag:s6] =	ssyncset.done $0x0  }
0x54: {  	[sflag:s6] =	ssyncadd.s32 $0xFFFFC000  }
0x55: {  	[spmem:s2] =	stream.indirect.scatter.add.f32 [tilespmem:s9], [sflag:$0x1], $0x80, s24, s12, $0xb8;
	[tilespmem:$0x14800] =	vst v63  }
0x56: {  	_ =	swait.ge [sflag:s6], $0x4000  }
0x57: {  	[sflag:s6] =	ssyncset.done $0x0  }
0x58: {  	[sflag:s6] =	ssyncadd.s32 $0xFFFFC000  }
0x59: {  	[spmem:s2] =	stream.indirect.scatter.add.f32 [tilespmem:s9], [sflag:$0x1], $0x80, s26, s12, $0xb8;
	[tilespmem:$0x14800] =	vst v63  }
0x5a: {  	s30 =	sadd.s32 s31, s30;
	s31 =	ssub.s32 $0x2, s0;
	_ =	swait.ge [sflag:s6], $0x4000  }
0x5b: {  	s1 =	sshrl.u32 s31, $0x1;
	[sflag:s6] =	ssyncset.done $0x0  }
0x5c: {  	s1 =	ssub.s32 s31, s1;
	[sflag:s6] =	ssyncadd.s32 $0xFFFFC000  }
0x5d: {  	[spmem:s2] =	stream.indirect.scatter.add.f32 [tilespmem:s9], [sflag:$0x1], $0x80, s29, s12, $0xb8;
	[tilespmem:$0x14800] =	vst v63  }
0x5e: {  	s1 =	smax.u32 s1, $0x1;
	_ =	swait.ge [sflag:s6], $0x4000  }
0x5f: {  	s0 =	sshll.u32 s0, $0x11;
	p0 =	sne.s32 s1, $0x1;
	[sflag:s6] =	ssyncset.done $0x0  }
.Ltmp0:
0x60: {  	s0 =	sadd.s32 s0, s30;
	[sflag:s6] =	ssyncadd.s32 $0xFFFFC000;
	(pc) =	sbr.rel @!p0 .LBB2_2-.Ltmp0, $4  }
0x61: {  	s30 =	sadd.s32 $0x3800, s0;
	[bflag:$0x0] =	sbarrier.arrive $0xFFFF  }
0x62: {  	[hbm:s30], [sflag:s5] =	dma.local [spmem:s7], $0x2000  }
0x63: {  	_ =	swait.ge [sflag:s6], $0x2000  }
0x64: {  	s31 =	sadd.s32 $0xFFFFFFFF, s1;
	[sflag:s6] =	ssyncset.done $0x0  }
.LBB2_1:
0x65: {  	p0 =	sne.s32 s31, $0x1;
	s31 =	sadd.s32 $0xFFFFFFFF, s31;
	[sflag:s6] =	ssyncadd.s32 $0xFFFFE000  }
0x66: {  	[spmem:s7], [sflag:s5] =	dma.local [hbm:s4], $0x2000  }
0x67: {  	_ =	swait.ge [sflag:s6], $0x2000  }
0x68: {  	[sflag:s6] =	ssyncset.done $0x0  }
0x69: {  	[sflag:s6] =	ssyncadd.s32 $0xFFFFE000  }
0x6a: {  	[tilespmem:s9], [sflag:$0x1] =	stream.linear.gather [hbm4b:s8+s3], $0x4000, $0x38;
	[tilespmem:$0x14800] =	vst v63  }
0x6b: {  	_ =	swait.ge [sflag:s6], $0x4000  }
0x6c: {  	[sflag:s6] =	ssyncset.done $0x0  }
0x6d: {  	[sflag:s6] =	ssyncadd.s32 $0xFFFFC000  }
0x6e: {  	[tilespmem:s3], [sflag:$0x1] =	stream.linear.gather [hbm4b:s10+s3], $0x80, $0x38;
	[tilespmem:$0x14800] =	vst v63  }
0x6f: {  	_ =	swait.ge [sflag:s6], $0x80  }
0x70: {  	[sflag:s6] =	ssyncset.done $0x0  }
0x71: {  	[sflag:s6] =	ssyncadd.s32 $0xFFFFFF80  }
0x72: {  	[tilespmem:s12], [sflag:$0x1] =	stream.linear.gather [hbm4b:s11+s3], $0x80, $0x38;
	[tilespmem:$0x14800] =	vst v63  }
0x73: {  	_ =	swait.ge [sflag:s6], $0x80  }
0x74: {  	[sflag:s6] =	ssyncset.done $0x0  }
0x75: {  	[sflag:s6] =	ssyncadd.s32 $0xFFFFFF80  }
0x76: {  	[tilespmem:s14], [sflag:$0x1] =	stream.linear.gather [hbm4b:s13+s3], $0x80, $0x38;
	[tilespmem:$0x14800] =	vst v63  }
0x77: {  	_ =	swait.ge [sflag:s6], $0x80  }
0x78: {  	[sflag:s6] =	ssyncset.done $0x0  }
0x79: {  	[sflag:s6] =	ssyncadd.s32 $0xFFFFFF80  }
0x7a: {  	[tilespmem:s16], [sflag:$0x1] =	stream.linear.gather [hbm4b:s15+s3], $0x80, $0x38;
	[tilespmem:$0x14800] =	vst v63  }
0x7b: {  	_ =	swait.ge [sflag:s6], $0x80  }
0x7c: {  	[sflag:s6] =	ssyncset.done $0x0  }
0x7d: {  	[sflag:s6] =	ssyncadd.s32 $0xFFFFFF80  }
0x7e: {  	[tilespmem:s18], [sflag:$0x1] =	stream.linear.gather [hbm4b:s17+s3], $0x80, $0x38;
	[tilespmem:$0x14800] =	vst v63  }
0x7f: {  	_ =	swait.ge [sflag:s6], $0x80  }
0x80: {  	[sflag:s6] =	ssyncset.done $0x0  }
0x81: {  	[sflag:s6] =	ssyncadd.s32 $0xFFFFFF80  }
0x82: {  	[tilespmem:s20], [sflag:$0x1] =	stream.linear.gather [hbm4b:s19+s3], $0x80, $0x38;
	[tilespmem:$0x14800] =	vst v63  }
0x83: {  	_ =	swait.ge [sflag:s6], $0x80  }
0x84: {  	[sflag:s6] =	ssyncset.done $0x0  }
0x85: {  	[sflag:s6] =	ssyncadd.s32 $0xFFFFFF80  }
0x86: {  	[tilespmem:s22], [sflag:$0x1] =	stream.linear.gather [hbm4b:s21+s3], $0x80, $0x38;
	[tilespmem:$0x14800] =	vst v63  }
0x87: {  	_ =	swait.ge [sflag:s6], $0x80  }
0x88: {  	[sflag:s6] =	ssyncset.done $0x0  }
0x89: {  	[sflag:s6] =	ssyncadd.s32 $0xFFFFFF80  }
0x8a: {  	[tilespmem:s24], [sflag:$0x1] =	stream.linear.gather [hbm4b:s23+s3], $0x80, $0x38;
	[tilespmem:$0x14800] =	vst v63  }
0x8b: {  	_ =	swait.ge [sflag:s6], $0x80  }
0x8c: {  	[sflag:s6] =	ssyncset.done $0x0  }
0x8d: {  	[sflag:s6] =	ssyncadd.s32 $0xFFFFFF80  }
0x8e: {  	[tilespmem:s26], [sflag:$0x1] =	stream.linear.gather [hbm4b:s25+s3], $0x80, $0x38;
	[tilespmem:$0x14800] =	vst v63  }
0x8f: {  	_ =	swait.ge [sflag:s6], $0x80  }
0x90: {  	[sflag:s6] =	ssyncset.done $0x0  }
0x91: {  	[sflag:s6] =	ssyncadd.s32 $0xFFFFFF80  }
0x92: {  	[tilespmem:s29], [sflag:$0x1] =	stream.linear.gather [hbm4b:s28+s3], $0x80, $0x38;
	[tilespmem:$0x14800] =	vst v63  }
0x93: {  	_ =	swait.ge [sflag:s6], $0x80  }
0x94: {  	[sflag:s6] =	ssyncset.done $0x0  }
0x95: {  	[sflag:s6] =	ssyncadd.s32 $0xFFFFFF80  }
0x96: {  	[bflag:$0x0] =	sbarrier.arrive $0xFFFF  }
0x97: {  	[spmem:s2] =	stream.indirect.scatter.add.f32 [tilespmem:s9], [sflag:$0x1], $0x80, s3, s12, $0xb8;
	[tilespmem:$0x14800] =	vst v63  }
0x98: {  	_ =	swait.ge [sflag:s6], $0x4000  }
0x99: {  	[sflag:s6] =	ssyncset.done $0x0  }
0x9a: {  	[sflag:s6] =	ssyncadd.s32 $0xFFFFC000  }
0x9b: {  	[spmem:s2] =	stream.indirect.scatter.add.f32 [tilespmem:s9], [sflag:$0x1], $0x80, s12, s12, $0xb8;
	[tilespmem:$0x14800] =	vst v63  }
0x9c: {  	_ =	swait.ge [sflag:s6], $0x4000  }
0x9d: {  	[sflag:s6] =	ssyncset.done $0x0  }
0x9e: {  	[sflag:s6] =	ssyncadd.s32 $0xFFFFC000  }
0x9f: {  	[spmem:s2] =	stream.indirect.scatter.add.f32 [tilespmem:s9], [sflag:$0x1], $0x80, s14, s12, $0xb8;
	[tilespmem:$0x14800] =	vst v63  }
0xa0: {  	_ =	swait.ge [sflag:s6], $0x4000  }
0xa1: {  	[sflag:s6] =	ssyncset.done $0x0  }
0xa2: {  	[sflag:s6] =	ssyncadd.s32 $0xFFFFC000  }
0xa3: {  	[spmem:s2] =	stream.indirect.scatter.add.f32 [tilespmem:s9], [sflag:$0x1], $0x80, s16, s12, $0xb8;
	[tilespmem:$0x14800] =	vst v63  }
0xa4: {  	_ =	swait.ge [sflag:s6], $0x4000  }
0xa5: {  	[sflag:s6] =	ssyncset.done $0x0  }
0xa6: {  	[sflag:s6] =	ssyncadd.s32 $0xFFFFC000  }
0xa7: {  	[spmem:s2] =	stream.indirect.scatter.add.f32 [tilespmem:s9], [sflag:$0x1], $0x80, s18, s12, $0xb8;
	[tilespmem:$0x14800] =	vst v63  }
0xa8: {  	_ =	swait.ge [sflag:s6], $0x4000  }
0xa9: {  	[sflag:s6] =	ssyncset.done $0x0  }
0xaa: {  	[sflag:s6] =	ssyncadd.s32 $0xFFFFC000  }
0xab: {  	[spmem:s2] =	stream.indirect.scatter.add.f32 [tilespmem:s9], [sflag:$0x1], $0x80, s20, s12, $0xb8;
	[tilespmem:$0x14800] =	vst v63  }
0xac: {  	_ =	swait.ge [sflag:s6], $0x4000  }
0xad: {  	[sflag:s6] =	ssyncset.done $0x0  }
0xae: {  	[sflag:s6] =	ssyncadd.s32 $0xFFFFC000  }
0xaf: {  	[spmem:s2] =	stream.indirect.scatter.add.f32 [tilespmem:s9], [sflag:$0x1], $0x80, s22, s12, $0xb8;
	[tilespmem:$0x14800] =	vst v63  }
0xb0: {  	_ =	swait.ge [sflag:s6], $0x4000  }
0xb1: {  	[sflag:s6] =	ssyncset.done $0x0  }
0xb2: {  	[sflag:s6] =	ssyncadd.s32 $0xFFFFC000  }
0xb3: {  	[spmem:s2] =	stream.indirect.scatter.add.f32 [tilespmem:s9], [sflag:$0x1], $0x80, s24, s12, $0xb8;
	[tilespmem:$0x14800] =	vst v63  }
0xb4: {  	_ =	swait.ge [sflag:s6], $0x4000  }
0xb5: {  	[sflag:s6] =	ssyncset.done $0x0  }
0xb6: {  	[sflag:s6] =	ssyncadd.s32 $0xFFFFC000  }
0xb7: {  	[spmem:s2] =	stream.indirect.scatter.add.f32 [tilespmem:s9], [sflag:$0x1], $0x80, s26, s12, $0xb8;
	[tilespmem:$0x14800] =	vst v63  }
0xb8: {  	_ =	swait.ge [sflag:s6], $0x4000  }
0xb9: {  	[sflag:s6] =	ssyncset.done $0x0  }
0xba: {  	[sflag:s6] =	ssyncadd.s32 $0xFFFFC000  }
0xbb: {  	[spmem:s2] =	stream.indirect.scatter.add.f32 [tilespmem:s9], [sflag:$0x1], $0x80, s29, s12, $0xb8;
	[tilespmem:$0x14800] =	vst v63  }
0xbc: {  	_ =	swait.ge [sflag:s6], $0x4000  }
0xbd: {  	[sflag:s6] =	ssyncset.done $0x0  }
.Ltmp1:
0xbe: {  	[sflag:s6] =	ssyncadd.s32 $0xFFFFC000;
	(pc) =	sbr.rel @p0 .LBB2_1-.Ltmp1, $4  }
0xbf: {  	[bflag:$0x0] =	sbarrier.arrive $0xFFFF  }
0xc0: {  	[hbm:s30], [sflag:s5] =	dma.local [spmem:s7], $0x2000  }
0xc1: {  	_ =	swait.ge [sflag:s6], $0x2000  }
0xc2: {  	[sflag:s6] =	ssyncset.done $0x0  }
.LBB2_2:
0xc3: {  	[sflag:s6] =	ssyncadd.s32 $0xFFFFE000  }
0xc4: {  	_ =	sfence.sel $0x180000  }
0xc5: {  	[bflag:$0x0] =	sbarrier.arrive $0xFFFF  }
0xc6: {  	_ =	strace $0x90000047  }
0xc7: {  	s0 =	stileid.u32;
	[bflag:$0x2] =	sbarrier.arrive $0xFFFF  }
0xc8: {  	p0 =	sne.s32 s0, $0x0;
	s0 =	rddreg [dreg:$0x3]  }
0xc9: {  	s0 =	sadd.s32 @!p0 $0x100000, s0  }
0xca: {  	[sflag:s0] =	ssyncadd.tile.s32 @!p0 $0x1;
	_ =	shalt  }
.Lfunc_end2:
_tile_overlayer_lowered:
.L_overlay_start_2:
0xcb: {  	(tag) =	ssettag $0x2  }
0xcc: {  	s0 =	rddreg [dreg:$0x0];
	s2 =	stileid.u32  }
0xcd: {  	s1 =	rddreg [dreg:$0x1];
	p0 =	sne.s32 s2, $0x0  }
0xce: {  	s3 =	rddreg [dreg:$0x2];
	[bflag:$0x3] =	sbarrier.arrive $0xFFFF;
	s2 =	simm.s32 @!p0 $0x1C01  }
0xcf: {  	[timem:s3], [sflag:s2] =	dma.local @!p0 [hbm:s0], s1  }
0xd0: {  	s0 =	simm.s32 @!p0 $0x1  }
0xd1: {  	_ =	swait.ge @!p0 [sflag:s0], s1  }
0xd2: {  	s1 =	ssub.s32 @!p0 $0x0, s1;
	[sflag:s0] =	ssyncset.done @!p0 $0x0  }
0xd3: {  	[sflag:s0] =	ssyncadd.s32 @!p0 s1  }
0xd4: {  	[bflag:$0x3] =	sbarrier.arrive $0xFFFF  }
0xd5: {  	_ =	shalt  }

</sc_bundles>
